<compile_context>
chip_gen: v7x
topology: tpu7x:2x2x1
jax: 0.10.2.dev20260603
libtpu: 0.0.44.dev20260713+nightly
codegen_flags: <defaults>
</compile_context>

<pallas_src>
import functools
import math

import jax
import jax.numpy as jnp
import numpy as np
from jax import lax
from jax.experimental import pallas as pl
from jax.experimental.pallas import tpu as pltpu
from jax.experimental.pallas import tpu_sc as plsc

N, C, H, W = 2, 256, 128, 128
HW = H * W
DIM = 256
PE_DIM = 256
HEADS = 8
HEAD_DIM = DIM // HEADS
WS = 2
NWP = WS * WS
TEMP = 10000.0
SCALE = HEAD_DIM ** (-0.5)

HB = 8
BP = HB * W
NB = HW // BP

NWORK = 32
PER_W = NWP * N * HW // NWORK
CH = 128
NIT = PER_W // CH

PDEG = 10
PROWS = 16

_HI = -65536


def _pos_bias_padded():
    npf = PE_DIM // 2
    eps = 1e-6
    scale = 2 * math.pi
    emb = np.arange(WS, dtype=np.float64) / (WS - 1 + eps) * scale
    dim_t = TEMP ** (2 * (np.arange(npf) // 2) / npf)
    yy, xx = np.meshgrid(emb, emb, indexing="ij")

    def interleave(a):
        out = np.empty_like(a)
        out[..., 0::2] = np.sin(a[..., 0::2])
        out[..., 1::2] = np.cos(a[..., 1::2])
        return out

    posy = interleave(yy[..., None] / dim_t)
    posx = interleave(xx[..., None] / dim_t)
    pos = np.concatenate([posy, posx], axis=-1).reshape(NWP, PE_DIM)
    return np.concatenate([pos, np.zeros((8 - NWP, PE_DIM))], 0).astype(np.float32)


def _pe_poly():
    npf = PE_DIM // 2
    cc = 2 * math.pi / (WS + 1e-6)
    inv_t = TEMP ** (-2 * (np.arange(npf) // 2) / npf)
    u = np.linspace(0.0, 1.0, 4001)
    P = np.zeros((PROWS, npf))
    for d in range(npf):
        arg = u * cc * inv_t[d]
        f = np.sin(arg) if d % 2 == 0 else np.cos(arg)
        P[:PDEG + 1, d] = np.polyfit(u, f, PDEG)[::-1]
    return P.astype(np.float32)


_PB8 = _pos_bias_padded()
_PPE = _pe_poly()


def _pack_kv(kf, vf):
    kb = lax.bitcast_convert_type(kf, jnp.uint32)
    vb = lax.bitcast_convert_type(vf, jnp.uint32)
    kr = (kb + 0x8000) & np.uint32(0xFFFF0000)
    vr = (vb + 0x8000) >> 16
    return lax.bitcast_convert_type(kr | vr, jnp.int32)


def _proj_body(fs_ref, fl_ref, wk_ref, wv_ref, kv_ref, idx_ref):
    b_i = pl.program_id(0)
    wk = wk_ref[...].astype(jnp.bfloat16)
    wv = wv_ref[...].astype(jnp.bfloat16)
    for r in range(HB):
        fsr = fs_ref[0, :, r, :].astype(jnp.bfloat16)
        kf = lax.dot_general(fsr, wk, (((0,), (1,)), ((), ())),
                             preferred_element_type=jnp.float32)
        vf = lax.dot_general(fsr, wv, (((0,), (1,)), ((), ())),
                             preferred_element_type=jnp.float32)
        kv_ref[r] = _pack_kv(kf, vf)

    flt = lax.transpose(fl_ref[0, 0], (1, 0))
    p = b_i * BP + lax.broadcasted_iota(jnp.int32, (1, BP), 1)
    yi = p // W
    xi = p - yi * W
    gx = xi.astype(jnp.float32) + flt[0:1, :]
    gy = yi.astype(jnp.float32) + flt[1:2, :]
    x0 = jnp.floor(gx).astype(jnp.int32)
    y0 = jnp.floor(gy).astype(jnp.int32)
    rows = []
    for dy in (0, 1):
        hy = jnp.clip(y0 + dy, 0, H - 1)
        for dx in (0, 1):
            wx = jnp.clip(x0 + dx, 0, W - 1)
            rows.append(wx + W * hy)
    idx_ref[...] = jnp.concatenate(rows + rows, axis=0)


def _proj_call(feat_supp, fl, Wk, Wv, n_img):
    return pl.pallas_call(
        _proj_body,
        grid=(NB,),
        in_specs=[
            pl.BlockSpec((1, C, HB, W), lambda b: (n_img, 0, b, 0)),
            pl.BlockSpec((1, 1, BP, 2), lambda b: (n_img, b, 0, 0)),
            pl.BlockSpec((DIM, DIM), lambda b: (0, 0)),
            pl.BlockSpec((DIM, DIM), lambda b: (0, 0)),
        ],
        out_specs=[
            pl.BlockSpec((HB, W, DIM), lambda b: (b, 0, 0)),
            pl.BlockSpec((8, BP), lambda b: (0, b)),
        ],
        out_shape=[
            jax.ShapeDtypeStruct((H, W, DIM), jnp.int32),
            jax.ShapeDtypeStruct((8, HW), jnp.int32),
        ],
    )(feat_supp, fl, Wk, Wv)


def _sc_gather(table, idx8):
    mesh = plsc.VectorSubcoreMesh(core_axis_name="c", subcore_axis_name="s",
                                  num_cores=2, num_subcores=16)
    per_w = NWP * HW // NWORK
    nit = per_w // CH

    @functools.partial(
        pl.kernel,
        mesh=mesh,
        out_type=jax.ShapeDtypeStruct((NWP, HW, DIM), jnp.int32),
        scratch_types=[
            pltpu.VMEM((CH,), jnp.int32),
            pltpu.VMEM((CH,), jnp.int32),
            pltpu.VMEM((CH, DIM), jnp.int32),
            pltpu.VMEM((CH, DIM), jnp.int32),
            pltpu.SemaphoreType.DMA,
            pltpu.SemaphoreType.DMA,
        ],
    )
    def gather_kernel(table_hbm, idx_hbm, out_hbm, idx_a, idx_b, rows_a,
                      rows_b, sem_a, sem_b):
        wid = lax.axis_index("s") * 2 + lax.axis_index("c")
        j = wid // 8
        p0 = (wid - j * 8) * per_w

        pltpu.sync_copy(idx_hbm.at[j, pl.ds(p0, CH)], idx_a)
        pltpu.async_copy(table_hbm.at[idx_a], rows_a, sem_a)

        def body(i, carry):
            c0 = p0 + 2 * i * CH
            c1 = c0 + CH
            pltpu.sync_copy(idx_hbm.at[j, pl.ds(c1, CH)], idx_b)
            gb = pltpu.async_copy(table_hbm.at[idx_b], rows_b, sem_b)
            pltpu.make_async_copy(table_hbm.at[idx_a], rows_a, sem_a).wait()
            pltpu.sync_copy(rows_a, out_hbm.at[j, pl.ds(c0, CH)])

            @pl.when(i + 1 < nit // 2)
            def _():
                pltpu.sync_copy(idx_hbm.at[j, pl.ds(c1 + CH, CH)], idx_a)
                pltpu.async_copy(table_hbm.at[idx_a], rows_a, sem_a)

            gb.wait()
            pltpu.sync_copy(rows_b, out_hbm.at[j, pl.ds(c1, CH)])
            return carry

        lax.fori_loop(0, nit // 2, body, 0)

    return gather_kernel(table, idx8)


def _attn_body_impl(g_ref, fc_ref, fl_ref, pb_ref, ppe_ref, wq_ref, wk_ref,
                    wv_ref, b3_ref, out_ref):
    flt = lax.transpose(fl_ref[0, 0], (1, 0))
    ux = flt[0:1, :]
    uy = flt[1:2, :]
    ux = ux - jnp.floor(ux)
    uy = uy - jnp.floor(uy)

    def powers(u):
        ps = [jnp.ones((1, BP), jnp.float32)]
        for _ in range(PDEG):
            ps.append(ps[-1] * u)
        ps.append(jnp.zeros((PROWS - PDEG - 1, BP), jnp.float32))
        return jnp.concatenate(ps, axis=0)

    vt = jnp.concatenate([powers(uy), powers(ux)], axis=0)

    wq = wq_ref[...]
    cy = lax.dot_general(ppe_ref[...], wq[:, :PE_DIM // 2],
                         (((1,), (1,)), ((), ())),
                         preferred_element_type=jnp.float32)
    cx = lax.dot_general(ppe_ref[...], wq[:, PE_DIM // 2:],
                         (((1,), (1,)), ((), ())),
                         preferred_element_type=jnp.float32)
    c2 = jnp.concatenate([cy, cx], axis=0)

    wqb = wq.astype(jnp.bfloat16)
    qs = []
    for r in range(HB):
        fcr = fc_ref[0, :, r, :].astype(jnp.bfloat16)
        qs.append(lax.dot_general(fcr, wqb, (((0,), (1,)), ((), ())),
                                  preferred_element_type=jnp.float32))
    q = jnp.concatenate(qs, axis=0)
    q = q + lax.dot_general(vt, c2, (((0,), (0,)), ((), ())),
                            preferred_element_type=jnp.float32)
    q = (q + b3_ref[0:1, :]) * SCALE

    kpe = lax.dot_general(pb_ref[...], wk_ref[...], (((1,), (1,)), ((), ())),
                          preferred_element_type=jnp.float32) + b3_ref[1:2, :]
    vpe = lax.dot_general(pb_ref[...], wv_ref[...], (((1,), (1,)), ((), ())),
                          preferred_element_type=jnp.float32) + b3_ref[2:3, :]

    hsel = (lax.broadcasted_iota(jnp.int32, (DIM, HEADS), 0) // HEAD_DIM ==
            lax.broadcasted_iota(jnp.int32, (DIM, HEADS), 1))
    m = hsel.astype(jnp.float32)
    mb = hsel.astype(jnp.bfloat16)

    gs = [g_ref[j] for j in range(NWP)]
    logits = []
    for j in range(NWP):
        kj = lax.bitcast_convert_type(gs[j], jnp.float32) + kpe[j:j + 1, :]
        logits.append(lax.dot_general((q * kj).astype(jnp.bfloat16), mb,
                                      (((1,), (0,)), ((), ())),
                                      preferred_element_type=jnp.float32))
    mx = jnp.maximum(jnp.maximum(logits[0], logits[1]),
                     jnp.maximum(logits[2], logits[3]))
    es = [jnp.exp(l - mx) for l in logits]
    inv = 1.0 / (es[0] + es[1] + es[2] + es[3])
    acc = jnp.zeros((BP, DIM), jnp.float32)
    for j in range(NWP):
        wj = es[j] * inv
        wb = lax.dot_general(wj, m, (((1,), (1,)), ((), ())),
                             preferred_element_type=jnp.float32)
        vj = lax.bitcast_convert_type(gs[j] << 16, jnp.float32) + vpe[j:j + 1, :]
        acc = acc + wb * vj
    acct = lax.transpose(acc, (1, 0))
    for r in range(HB):
        out_ref[0, :, r, :] = acct[:, r * W:(r + 1) * W]


def _attn_call(g3, fc, fl, pb8, ppe, Wq, Wk, Wv, b3, n_img, buf=None):
    in_specs = [
        pl.BlockSpec((NWP, BP, DIM), lambda b: (0, b, 0)),
        pl.BlockSpec((1, C, HB, W), lambda b: (n_img, 0, b, 0)),
        pl.BlockSpec((1, 1, BP, 2), lambda b: (n_img, b, 0, 0)),
        pl.BlockSpec((8, PE_DIM), lambda b: (0, 0)),
        pl.BlockSpec((PROWS, PE_DIM // 2), lambda b: (0, 0)),
        pl.BlockSpec((DIM, DIM), lambda b: (0, 0)),
        pl.BlockSpec((DIM, DIM), lambda b: (0, 0)),
        pl.BlockSpec((DIM, DIM), lambda b: (0, 0)),
        pl.BlockSpec((8, DIM), lambda b: (0, 0)),
    ]
    args = (g3, fc, fl, pb8, ppe, Wq, Wk, Wv, b3)
    if buf is None:
        body = _attn_body_impl
        aliases = {}
    else:
        def body(buf_ref, *refs):
            _attn_body_impl(*refs)
        in_specs = [pl.BlockSpec(memory_space=pl.ANY)] + in_specs
        args = (buf,) + args
        aliases = {0: 0}
    return pl.pallas_call(
        body,
        grid=(NB,),
        in_specs=in_specs,
        out_specs=pl.BlockSpec((1, DIM, HB, W), lambda b: (n_img, 0, b, 0)),
        out_shape=jax.ShapeDtypeStruct((N, DIM, H, W), jnp.float32),
        input_output_aliases=aliases,
    )(*args)


def kernel(feat_supp, feat_curr, flow, Wq, bq, Wk, bk, Wv, bv):
    fl = flow.reshape(N, NB, BP, 2)
    b3 = jnp.concatenate(
        [bq[None], bk[None], bv[None], jnp.zeros((5, DIM), jnp.float32)], 0)
    pb8 = jnp.asarray(_PB8)
    ppe = jnp.asarray(_PPE)

    kv0, idx0 = _proj_call(feat_supp, fl, Wk, Wv, 0)
    g0 = _sc_gather(kv0.reshape(HW, DIM), idx0)
    kv1, idx1 = _proj_call(feat_supp, fl, Wk, Wv, 1)
    g1 = _sc_gather(kv1.reshape(HW, DIM), idx1)

    buf = _attn_call(g0, feat_curr, fl, pb8, ppe, Wq, Wk, Wv, b3, 0)
    return _attn_call(g1, feat_curr, fl, pb8, ppe, Wq, Wk, Wv, b3, 1, buf=buf)

# --- scband reference (transcript-rebuilt; emitter-appended) ---
"""Pipeline reference for scband-implicit-warp-module-46042049413501 (READ-ONLY COPY).

The authoritative reference and input builder live on the scoring server;
editing this copy changes nothing except your own understanding.
"""

import math
import jax, jax.numpy as jnp
import numpy as np

N, C, H, W = 2, 256, 128, 128
DIM = 256
PE_DIM = 256
HEADS = 8
WS = 2
TEMP = 10000.0


def sine_pe_window(HW, num_pos_feats, temperature):
    scale = 2 * math.pi
    eps = 1e-06
    not_mask = jnp.ones((1, HW[0], HW[1]), jnp.float32)
    y_embed = jnp.cumsum(not_mask, axis=1) - 1
    x_embed = jnp.cumsum(not_mask, axis=2) - 1
    y_embed = y_embed / (y_embed[:, -1:, :] + eps) * scale
    x_embed = x_embed / (x_embed[:, :, -1:] + eps) * scale
    dim_t = jnp.arange(num_pos_feats, dtype=jnp.float32)
    dim_t = temperature ** (2 * jnp.floor(dim_t / 2) / num_pos_feats)
    pos_x = x_embed[:, :, :, None] / dim_t
    pos_y = y_embed[:, :, :, None] / dim_t
    pos_x = jnp.stack((jnp.sin(pos_x[:, :, :, 0::2]), jnp.cos(pos_x[:, :, :, 1::2])), axis=4).reshape(1, HW[0], HW[1], -1)
    pos_y = jnp.stack((jnp.sin(pos_y[:, :, :, 0::2]), jnp.cos(pos_y[:, :, :, 1::2])), axis=4).reshape(1, HW[0], HW[1], -1)
    pos = jnp.concatenate((pos_y, pos_x), axis=3)
    return pos.reshape(1, HW[0] * HW[1], 2 * num_pos_feats)


def sine_pe_points(points, num_pos_feats, temperature, window_size):
    scale = 2 * math.pi
    eps = 1e-06
    y = points[:, :, 0] / (window_size[0] + eps) * scale
    x = points[:, :, 1] / (window_size[1] + eps) * scale
    dim_t = jnp.arange(num_pos_feats, dtype=jnp.float32)
    dim_t = temperature ** (2 * jnp.floor(dim_t / 2) / num_pos_feats)
    px = x[:, :, None] / dim_t
    py = y[:, :, None] / dim_t
    px = jnp.stack((jnp.sin(px[:, :, 0::2]), jnp.cos(px[:, :, 1::2])), axis=3).reshape(points.shape[0], points.shape[1], -1)
    py = jnp.stack((jnp.sin(py[:, :, 0::2]), jnp.cos(py[:, :, 1::2])), axis=3).reshape(points.shape[0], points.shape[1], -1)
    return jnp.concatenate((py, px), axis=2)


def setup_inputs(seed: int = 0) -> dict:
    key = jax.random.key(seed)
    ks = jax.random.split(key, 9)
    feat_supp = jax.random.normal(ks[0], (N, C, H, W), jnp.float32)
    feat_curr = jax.random.normal(ks[1], (N, C, H, W), jnp.float32)
    flow = jax.random.normal(ks[2], (N, H, W, 2), jnp.float32)
    Wq = jax.random.normal(ks[3], (DIM, PE_DIM), jnp.float32) * 0.02
    bq = jnp.zeros((DIM,), jnp.float32)
    Wk = jax.random.normal(ks[4], (DIM, PE_DIM), jnp.float32) * 0.02
    bk = jnp.zeros((DIM,), jnp.float32)
    Wv = jax.random.normal(ks[5], (DIM, PE_DIM), jnp.float32) * 0.02
    bv = jnp.zeros((DIM,), jnp.float32)
    return {"feat_supp": feat_supp, "feat_curr": feat_curr, "flow": flow, "Wq": Wq, "bq": bq, "Wk": Wk, "bk": bk, "Wv": Wv, "bv": bv}


def reference(feat_supp, feat_curr, flow, Wq, bq, Wk, bk, Wv, bv):
    n, c, h, w = feat_supp.shape
    nwp = WS * WS
    head_dim = DIM // HEADS
    scale = head_dim ** (-0.5)
    window_idx_offset = jnp.stack(jnp.meshgrid(jnp.arange(WS), jnp.arange(WS), indexing='ij'), axis=2).reshape(nwp, 2)
    image_idx_offset = jnp.stack(jnp.meshgrid(jnp.arange(h), jnp.arange(w), indexing='ij'), axis=2)
    position_bias = sine_pe_window((WS, WS), PE_DIM // 2, TEMP)
    grid_full = image_idx_offset[None].astype(jnp.float32) + flow[..., ::-1]
    grid_int = jnp.floor(grid_full).astype(jnp.int32)
    grid_dec = grid_full - grid_int.astype(jnp.float32)
    grid_int = grid_int.reshape(n, h * w, 2)
    grid_dec = grid_dec.reshape(n, h * w, 2)
    grid_win = (grid_int[:, :, None, :] + window_idx_offset[None, None].astype(jnp.int32)).reshape(n, -1, 2)
    h_idx = jnp.clip(grid_win[:, :, 0], 0, h - 1)
    w_idx = jnp.clip(grid_win[:, :, 1], 0, w - 1)
    lin_idx = w_idx + w * h_idx
    feat_flat = feat_supp.reshape(n, c, h * w)
    idx = jnp.broadcast_to(lin_idx[:, None, :], (n, c, lin_idx.shape[1]))
    gathered = jnp.take_along_axis(feat_flat, idx, axis=2)
    feat_warp = jnp.transpose(gathered, (0, 2, 1))
    pe_warp = jnp.tile(position_bias, (n, h * w, 1))
    feat_warp = jnp.tile(feat_warp, (1, 1, PE_DIM // c)) + pe_warp
    feat_c = jnp.transpose(feat_curr.reshape(n, c, h * w), (0, 2, 1))
    pe_curr = sine_pe_points(grid_dec, PE_DIM // 2, TEMP, (WS, WS))
    feat_c = jnp.tile(feat_c, (1, 1, PE_DIM // c)) + pe_curr
    nhw = n * h * w
    k_ = (feat_warp @ Wk.T + bk).reshape(nhw, nwp, HEADS, head_dim).transpose(0, 2, 1, 3)
    v_ = (feat_warp @ Wv.T + bv).reshape(nhw, nwp, HEADS, head_dim).transpose(0, 2, 1, 3)
    q_ = (feat_c @ Wq.T + bq).reshape(nhw, 1, HEADS, head_dim).transpose(0, 2, 1, 3)
    attn = (q_ * scale) @ jnp.swapaxes(k_, -2, -1)
    attn = jax.nn.softmax(attn, axis=-1)
    out = (attn @ v_).transpose(0, 2, 1, 3).reshape(nhw, DIM)
    return out.reshape(n, h, w, DIM).transpose(0, 3, 1, 2)

if __name__ == "__main__":
    import jax
    _d = setup_inputs()
    print(jax.jit(kernel)(*tuple(_d.values())))

</pallas_src>

<mosaic_0001>
#map = affine_map<(d0, d1) -> (0, 0)>
#map1 = affine_map<(d0, d1) -> (0, 0, 0)>
module attributes {stable_mosaic.version = 14 : i64} {
  func.func @gather_kernel(%arg0: i32, %arg1: i32, %arg2: memref<16384x256xi32, #tpu.memory_space<hbm>>, %arg3: memref<8x16384xi32, #tpu.memory_space<hbm>>, %arg4: memref<4x16384x256xi32, #tpu.memory_space<hbm>>, %arg5: memref<128xi32, #tpu.memory_space<vmem>>, %arg6: memref<128xi32, #tpu.memory_space<vmem>>, %arg7: memref<128x256xi32, #tpu.memory_space<vmem>>, %arg8: memref<128x256xi32, #tpu.memory_space<vmem>>, %arg9: memref<!tpu.dma_semaphore, #tpu.memory_space<semaphore_mem>>, %arg10: memref<!tpu.dma_semaphore, #tpu.memory_space<semaphore_mem>>) attributes {dimension_semantics = [#tpu.dimension_semantics<core_parallel>, #tpu.dimension_semantics<subcore_parallel>], iteration_bounds = array<i64: 2, 16>, scalar_prefetch = 0 : i64, scratch_operands = 6 : i64, tpu.core_type = #tpu.core_type<sc_vector_subcore>, window_params = [{transform_indices = #map}, {transform_indices = #map}, {transform_indices = #map1}]} {
    %mul3A = arith.constant 2 : i32
    %mul3A_0 = arith.muli %arg1, %mul3A : i32
    %add3A = arith.addi %mul3A_0, %arg0 : i32
    %jit3A = arith.constant 8 : i32
    %div3A = arith.divsi %add3A, %jit3A : i32
    %sign3A = arith.constant 0 : i32
    %sign3A_1 = arith.cmpi sgt, %add3A, %sign3A : i32
    %sign3A_2 = arith.extui %sign3A_1 : i1 to i32
    %sign3A_3 = arith.constant 0 : i32
    %sign3A_4 = arith.cmpi slt, %add3A, %sign3A_3 : i32
    %sign3A_5 = arith.extui %sign3A_4 : i1 to i32
    %sign3A_6 = arith.subi %sign3A_2, %sign3A_5 : i32
    %sign3A_7 = arith.constant 0 : i32
    %sign3A_8 = arith.cmpi sgt, %jit3A, %sign3A_7 : i32
    %sign3A_9 = arith.extui %sign3A_8 : i1 to i32
    %sign3A_10 = arith.constant 0 : i32
    %sign3A_11 = arith.cmpi slt, %jit3A, %sign3A_10 : i32
    %sign3A_12 = arith.extui %sign3A_11 : i1 to i32
    %sign3A_13 = arith.subi %sign3A_9, %sign3A_12 : i32
    %ne3A = arith.cmpi ne, %sign3A_6, %sign3A_13 : i32
    %rem3A = arith.remsi %add3A, %jit3A : i32
    %ne3A_14 = arith.constant 0 : i32
    %ne3A_15 = arith.cmpi ne, %rem3A, %ne3A_14 : i32
    %and3A = arith.andi %ne3A, %ne3A_15 : i1
    %sub3A = arith.constant 1 : i32
    %sub3A_16 = arith.subi %div3A, %sub3A : i32
    %select_n3A = arith.select %and3A, %sub3A_16, %div3A : i32
    %mul3A_17 = arith.constant 8 : i32
    %mul3A_18 = arith.muli %select_n3A, %mul3A_17 : i32
    %sub3A_19 = arith.subi %add3A, %mul3A_18 : i32
    %mul3A_20 = arith.constant 2048 : i32
    %mul3A_21 = arith.muli %sub3A_19, %mul3A_20 : i32
    "tpu.region"() ({
      %run_scoped3A = tpu.sem_alloc : memref<!tpu.dma_semaphore, #tpu.memory_space<semaphore_mem>>
      %dma_start3A_29 = tpu.memref_slice %arg3[%select_n3A, %mul3A_21] : memref<8x16384xi32, #tpu.memory_space<hbm>> -> memref<1x128xi32, #tpu.memory_space<hbm>>
      %dma_start3A_30 = tpu.memref_squeeze %dma_start3A_29 : memref<1x128xi32, #tpu.memory_space<hbm>> -> memref<128xi32, #tpu.memory_space<hbm>>
      %dma_start3A_31 = tpu.memref_slice %arg3[%select_n3A, %mul3A_21] : memref<8x16384xi32, #tpu.memory_space<hbm>> -> memref<1x128xi32, #tpu.memory_space<hbm>>
      %dma_start3A_32 = tpu.memref_squeeze %dma_start3A_31 : memref<1x128xi32, #tpu.memory_space<hbm>> -> memref<128xi32, #tpu.memory_space<hbm>>
      tpu.enqueue_dma source(%dma_start3A_32 : memref<128xi32, #tpu.memory_space<hbm>>) target(%arg5 : memref<128xi32, #tpu.memory_space<vmem>>) target_semaphore(%run_scoped3A : memref<!tpu.dma_semaphore, #tpu.memory_space<semaphore_mem>>)
      %dma_wait3A = tpu.memref_slice %arg3[%select_n3A, %mul3A_21] : memref<8x16384xi32, #tpu.memory_space<hbm>> -> memref<1x128xi32, #tpu.memory_space<hbm>>
      %dma_wait3A_33 = tpu.memref_squeeze %dma_wait3A : memref<1x128xi32, #tpu.memory_space<hbm>> -> memref<128xi32, #tpu.memory_space<hbm>>
      %dma_wait3A_34 = tpu.memref_slice %arg3[%select_n3A, %mul3A_21] : memref<8x16384xi32, #tpu.memory_space<hbm>> -> memref<1x128xi32, #tpu.memory_space<hbm>>
      %dma_wait3A_35 = tpu.memref_squeeze %dma_wait3A_34 : memref<1x128xi32, #tpu.memory_space<hbm>> -> memref<128xi32, #tpu.memory_space<hbm>>
      tpu.wait_dma2 semaphore(%run_scoped3A : memref<!tpu.dma_semaphore, #tpu.memory_space<semaphore_mem>>) src(%dma_wait3A_35 : memref<128xi32, #tpu.memory_space<hbm>>) dst(%arg5 : memref<128xi32, #tpu.memory_space<vmem>>)
      tpu.yield
    }) : () -> ()
    %dma_start3A = arith.constant 0 : i32
    %dma_start3A_22 = arith.constant 0 : i32
    %dma_start3A_23 = tpu.memref_slice %arg2[%dma_start3A, %dma_start3A_22] : memref<16384x256xi32, #tpu.memory_space<hbm>> -> memref<16384x256xi32, #tpu.memory_space<hbm>>
    tpu.enqueue_indirect_dma source(%dma_start3A_23 : memref<16384x256xi32, #tpu.memory_space<hbm>>) target(%arg7 : memref<128x256xi32, #tpu.memory_space<vmem>>) offsets(%arg5 : memref<128xi32, #tpu.memory_space<vmem>>) semaphore(%arg9 : memref<!tpu.dma_semaphore, #tpu.memory_space<semaphore_mem>>)
    %scan3A = arith.constant 0 : i32
    %scan3A_24 = arith.constant 0 : i32
    %scan3A_25 = arith.constant 8 : i32
    %scan3A_26 = arith.addi %scan3A_24, %scan3A_25 : i32
    %scan3A_27 = arith.constant 1 : i32
    scf.for %scan3A_29 = %scan3A_24 to %scan3A_26 step %scan3A_27  : i32 {
      %mul3A_30 = arith.constant 2 : i32
      %mul3A_31 = arith.muli %mul3A_30, %scan3A_29 : i32
      %mul3A_32 = arith.constant 128 : i32
      %mul3A_33 = arith.muli %mul3A_31, %mul3A_32 : i32
      %add3A_34 = arith.addi %mul3A_21, %mul3A_33 : i32
      %add3A_35 = arith.constant 128 : i32
      %add3A_36 = arith.addi %add3A_34, %add3A_35 : i32
      "tpu.region"() ({
        %run_scoped3A = tpu.sem_alloc : memref<!tpu.dma_semaphore, #tpu.memory_space<semaphore_mem>>
        %dma_start3A_49 = tpu.memref_slice %arg3[%select_n3A, %add3A_36] : memref<8x16384xi32, #tpu.memory_space<hbm>> -> memref<1x128xi32, #tpu.memory_space<hbm>>
        %dma_start3A_50 = tpu.memref_squeeze %dma_start3A_49 : memref<1x128xi32, #tpu.memory_space<hbm>> -> memref<128xi32, #tpu.memory_space<hbm>>
        %dma_start3A_51 = tpu.memref_slice %arg3[%select_n3A, %add3A_36] : memref<8x16384xi32, #tpu.memory_space<hbm>> -> memref<1x128xi32, #tpu.memory_space<hbm>>
        %dma_start3A_52 = tpu.memref_squeeze %dma_start3A_51 : memref<1x128xi32, #tpu.memory_space<hbm>> -> memref<128xi32, #tpu.memory_space<hbm>>
        tpu.enqueue_dma source(%dma_start3A_52 : memref<128xi32, #tpu.memory_space<hbm>>) target(%arg6 : memref<128xi32, #tpu.memory_space<vmem>>) target_semaphore(%run_scoped3A : memref<!tpu.dma_semaphore, #tpu.memory_space<semaphore_mem>>)
        %dma_wait3A_53 = tpu.memref_slice %arg3[%select_n3A, %add3A_36] : memref<8x16384xi32, #tpu.memory_space<hbm>> -> memref<1x128xi32, #tpu.memory_space<hbm>>
        %dma_wait3A_54 = tpu.memref_squeeze %dma_wait3A_53 : memref<1x128xi32, #tpu.memory_space<hbm>> -> memref<128xi32, #tpu.memory_space<hbm>>
        %dma_wait3A_55 = tpu.memref_slice %arg3[%select_n3A, %add3A_36] : memref<8x16384xi32, #tpu.memory_space<hbm>> -> memref<1x128xi32, #tpu.memory_space<hbm>>
        %dma_wait3A_56 = tpu.memref_squeeze %dma_wait3A_55 : memref<1x128xi32, #tpu.memory_space<hbm>> -> memref<128xi32, #tpu.memory_space<hbm>>
        tpu.wait_dma2 semaphore(%run_scoped3A : memref<!tpu.dma_semaphore, #tpu.memory_space<semaphore_mem>>) src(%dma_wait3A_56 : memref<128xi32, #tpu.memory_space<hbm>>) dst(%arg6 : memref<128xi32, #tpu.memory_space<vmem>>)
        tpu.yield
      }) : () -> ()
      %dma_start3A_37 = arith.constant 0 : i32
      %dma_start3A_38 = arith.constant 0 : i32
      %dma_start3A_39 = tpu.memref_slice %arg2[%dma_start3A_37, %dma_start3A_38] : memref<16384x256xi32, #tpu.memory_space<hbm>> -> memref<16384x256xi32, #tpu.memory_space<hbm>>
      tpu.enqueue_indirect_dma source(%dma_start3A_39 : memref<16384x256xi32, #tpu.memory_space<hbm>>) target(%arg8 : memref<128x256xi32, #tpu.memory_space<vmem>>) offsets(%arg6 : memref<128xi32, #tpu.memory_space<vmem>>) semaphore(%arg10 : memref<!tpu.dma_semaphore, #tpu.memory_space<semaphore_mem>>)
      %dma_wait3A = arith.constant 0 : i32
      %dma_wait3A_40 = arith.constant 0 : i32
      %dma_wait3A_41 = tpu.memref_slice %arg2[%dma_wait3A, %dma_wait3A_40] : memref<16384x256xi32, #tpu.memory_space<hbm>> -> memref<16384x256xi32, #tpu.memory_space<hbm>>
      tpu.wait_indirect_dma semaphore(%arg9 : memref<!tpu.dma_semaphore, #tpu.memory_space<semaphore_mem>>) src(%dma_wait3A_41 : memref<16384x256xi32, #tpu.memory_space<hbm>>) dst(%arg7 : memref<128x256xi32, #tpu.memory_space<vmem>>)
      "tpu.region"() ({
        %run_scoped3A = tpu.sem_alloc : memref<!tpu.dma_semaphore, #tpu.memory_space<semaphore_mem>>
        %dma_start3A_49 = arith.constant 0 : i32
        %dma_start3A_50 = tpu.memref_slice %arg4[%select_n3A, %add3A_34, %dma_start3A_49] : memref<4x16384x256xi32, #tpu.memory_space<hbm>> -> memref<1x128x256xi32, #tpu.memory_space<hbm>>
        %dma_start3A_51 = tpu.memref_squeeze %dma_start3A_50 : memref<1x128x256xi32, #tpu.memory_space<hbm>> -> memref<128x256xi32, #tpu.memory_space<hbm>>
        %dma_start3A_52 = arith.constant 0 : i32
        %dma_start3A_53 = tpu.memref_slice %arg4[%select_n3A, %add3A_34, %dma_start3A_52] : memref<4x16384x256xi32, #tpu.memory_space<hbm>> -> memref<1x128x256xi32, #tpu.memory_space<hbm>>
        %dma_start3A_54 = tpu.memref_squeeze %dma_start3A_53 : memref<1x128x256xi32, #tpu.memory_space<hbm>> -> memref<128x256xi32, #tpu.memory_space<hbm>>
        tpu.enqueue_dma source(%arg7 : memref<128x256xi32, #tpu.memory_space<vmem>>) target(%dma_start3A_54 : memref<128x256xi32, #tpu.memory_space<hbm>>) target_semaphore(%run_scoped3A : memref<!tpu.dma_semaphore, #tpu.memory_space<semaphore_mem>>)
        %dma_wait3A_55 = arith.constant 0 : i32
        %dma_wait3A_56 = tpu.memref_slice %arg4[%select_n3A, %add3A_34, %dma_wait3A_55] : memref<4x16384x256xi32, #tpu.memory_space<hbm>> -> memref<1x128x256xi32, #tpu.memory_space<hbm>>
        %dma_wait3A_57 = tpu.memref_squeeze %dma_wait3A_56 : memref<1x128x256xi32, #tpu.memory_space<hbm>> -> memref<128x256xi32, #tpu.memory_space<hbm>>
        %dma_wait3A_58 = arith.constant 0 : i32
        %dma_wait3A_59 = tpu.memref_slice %arg4[%select_n3A, %add3A_34, %dma_wait3A_58] : memref<4x16384x256xi32, #tpu.memory_space<hbm>> -> memref<1x128x256xi32, #tpu.memory_space<hbm>>
        %dma_wait3A_60 = tpu.memref_squeeze %dma_wait3A_59 : memref<1x128x256xi32, #tpu.memory_space<hbm>> -> memref<128x256xi32, #tpu.memory_space<hbm>>
        tpu.wait_dma2 semaphore(%run_scoped3A : memref<!tpu.dma_semaphore, #tpu.memory_space<semaphore_mem>>) src(%arg7 : memref<128x256xi32, #tpu.memory_space<vmem>>) dst(%dma_wait3A_60 : memref<128x256xi32, #tpu.memory_space<hbm>>)
        tpu.yield
      }) : () -> ()
      %add3A_42 = arith.constant 1 : i32
      %add3A_43 = arith.addi %scan3A_29, %add3A_42 : i32
      %lt3A = arith.constant 8 : i32
      %lt3A_44 = arith.cmpi slt, %add3A_43, %lt3A : i32
      %convert_element_type3A = arith.extui %lt3A_44 : i1 to i32
      %cond3A = arith.constant 0 : i32
      %cond3A_45 = arith.cmpi ne, %convert_element_type3A, %cond3A : i32
      scf.if %cond3A_45 {
        %add3A_49 = arith.constant 128 : i32
        %add3A_50 = arith.addi %add3A_36, %add3A_49 : i32
        "tpu.region"() ({
          %run_scoped3A = tpu.sem_alloc : memref<!tpu.dma_semaphore, #tpu.memory_space<semaphore_mem>>
          %dma_start3A_54 = tpu.memref_slice %arg3[%select_n3A, %add3A_50] : memref<8x16384xi32, #tpu.memory_space<hbm>> -> memref<1x128xi32, #tpu.memory_space<hbm>>
          %dma_start3A_55 = tpu.memref_squeeze %dma_start3A_54 : memref<1x128xi32, #tpu.memory_space<hbm>> -> memref<128xi32, #tpu.memory_space<hbm>>
          %dma_start3A_56 = tpu.memref_slice %arg3[%select_n3A, %add3A_50] : memref<8x16384xi32, #tpu.memory_space<hbm>> -> memref<1x128xi32, #tpu.memory_space<hbm>>
          %dma_start3A_57 = tpu.memref_squeeze %dma_start3A_56 : memref<1x128xi32, #tpu.memory_space<hbm>> -> memref<128xi32, #tpu.memory_space<hbm>>
          tpu.enqueue_dma source(%dma_start3A_57 : memref<128xi32, #tpu.memory_space<hbm>>) target(%arg5 : memref<128xi32, #tpu.memory_space<vmem>>) target_semaphore(%run_scoped3A : memref<!tpu.dma_semaphore, #tpu.memory_space<semaphore_mem>>)
          %dma_wait3A_58 = tpu.memref_slice %arg3[%select_n3A, %add3A_50] : memref<8x16384xi32, #tpu.memory_space<hbm>> -> memref<1x128xi32, #tpu.memory_space<hbm>>
          %dma_wait3A_59 = tpu.memref_squeeze %dma_wait3A_58 : memref<1x128xi32, #tpu.memory_space<hbm>> -> memref<128xi32, #tpu.memory_space<hbm>>
          %dma_wait3A_60 = tpu.memref_slice %arg3[%select_n3A, %add3A_50] : memref<8x16384xi32, #tpu.memory_space<hbm>> -> memref<1x128xi32, #tpu.memory_space<hbm>>
          %dma_wait3A_61 = tpu.memref_squeeze %dma_wait3A_60 : memref<1x128xi32, #tpu.memory_space<hbm>> -> memref<128xi32, #tpu.memory_space<hbm>>
          tpu.wait_dma2 semaphore(%run_scoped3A : memref<!tpu.dma_semaphore, #tpu.memory_space<semaphore_mem>>) src(%dma_wait3A_61 : memref<128xi32, #tpu.memory_space<hbm>>) dst(%arg5 : memref<128xi32, #tpu.memory_space<vmem>>)
          tpu.yield
        }) : () -> ()
        %dma_start3A_51 = arith.constant 0 : i32
        %dma_start3A_52 = arith.constant 0 : i32
        %dma_start3A_53 = tpu.memref_slice %arg2[%dma_start3A_51, %dma_start3A_52] : memref<16384x256xi32, #tpu.memory_space<hbm>> -> memref<16384x256xi32, #tpu.memory_space<hbm>>
        tpu.enqueue_indirect_dma source(%dma_start3A_53 : memref<16384x256xi32, #tpu.memory_space<hbm>>) target(%arg7 : memref<128x256xi32, #tpu.memory_space<vmem>>) offsets(%arg5 : memref<128xi32, #tpu.memory_space<vmem>>) semaphore(%arg9 : memref<!tpu.dma_semaphore, #tpu.memory_space<semaphore_mem>>)
      } else {
      }
      %dma_wait3A_46 = arith.constant 0 : i32
      %dma_wait3A_47 = arith.constant 0 : i32
      %dma_wait3A_48 = tpu.memref_slice %arg2[%dma_wait3A_46, %dma_wait3A_47] : memref<16384x256xi32, #tpu.memory_space<hbm>> -> memref<16384x256xi32, #tpu.memory_space<hbm>>
      tpu.wait_indirect_dma semaphore(%arg10 : memref<!tpu.dma_semaphore, #tpu.memory_space<semaphore_mem>>) src(%dma_wait3A_48 : memref<16384x256xi32, #tpu.memory_space<hbm>>) dst(%arg8 : memref<128x256xi32, #tpu.memory_space<vmem>>)
      "tpu.region"() ({
        %run_scoped3A = tpu.sem_alloc : memref<!tpu.dma_semaphore, #tpu.memory_space<semaphore_mem>>
        %dma_start3A_49 = arith.constant 0 : i32
        %dma_start3A_50 = tpu.memref_slice %arg4[%select_n3A, %add3A_36, %dma_start3A_49] : memref<4x16384x256xi32, #tpu.memory_space<hbm>> -> memref<1x128x256xi32, #tpu.memory_space<hbm>>
        %dma_start3A_51 = tpu.memref_squeeze %dma_start3A_50 : memref<1x128x256xi32, #tpu.memory_space<hbm>> -> memref<128x256xi32, #tpu.memory_space<hbm>>
        %dma_start3A_52 = arith.constant 0 : i32
        %dma_start3A_53 = tpu.memref_slice %arg4[%select_n3A, %add3A_36, %dma_start3A_52] : memref<4x16384x256xi32, #tpu.memory_space<hbm>> -> memref<1x128x256xi32, #tpu.memory_space<hbm>>
        %dma_start3A_54 = tpu.memref_squeeze %dma_start3A_53 : memref<1x128x256xi32, #tpu.memory_space<hbm>> -> memref<128x256xi32, #tpu.memory_space<hbm>>
        tpu.enqueue_dma source(%arg8 : memref<128x256xi32, #tpu.memory_space<vmem>>) target(%dma_start3A_54 : memref<128x256xi32, #tpu.memory_space<hbm>>) target_semaphore(%run_scoped3A : memref<!tpu.dma_semaphore, #tpu.memory_space<semaphore_mem>>)
        %dma_wait3A_55 = arith.constant 0 : i32
        %dma_wait3A_56 = tpu.memref_slice %arg4[%select_n3A, %add3A_36, %dma_wait3A_55] : memref<4x16384x256xi32, #tpu.memory_space<hbm>> -> memref<1x128x256xi32, #tpu.memory_space<hbm>>
        %dma_wait3A_57 = tpu.memref_squeeze %dma_wait3A_56 : memref<1x128x256xi32, #tpu.memory_space<hbm>> -> memref<128x256xi32, #tpu.memory_space<hbm>>
        %dma_wait3A_58 = arith.constant 0 : i32
        %dma_wait3A_59 = tpu.memref_slice %arg4[%select_n3A, %add3A_36, %dma_wait3A_58] : memref<4x16384x256xi32, #tpu.memory_space<hbm>> -> memref<1x128x256xi32, #tpu.memory_space<hbm>>
        %dma_wait3A_60 = tpu.memref_squeeze %dma_wait3A_59 : memref<1x128x256xi32, #tpu.memory_space<hbm>> -> memref<128x256xi32, #tpu.memory_space<hbm>>
        tpu.wait_dma2 semaphore(%run_scoped3A : memref<!tpu.dma_semaphore, #tpu.memory_space<semaphore_mem>>) src(%arg8 : memref<128x256xi32, #tpu.memory_space<vmem>>) dst(%dma_wait3A_60 : memref<128x256xi32, #tpu.memory_space<hbm>>)
        tpu.yield
      }) : () -> ()
    }
    %scan3A_28 = arith.constant 8 : i32
    return
  }
}

#map = affine_map<(d0, d1) -> (0, 0)>
#map1 = affine_map<(d0, d1) -> (0, 0, 0)>
module attributes {stable_mosaic.version = 14 : i64} {
  func.func @gather_kernel(%arg0: i32, %arg1: i32, %arg2: memref<16384x256xi32, #tpu.memory_space<hbm>>, %arg3: memref<8x16384xi32, #tpu.memory_space<hbm>>, %arg4: memref<4x16384x256xi32, #tpu.memory_space<hbm>>, %arg5: memref<128xi32, #tpu.memory_space<vmem>>, %arg6: memref<128xi32, #tpu.memory_space<vmem>>, %arg7: memref<128x256xi32, #tpu.memory_space<vmem>>, %arg8: memref<128x256xi32, #tpu.memory_space<vmem>>, %arg9: memref<!tpu.dma_semaphore, #tpu.memory_space<semaphore_mem>>, %arg10: memref<!tpu.dma_semaphore, #tpu.memory_space<semaphore_mem>>) attributes {dimension_semantics = [#tpu.dimension_semantics<core_parallel>, #tpu.dimension_semantics<subcore_parallel>], iteration_bounds = array<i64: 2, 16>, scalar_prefetch = 0 : i64, scratch_operands = 6 : i64, tpu.core_type = #tpu.core_type<sc_vector_subcore>, window_params = [{transform_indices = #map}, {transform_indices = #map}, {transform_indices = #map1}]} {
    %mul3A = arith.constant 2 : i32
    %mul3A_0 = arith.muli %arg1, %mul3A : i32
    %add3A = arith.addi %mul3A_0, %arg0 : i32
    %jit3A = arith.constant 8 : i32
    %div3A = arith.divsi %add3A, %jit3A : i32
    %sign3A = arith.constant 0 : i32
    %sign3A_1 = arith.cmpi sgt, %add3A, %sign3A : i32
    %sign3A_2 = arith.extui %sign3A_1 : i1 to i32
    %sign3A_3 = arith.constant 0 : i32
    %sign3A_4 = arith.cmpi slt, %add3A, %sign3A_3 : i32
    %sign3A_5 = arith.extui %sign3A_4 : i1 to i32
    %sign3A_6 = arith.subi %sign3A_2, %sign3A_5 : i32
    %sign3A_7 = arith.constant 0 : i32
    %sign3A_8 = arith.cmpi sgt, %jit3A, %sign3A_7 : i32
    %sign3A_9 = arith.extui %sign3A_8 : i1 to i32
    %sign3A_10 = arith.constant 0 : i32
    %sign3A_11 = arith.cmpi slt, %jit3A, %sign3A_10 : i32
    %sign3A_12 = arith.extui %sign3A_11 : i1 to i32
    %sign3A_13 = arith.subi %sign3A_9, %sign3A_12 : i32
    %ne3A = arith.cmpi ne, %sign3A_6, %sign3A_13 : i32
    %rem3A = arith.remsi %add3A, %jit3A : i32
    %ne3A_14 = arith.constant 0 : i32
    %ne3A_15 = arith.cmpi ne, %rem3A, %ne3A_14 : i32
    %and3A = arith.andi %ne3A, %ne3A_15 : i1
    %sub3A = arith.constant 1 : i32
    %sub3A_16 = arith.subi %div3A, %sub3A : i32
    %select_n3A = arith.select %and3A, %sub3A_16, %div3A : i32
    %mul3A_17 = arith.constant 8 : i32
    %mul3A_18 = arith.muli %select_n3A, %mul3A_17 : i32
    %sub3A_19 = arith.subi %add3A, %mul3A_18 : i32
    %mul3A_20 = arith.constant 2048 : i32
    %mul3A_21 = arith.muli %sub3A_19, %mul3A_20 : i32
    "tpu.region"() ({
      %run_scoped3A = tpu.sem_alloc : memref<!tpu.dma_semaphore, #tpu.memory_space<semaphore_mem>>
      %dma_start3A_29 = tpu.memref_slice %arg3[%select_n3A, %mul3A_21] : memref<8x16384xi32, #tpu.memory_space<hbm>> -> memref<1x128xi32, #tpu.memory_space<hbm>>
      %dma_start3A_30 = tpu.memref_squeeze %dma_start3A_29 : memref<1x128xi32, #tpu.memory_space<hbm>> -> memref<128xi32, #tpu.memory_space<hbm>>
      %dma_start3A_31 = tpu.memref_slice %arg3[%select_n3A, %mul3A_21] : memref<8x16384xi32, #tpu.memory_space<hbm>> -> memref<1x128xi32, #tpu.memory_space<hbm>>
      %dma_start3A_32 = tpu.memref_squeeze %dma_start3A_31 : memref<1x128xi32, #tpu.memory_space<hbm>> -> memref<128xi32, #tpu.memory_space<hbm>>
      tpu.enqueue_dma source(%dma_start3A_32 : memref<128xi32, #tpu.memory_space<hbm>>) target(%arg5 : memref<128xi32, #tpu.memory_space<vmem>>) target_semaphore(%run_scoped3A : memref<!tpu.dma_semaphore, #tpu.memory_space<semaphore_mem>>)
      %dma_wait3A = tpu.memref_slice %arg3[%select_n3A, %mul3A_21] : memref<8x16384xi32, #tpu.memory_space<hbm>> -> memref<1x128xi32, #tpu.memory_space<hbm>>
      %dma_wait3A_33 = tpu.memref_squeeze %dma_wait3A : memref<1x128xi32, #tpu.memory_space<hbm>> -> memref<128xi32, #tpu.memory_space<hbm>>
      %dma_wait3A_34 = tpu.memref_slice %arg3[%select_n3A, %mul3A_21] : memref<8x16384xi32, #tpu.memory_space<hbm>> -> memref<1x128xi32, #tpu.memory_space<hbm>>
      %dma_wait3A_35 = tpu.memref_squeeze %dma_wait3A_34 : memref<1x128xi32, #tpu.memory_space<hbm>> -> memref<128xi32, #tpu.memory_space<hbm>>
      tpu.wait_dma2 semaphore(%run_scoped3A : memref<!tpu.dma_semaphore, #tpu.memory_space<semaphore_mem>>) src(%dma_wait3A_35 : memref<128xi32, #tpu.memory_space<hbm>>) dst(%arg5 : memref<128xi32, #tpu.memory_space<vmem>>)
      tpu.yield
    }) : () -> ()
    %dma_start3A = arith.constant 0 : i32
    %dma_start3A_22 = arith.constant 0 : i32
    %dma_start3A_23 = tpu.memref_slice %arg2[%dma_start3A, %dma_start3A_22] : memref<16384x256xi32, #tpu.memory_space<hbm>> -> memref<16384x256xi32, #tpu.memory_space<hbm>>
    tpu.enqueue_indirect_dma source(%dma_start3A_23 : memref<16384x256xi32, #tpu.memory_space<hbm>>) target(%arg7 : memref<128x256xi32, #tpu.memory_space<vmem>>) offsets(%arg5 : memref<128xi32, #tpu.memory_space<vmem>>) semaphore(%arg9 : memref<!tpu.dma_semaphore, #tpu.memory_space<semaphore_mem>>)
    %scan3A = arith.constant 0 : i32
    %scan3A_24 = arith.constant 0 : i32
    %scan3A_25 = arith.constant 8 : i32
    %scan3A_26 = arith.addi %scan3A_24, %scan3A_25 : i32
    %scan3A_27 = arith.constant 1 : i32
    scf.for %scan3A_29 = %scan3A_24 to %scan3A_26 step %scan3A_27  : i32 {
      %mul3A_30 = arith.constant 2 : i32
      %mul3A_31 = arith.muli %mul3A_30, %scan3A_29 : i32
      %mul3A_32 = arith.constant 128 : i32
      %mul3A_33 = arith.muli %mul3A_31, %mul3A_32 : i32
      %add3A_34 = arith.addi %mul3A_21, %mul3A_33 : i32
      %add3A_35 = arith.constant 128 : i32
      %add3A_36 = arith.addi %add3A_34, %add3A_35 : i32
      "tpu.region"() ({
        %run_scoped3A = tpu.sem_alloc : memref<!tpu.dma_semaphore, #tpu.memory_space<semaphore_mem>>
        %dma_start3A_49 = tpu.memref_slice %arg3[%select_n3A, %add3A_36] : memref<8x16384xi32, #tpu.memory_space<hbm>> -> memref<1x128xi32, #tpu.memory_space<hbm>>
        %dma_start3A_50 = tpu.memref_squeeze %dma_start3A_49 : memref<1x128xi32, #tpu.memory_space<hbm>> -> memref<128xi32, #tpu.memory_space<hbm>>
        %dma_start3A_51 = tpu.memref_slice %arg3[%select_n3A, %add3A_36] : memref<8x16384xi32, #tpu.memory_space<hbm>> -> memref<1x128xi32, #tpu.memory_space<hbm>>
        %dma_start3A_52 = tpu.memref_squeeze %dma_start3A_51 : memref<1x128xi32, #tpu.memory_space<hbm>> -> memref<128xi32, #tpu.memory_space<hbm>>
        tpu.enqueue_dma source(%dma_start3A_52 : memref<128xi32, #tpu.memory_space<hbm>>) target(%arg6 : memref<128xi32, #tpu.memory_space<vmem>>) target_semaphore(%run_scoped3A : memref<!tpu.dma_semaphore, #tpu.memory_space<semaphore_mem>>)
        %dma_wait3A_53 = tpu.memref_slice %arg3[%select_n3A, %add3A_36] : memref<8x16384xi32, #tpu.memory_space<hbm>> -> memref<1x128xi32, #tpu.memory_space<hbm>>
        %dma_wait3A_54 = tpu.memref_squeeze %dma_wait3A_53 : memref<1x128xi32, #tpu.memory_space<hbm>> -> memref<128xi32, #tpu.memory_space<hbm>>
        %dma_wait3A_55 = tpu.memref_slice %arg3[%select_n3A, %add3A_36] : memref<8x16384xi32, #tpu.memory_space<hbm>> -> memref<1x128xi32, #tpu.memory_space<hbm>>
        %dma_wait3A_56 = tpu.memref_squeeze %dma_wait3A_55 : memref<1x128xi32, #tpu.memory_space<hbm>> -> memref<128xi32, #tpu.memory_space<hbm>>
        tpu.wait_dma2 semaphore(%run_scoped3A : memref<!tpu.dma_semaphore, #tpu.memory_space<semaphore_mem>>) src(%dma_wait3A_56 : memref<128xi32, #tpu.memory_space<hbm>>) dst(%arg6 : memref<128xi32, #tpu.memory_space<vmem>>)
        tpu.yield
      }) : () -> ()
      %dma_start3A_37 = arith.constant 0 : i32
      %dma_start3A_38 = arith.constant 0 : i32
      %dma_start3A_39 = tpu.memref_slice %arg2[%dma_start3A_37, %dma_start3A_38] : memref<16384x256xi32, #tpu.memory_space<hbm>> -> memref<16384x256xi32, #tpu.memory_space<hbm>>
      tpu.enqueue_indirect_dma source(%dma_start3A_39 : memref<16384x256xi32, #tpu.memory_space<hbm>>) target(%arg8 : memref<128x256xi32, #tpu.memory_space<vmem>>) offsets(%arg6 : memref<128xi32, #tpu.memory_space<vmem>>) semaphore(%arg10 : memref<!tpu.dma_semaphore, #tpu.memory_space<semaphore_mem>>)
      %dma_wait3A = arith.constant 0 : i32
      %dma_wait3A_40 = arith.constant 0 : i32
      %dma_wait3A_41 = tpu.memref_slice %arg2[%dma_wait3A, %dma_wait3A_40] : memref<16384x256xi32, #tpu.memory_space<hbm>> -> memref<16384x256xi32, #tpu.memory_space<hbm>>
      tpu.wait_indirect_dma semaphore(%arg9 : memref<!tpu.dma_semaphore, #tpu.memory_space<semaphore_mem>>) src(%dma_wait3A_41 : memref<16384x256xi32, #tpu.memory_space<hbm>>) dst(%arg7 : memref<128x256xi32, #tpu.memory_space<vmem>>)
      "tpu.region"() ({
        %run_scoped3A = tpu.sem_alloc : memref<!tpu.dma_semaphore, #tpu.memory_space<semaphore_mem>>
        %dma_start3A_49 = arith.constant 0 : i32
        %dma_start3A_50 = tpu.memref_slice %arg4[%select_n3A, %add3A_34, %dma_start3A_49] : memref<4x16384x256xi32, #tpu.memory_space<hbm>> -> memref<1x128x256xi32, #tpu.memory_space<hbm>>
        %dma_start3A_51 = tpu.memref_squeeze %dma_start3A_50 : memref<1x128x256xi32, #tpu.memory_space<hbm>> -> memref<128x256xi32, #tpu.memory_space<hbm>>
        %dma_start3A_52 = arith.constant 0 : i32
        %dma_start3A_53 = tpu.memref_slice %arg4[%select_n3A, %add3A_34, %dma_start3A_52] : memref<4x16384x256xi32, #tpu.memory_space<hbm>> -> memref<1x128x256xi32, #tpu.memory_space<hbm>>
        %dma_start3A_54 = tpu.memref_squeeze %dma_start3A_53 : memref<1x128x256xi32, #tpu.memory_space<hbm>> -> memref<128x256xi32, #tpu.memory_space<hbm>>
        tpu.enqueue_dma source(%arg7 : memref<128x256xi32, #tpu.memory_space<vmem>>) target(%dma_start3A_54 : memref<128x256xi32, #tpu.memory_space<hbm>>) target_semaphore(%run_scoped3A : memref<!tpu.dma_semaphore, #tpu.memory_space<semaphore_mem>>)
        %dma_wait3A_55 = arith.constant 0 : i32
        %dma_wait3A_56 = tpu.memref_slice %arg4[%select_n3A, %add3A_34, %dma_wait3A_55] : memref<4x16384x256xi32, #tpu.memory_space<hbm>> -> memref<1x128x256xi32, #tpu.memory_space<hbm>>
        %dma_wait3A_57 = tpu.memref_squeeze %dma_wait3A_56 : memref<1x128x256xi32, #tpu.memory_space<hbm>> -> memref<128x256xi32, #tpu.memory_space<hbm>>
        %dma_wait3A_58 = arith.constant 0 : i32
        %dma_wait3A_59 = tpu.memref_slice %arg4[%select_n3A, %add3A_34, %dma_wait3A_58] : memref<4x16384x256xi32, #tpu.memory_space<hbm>> -> memref<1x128x256xi32, #tpu.memory_space<hbm>>
        %dma_wait3A_60 = tpu.memref_squeeze %dma_wait3A_59 : memref<1x128x256xi32, #tpu.memory_space<hbm>> -> memref<128x256xi32, #tpu.memory_space<hbm>>
        tpu.wait_dma2 semaphore(%run_scoped3A : memref<!tpu.dma_semaphore, #tpu.memory_space<semaphore_mem>>) src(%arg7 : memref<128x256xi32, #tpu.memory_space<vmem>>) dst(%dma_wait3A_60 : memref<128x256xi32, #tpu.memory_space<hbm>>)
        tpu.yield
      }) : () -> ()
      %add3A_42 = arith.constant 1 : i32
      %add3A_43 = arith.addi %scan3A_29, %add3A_42 : i32
      %lt3A = arith.constant 8 : i32
      %lt3A_44 = arith.cmpi slt, %add3A_43, %lt3A : i32
      %convert_element_type3A = arith.extui %lt3A_44 : i1 to i32
      %cond3A = arith.constant 0 : i32
      %cond3A_45 = arith.cmpi ne, %convert_element_type3A, %cond3A : i32
      scf.if %cond3A_45 {
        %add3A_49 = arith.constant 128 : i32
        %add3A_50 = arith.addi %add3A_36, %add3A_49 : i32
        "tpu.region"() ({
          %run_scoped3A = tpu.sem_alloc : memref<!tpu.dma_semaphore, #tpu.memory_space<semaphore_mem>>
          %dma_start3A_54 = tpu.memref_slice %arg3[%select_n3A, %add3A_50] : memref<8x16384xi32, #tpu.memory_space<hbm>> -> memref<1x128xi32, #tpu.memory_space<hbm>>
          %dma_start3A_55 = tpu.memref_squeeze %dma_start3A_54 : memref<1x128xi32, #tpu.memory_space<hbm>> -> memref<128xi32, #tpu.memory_space<hbm>>
          %dma_start3A_56 = tpu.memref_slice %arg3[%select_n3A, %add3A_50] : memref<8x16384xi32, #tpu.memory_space<hbm>> -> memref<1x128xi32, #tpu.memory_space<hbm>>
          %dma_start3A_57 = tpu.memref_squeeze %dma_start3A_56 : memref<1x128xi32, #tpu.memory_space<hbm>> -> memref<128xi32, #tpu.memory_space<hbm>>
          tpu.enqueue_dma source(%dma_start3A_57 : memref<128xi32, #tpu.memory_space<hbm>>) target(%arg5 : memref<128xi32, #tpu.memory_space<vmem>>) target_semaphore(%run_scoped3A : memref<!tpu.dma_semaphore, #tpu.memory_space<semaphore_mem>>)
          %dma_wait3A_58 = tpu.memref_slice %arg3[%select_n3A, %add3A_50] : memref<8x16384xi32, #tpu.memory_space<hbm>> -> memref<1x128xi32, #tpu.memory_space<hbm>>
          %dma_wait3A_59 = tpu.memref_squeeze %dma_wait3A_58 : memref<1x128xi32, #tpu.memory_space<hbm>> -> memref<128xi32, #tpu.memory_space<hbm>>
          %dma_wait3A_60 = tpu.memref_slice %arg3[%select_n3A, %add3A_50] : memref<8x16384xi32, #tpu.memory_space<hbm>> -> memref<1x128xi32, #tpu.memory_space<hbm>>
          %dma_wait3A_61 = tpu.memref_squeeze %dma_wait3A_60 : memref<1x128xi32, #tpu.memory_space<hbm>> -> memref<128xi32, #tpu.memory_space<hbm>>
          tpu.wait_dma2 semaphore(%run_scoped3A : memref<!tpu.dma_semaphore, #tpu.memory_space<semaphore_mem>>) src(%dma_wait3A_61 : memref<128xi32, #tpu.memory_space<hbm>>) dst(%arg5 : memref<128xi32, #tpu.memory_space<vmem>>)
          tpu.yield
        }) : () -> ()
        %dma_start3A_51 = arith.constant 0 : i32
        %dma_start3A_52 = arith.constant 0 : i32
        %dma_start3A_53 = tpu.memref_slice %arg2[%dma_start3A_51, %dma_start3A_52] : memref<16384x256xi32, #tpu.memory_space<hbm>> -> memref<16384x256xi32, #tpu.memory_space<hbm>>
        tpu.enqueue_indirect_dma source(%dma_start3A_53 : memref<16384x256xi32, #tpu.memory_space<hbm>>) target(%arg7 : memref<128x256xi32, #tpu.memory_space<vmem>>) offsets(%arg5 : memref<128xi32, #tpu.memory_space<vmem>>) semaphore(%arg9 : memref<!tpu.dma_semaphore, #tpu.memory_space<semaphore_mem>>)
      } else {
      }
      %dma_wait3A_46 = arith.constant 0 : i32
      %dma_wait3A_47 = arith.constant 0 : i32
      %dma_wait3A_48 = tpu.memref_slice %arg2[%dma_wait3A_46, %dma_wait3A_47] : memref<16384x256xi32, #tpu.memory_space<hbm>> -> memref<16384x256xi32, #tpu.memory_space<hbm>>
      tpu.wait_indirect_dma semaphore(%arg10 : memref<!tpu.dma_semaphore, #tpu.memory_space<semaphore_mem>>) src(%dma_wait3A_48 : memref<16384x256xi32, #tpu.memory_space<hbm>>) dst(%arg8 : memref<128x256xi32, #tpu.memory_space<vmem>>)
      "tpu.region"() ({
        %run_scoped3A = tpu.sem_alloc : memref<!tpu.dma_semaphore, #tpu.memory_space<semaphore_mem>>
        %dma_start3A_49 = arith.constant 0 : i32
        %dma_start3A_50 = tpu.memref_slice %arg4[%select_n3A, %add3A_36, %dma_start3A_49] : memref<4x16384x256xi32, #tpu.memory_space<hbm>> -> memref<1x128x256xi32, #tpu.memory_space<hbm>>
        %dma_start3A_51 = tpu.memref_squeeze %dma_start3A_50 : memref<1x128x256xi32, #tpu.memory_space<hbm>> -> memref<128x256xi32, #tpu.memory_space<hbm>>
        %dma_start3A_52 = arith.constant 0 : i32
        %dma_start3A_53 = tpu.memref_slice %arg4[%select_n3A, %add3A_36, %dma_start3A_52] : memref<4x16384x256xi32, #tpu.memory_space<hbm>> -> memref<1x128x256xi32, #tpu.memory_space<hbm>>
        %dma_start3A_54 = tpu.memref_squeeze %dma_start3A_53 : memref<1x128x256xi32, #tpu.memory_space<hbm>> -> memref<128x256xi32, #tpu.memory_space<hbm>>
        tpu.enqueue_dma source(%arg8 : memref<128x256xi32, #tpu.memory_space<vmem>>) target(%dma_start3A_54 : memref<128x256xi32, #tpu.memory_space<hbm>>) target_semaphore(%run_scoped3A : memref<!tpu.dma_semaphore, #tpu.memory_space<semaphore_mem>>)
        %dma_wait3A_55 = arith.constant 0 : i32
        %dma_wait3A_56 = tpu.memref_slice %arg4[%select_n3A, %add3A_36, %dma_wait3A_55] : memref<4x16384x256xi32, #tpu.memory_space<hbm>> -> memref<1x128x256xi32, #tpu.memory_space<hbm>>
        %dma_wait3A_57 = tpu.memref_squeeze %dma_wait3A_56 : memref<1x128x256xi32, #tpu.memory_space<hbm>> -> memref<128x256xi32, #tpu.memory_space<hbm>>
        %dma_wait3A_58 = arith.constant 0 : i32
        %dma_wait3A_59 = tpu.memref_slice %arg4[%select_n3A, %add3A_36, %dma_wait3A_58] : memref<4x16384x256xi32, #tpu.memory_space<hbm>> -> memref<1x128x256xi32, #tpu.memory_space<hbm>>
        %dma_wait3A_60 = tpu.memref_squeeze %dma_wait3A_59 : memref<1x128x256xi32, #tpu.memory_space<hbm>> -> memref<128x256xi32, #tpu.memory_space<hbm>>
        tpu.wait_dma2 semaphore(%run_scoped3A : memref<!tpu.dma_semaphore, #tpu.memory_space<semaphore_mem>>) src(%arg8 : memref<128x256xi32, #tpu.memory_space<vmem>>) dst(%dma_wait3A_60 : memref<128x256xi32, #tpu.memory_space<hbm>>)
        tpu.yield
      }) : () -> ()
    }
    %scan3A_28 = arith.constant 8 : i32
    return
  }
}

module attributes {stable_mosaic.version = 14 : i64} {
  func.func @_proj_body(%arg0: i32, %arg1: memref<1x256x8x128xf32, #tpu.memory_space<vmem>>, %arg2: memref<1x1x1024x2xf32, #tpu.memory_space<vmem>>, %arg3: memref<256x256xf32, #tpu.memory_space<vmem>>, %arg4: memref<256x256xf32, #tpu.memory_space<vmem>>, %arg5: memref<8x128x256xi32, #tpu.memory_space<vmem>>, %arg6: memref<8x1024xi32, #tpu.memory_space<vmem>>) attributes {dimension_semantics = [#tpu.dimension_semantics<arbitrary>], iteration_bounds = array<i64: 16>, scalar_prefetch = 0 : i64, scratch_operands = 0 : i64, tpu.core_type = #tpu.core_type<tc>, window_params = [{transform_indices = @transform_0, window_bounds = array<i64: 1, 256, 8, 128>}, {transform_indices = @transform_1, window_bounds = array<i64: 1, 1, 1024, 2>}, {pipeline_mode = #tpu.pipeline_mode<synchronous>, transform_indices = @transform_2, window_bounds = array<i64: 256, 256>}, {pipeline_mode = #tpu.pipeline_mode<synchronous>, transform_indices = @transform_3, window_bounds = array<i64: 256, 256>}, {transform_indices = @transform_4, window_bounds = array<i64: 8, 128, 256>}, {transform_indices = @transform_5, window_bounds = array<i64: 8, 1024>}]} {
    %get3A = arith.constant 0 : index
    %get3A_0 = arith.constant 0 : index
    %get3A_1 = vector.load %arg3[%get3A, %get3A_0] : memref<256x256xf32, #tpu.memory_space<vmem>>, vector<256x256xf32>
    %convert_element_type3A = arith.truncf %get3A_1 : vector<256x256xf32> to vector<256x256xbf16>
    %get3A_2 = arith.constant 0 : index
    %get3A_3 = arith.constant 0 : index
    %get3A_4 = vector.load %arg4[%get3A_2, %get3A_3] : memref<256x256xf32, #tpu.memory_space<vmem>>, vector<256x256xf32>
    %convert_element_type3A_5 = arith.truncf %get3A_4 : vector<256x256xf32> to vector<256x256xbf16>
    %get3A_6 = arith.constant 0 : index
    %get3A_7 = arith.constant 0 : index
    %get3A_8 = arith.constant 0 : index
    %get3A_9 = arith.constant 0 : index
    %get3A_10 = vector.load %arg1[%get3A_6, %get3A_7, %get3A_8, %get3A_9] : memref<1x256x8x128xf32, #tpu.memory_space<vmem>>, vector<1x256x1x128xf32>
    %get3A_11 = vector.shape_cast %get3A_10 : vector<1x256x1x128xf32> to vector<256x128xf32>
    %convert_element_type3A_12 = arith.truncf %get3A_11 : vector<256x128xf32> to vector<256x128xbf16>
    %dot_general3A = arith.constant dense<0.000000e+00> : vector<128x256xf32>
    %dot_general3A_13 = tpu.matmul %convert_element_type3A_12, %convert_element_type3A, %dot_general3A {dimension_numbers = #tpu.dot_dimension_numbers<[0], [1], [1], [0], [0, 1, 1, 0], [], []>, transpose_lhs_hint = false} : vector<256x128xbf16>, vector<256x256xbf16>, vector<128x256xf32> -> vector<128x256xf32>
    %dot_general3A_14 = arith.constant dense<0.000000e+00> : vector<128x256xf32>
    %dot_general3A_15 = tpu.matmul %convert_element_type3A_12, %convert_element_type3A_5, %dot_general3A_14 {dimension_numbers = #tpu.dot_dimension_numbers<[0], [1], [1], [0], [0, 1, 1, 0], [], []>, transpose_lhs_hint = false} : vector<256x128xbf16>, vector<256x256xbf16>, vector<128x256xf32> -> vector<128x256xf32>
    %bitcast_convert_type3A = tpu.bitcast %dot_general3A_13 : vector<128x256xf32> -> vector<128x256xi32>
    %bitcast_convert_type3A_16 = tpu.bitcast %dot_general3A_15 : vector<128x256xf32> -> vector<128x256xi32>
    %add3A = arith.constant 32768 : i32
    %add3A_17 = vector.broadcast %add3A : i32 to vector<128x256xi32>
    %add3A_18 = arith.addi %bitcast_convert_type3A, %add3A_17 : vector<128x256xi32>
    %and3A = arith.constant -65536 : i32
    %and3A_19 = vector.broadcast %and3A : i32 to vector<128x256xi32>
    %and3A_20 = arith.andi %add3A_18, %and3A_19 : vector<128x256xi32>
    %add3A_21 = arith.constant 32768 : i32
    %add3A_22 = vector.broadcast %add3A_21 : i32 to vector<128x256xi32>
    %add3A_23 = arith.addi %bitcast_convert_type3A_16, %add3A_22 : vector<128x256xi32>
    %shift_right_logical3A = arith.constant 16 : i32
    %shift_right_logical3A_24 = vector.broadcast %shift_right_logical3A : i32 to vector<128x256xi32>
    %shift_right_logical3A_25 = arith.shrui %add3A_23, %shift_right_logical3A_24 : vector<128x256xi32>
    %or3A = arith.ori %and3A_20, %shift_right_logical3A_25 : vector<128x256xi32>
    %bitcast_convert_type3A_26 = tpu.bitcast %or3A : vector<128x256xi32> -> vector<128x256xi32>
    %swap3A = arith.constant 0 : index
    %swap3A_27 = arith.constant 0 : index
    %swap3A_28 = arith.constant 0 : index
    %swap3A_29 = vector.load %arg5[%swap3A, %swap3A_27, %swap3A_28] : memref<8x128x256xi32, #tpu.memory_space<vmem>>, vector<1x128x256xi32>
    %swap3A_30 = vector.shape_cast %swap3A_29 : vector<1x128x256xi32> to vector<128x256xi32>
    %swap3A_31 = vector.shape_cast %bitcast_convert_type3A_26 : vector<128x256xi32> to vector<1x128x256xi32>
    tpu.vector_store %arg5[%swap3A, %swap3A_27, %swap3A_28], %swap3A_31 {strides = array<i32>} : memref<8x128x256xi32, #tpu.memory_space<vmem>>, vector<1x128x256xi32>,
    %get3A_32 = arith.constant 0 : index
    %get3A_33 = arith.constant 0 : index
    %get3A_34 = arith.constant 1 : index
    %get3A_35 = arith.constant 0 : index
    %get3A_36 = vector.load %arg1[%get3A_32, %get3A_33, %get3A_34, %get3A_35] : memref<1x256x8x128xf32, #tpu.memory_space<vmem>>, vector<1x256x1x128xf32>
    %get3A_37 = vector.shape_cast %get3A_36 : vector<1x256x1x128xf32> to vector<256x128xf32>
    %convert_element_type3A_38 = arith.truncf %get3A_37 : vector<256x128xf32> to vector<256x128xbf16>
    %dot_general3A_39 = arith.constant dense<0.000000e+00> : vector<128x256xf32>
    %dot_general3A_40 = tpu.matmul %convert_element_type3A_38, %convert_element_type3A, %dot_general3A_39 {dimension_numbers = #tpu.dot_dimension_numbers<[0], [1], [1], [0], [0, 1, 1, 0], [], []>, transpose_lhs_hint = false} : vector<256x128xbf16>, vector<256x256xbf16>, vector<128x256xf32> -> vector<128x256xf32>
    %dot_general3A_41 = arith.constant dense<0.000000e+00> : vector<128x256xf32>
    %dot_general3A_42 = tpu.matmul %convert_element_type3A_38, %convert_element_type3A_5, %dot_general3A_41 {dimension_numbers = #tpu.dot_dimension_numbers<[0], [1], [1], [0], [0, 1, 1, 0], [], []>, transpose_lhs_hint = false} : vector<256x128xbf16>, vector<256x256xbf16>, vector<128x256xf32> -> vector<128x256xf32>
    %bitcast_convert_type3A_43 = tpu.bitcast %dot_general3A_40 : vector<128x256xf32> -> vector<128x256xi32>
    %bitcast_convert_type3A_44 = tpu.bitcast %dot_general3A_42 : vector<128x256xf32> -> vector<128x256xi32>
    %add3A_45 = arith.constant 32768 : i32
    %add3A_46 = vector.broadcast %add3A_45 : i32 to vector<128x256xi32>
    %add3A_47 = arith.addi %bitcast_convert_type3A_43, %add3A_46 : vector<128x256xi32>
    %and3A_48 = arith.constant -65536 : i32
    %and3A_49 = vector.broadcast %and3A_48 : i32 to vector<128x256xi32>
    %and3A_50 = arith.andi %add3A_47, %and3A_49 : vector<128x256xi32>
    %add3A_51 = arith.constant 32768 : i32
    %add3A_52 = vector.broadcast %add3A_51 : i32 to vector<128x256xi32>
    %add3A_53 = arith.addi %bitcast_convert_type3A_44, %add3A_52 : vector<128x256xi32>
    %shift_right_logical3A_54 = arith.constant 16 : i32
    %shift_right_logical3A_55 = vector.broadcast %shift_right_logical3A_54 : i32 to vector<128x256xi32>
    %shift_right_logical3A_56 = arith.shrui %add3A_53, %shift_right_logical3A_55 : vector<128x256xi32>
    %or3A_57 = arith.ori %and3A_50, %shift_right_logical3A_56 : vector<128x256xi32>
    %bitcast_convert_type3A_58 = tpu.bitcast %or3A_57 : vector<128x256xi32> -> vector<128x256xi32>
    %swap3A_59 = arith.constant 1 : index
    %swap3A_60 = arith.constant 0 : index
    %swap3A_61 = arith.constant 0 : index
    %swap3A_62 = vector.load %arg5[%swap3A_59, %swap3A_60, %swap3A_61] : memref<8x128x256xi32, #tpu.memory_space<vmem>>, vector<1x128x256xi32>
    %swap3A_63 = vector.shape_cast %swap3A_62 : vector<1x128x256xi32> to vector<128x256xi32>
    %swap3A_64 = vector.shape_cast %bitcast_convert_type3A_58 : vector<128x256xi32> to vector<1x128x256xi32>
    tpu.vector_store %arg5[%swap3A_59, %swap3A_60, %swap3A_61], %swap3A_64 {strides = array<i32>} : memref<8x128x256xi32, #tpu.memory_space<vmem>>, vector<1x128x256xi32>,
    %get3A_65 = arith.constant 0 : index
    %get3A_66 = arith.constant 0 : index
    %get3A_67 = arith.constant 2 : index
    %get3A_68 = arith.constant 0 : index
    %get3A_69 = vector.load %arg1[%get3A_65, %get3A_66, %get3A_67, %get3A_68] : memref<1x256x8x128xf32, #tpu.memory_space<vmem>>, vector<1x256x1x128xf32>
    %get3A_70 = vector.shape_cast %get3A_69 : vector<1x256x1x128xf32> to vector<256x128xf32>
    %convert_element_type3A_71 = arith.truncf %get3A_70 : vector<256x128xf32> to vector<256x128xbf16>
    %dot_general3A_72 = arith.constant dense<0.000000e+00> : vector<128x256xf32>
    %dot_general3A_73 = tpu.matmul %convert_element_type3A_71, %convert_element_type3A, %dot_general3A_72 {dimension_numbers = #tpu.dot_dimension_numbers<[0], [1], [1], [0], [0, 1, 1, 0], [], []>, transpose_lhs_hint = false} : vector<256x128xbf16>, vector<256x256xbf16>, vector<128x256xf32> -> vector<128x256xf32>
    %dot_general3A_74 = arith.constant dense<0.000000e+00> : vector<128x256xf32>
    %dot_general3A_75 = tpu.matmul %convert_element_type3A_71, %convert_element_type3A_5, %dot_general3A_74 {dimension_numbers = #tpu.dot_dimension_numbers<[0], [1], [1], [0], [0, 1, 1, 0], [], []>, transpose_lhs_hint = false} : vector<256x128xbf16>, vector<256x256xbf16>, vector<128x256xf32> -> vector<128x256xf32>
    %bitcast_convert_type3A_76 = tpu.bitcast %dot_general3A_73 : vector<128x256xf32> -> vector<128x256xi32>
    %bitcast_convert_type3A_77 = tpu.bitcast %dot_general3A_75 : vector<128x256xf32> -> vector<128x256xi32>
    %add3A_78 = arith.constant 32768 : i32
    %add3A_79 = vector.broadcast %add3A_78 : i32 to vector<128x256xi32>
    %add3A_80 = arith.addi %bitcast_convert_type3A_76, %add3A_79 : vector<128x256xi32>
    %and3A_81 = arith.constant -65536 : i32
    %and3A_82 = vector.broadcast %and3A_81 : i32 to vector<128x256xi32>
    %and3A_83 = arith.andi %add3A_80, %and3A_82 : vector<128x256xi32>
    %add3A_84 = arith.constant 32768 : i32
    %add3A_85 = vector.broadcast %add3A_84 : i32 to vector<128x256xi32>
    %add3A_86 = arith.addi %bitcast_convert_type3A_77, %add3A_85 : vector<128x256xi32>
    %shift_right_logical3A_87 = arith.constant 16 : i32
    %shift_right_logical3A_88 = vector.broadcast %shift_right_logical3A_87 : i32 to vector<128x256xi32>
    %shift_right_logical3A_89 = arith.shrui %add3A_86, %shift_right_logical3A_88 : vector<128x256xi32>
    %or3A_90 = arith.ori %and3A_83, %shift_right_logical3A_89 : vector<128x256xi32>
    %bitcast_convert_type3A_91 = tpu.bitcast %or3A_90 : vector<128x256xi32> -> vector<128x256xi32>
    %swap3A_92 = arith.constant 2 : index
    %swap3A_93 = arith.constant 0 : index
    %swap3A_94 = arith.constant 0 : index
    %swap3A_95 = vector.load %arg5[%swap3A_92, %swap3A_93, %swap3A_94] : memref<8x128x256xi32, #tpu.memory_space<vmem>>, vector<1x128x256xi32>
    %swap3A_96 = vector.shape_cast %swap3A_95 : vector<1x128x256xi32> to vector<128x256xi32>
    %swap3A_97 = vector.shape_cast %bitcast_convert_type3A_91 : vector<128x256xi32> to vector<1x128x256xi32>
    tpu.vector_store %arg5[%swap3A_92, %swap3A_93, %swap3A_94], %swap3A_97 {strides = array<i32>} : memref<8x128x256xi32, #tpu.memory_space<vmem>>, vector<1x128x256xi32>,
    %get3A_98 = arith.constant 0 : index
    %get3A_99 = arith.constant 0 : index
    %get3A_100 = arith.constant 3 : index
    %get3A_101 = arith.constant 0 : index
    %get3A_102 = vector.load %arg1[%get3A_98, %get3A_99, %get3A_100, %get3A_101] : memref<1x256x8x128xf32, #tpu.memory_space<vmem>>, vector<1x256x1x128xf32>
    %get3A_103 = vector.shape_cast %get3A_102 : vector<1x256x1x128xf32> to vector<256x128xf32>
    %convert_element_type3A_104 = arith.truncf %get3A_103 : vector<256x128xf32> to vector<256x128xbf16>
    %dot_general3A_105 = arith.constant dense<0.000000e+00> : vector<128x256xf32>
    %dot_general3A_106 = tpu.matmul %convert_element_type3A_104, %convert_element_type3A, %dot_general3A_105 {dimension_numbers = #tpu.dot_dimension_numbers<[0], [1], [1], [0], [0, 1, 1, 0], [], []>, transpose_lhs_hint = false} : vector<256x128xbf16>, vector<256x256xbf16>, vector<128x256xf32> -> vector<128x256xf32>
    %dot_general3A_107 = arith.constant dense<0.000000e+00> : vector<128x256xf32>
    %dot_general3A_108 = tpu.matmul %convert_element_type3A_104, %convert_element_type3A_5, %dot_general3A_107 {dimension_numbers = #tpu.dot_dimension_numbers<[0], [1], [1], [0], [0, 1, 1, 0], [], []>, transpose_lhs_hint = false} : vector<256x128xbf16>, vector<256x256xbf16>, vector<128x256xf32> -> vector<128x256xf32>
    %bitcast_convert_type3A_109 = tpu.bitcast %dot_general3A_106 : vector<128x256xf32> -> vector<128x256xi32>
    %bitcast_convert_type3A_110 = tpu.bitcast %dot_general3A_108 : vector<128x256xf32> -> vector<128x256xi32>
    %add3A_111 = arith.constant 32768 : i32
    %add3A_112 = vector.broadcast %add3A_111 : i32 to vector<128x256xi32>
    %add3A_113 = arith.addi %bitcast_convert_type3A_109, %add3A_112 : vector<128x256xi32>
    %and3A_114 = arith.constant -65536 : i32
    %and3A_115 = vector.broadcast %and3A_114 : i32 to vector<128x256xi32>
    %and3A_116 = arith.andi %add3A_113, %and3A_115 : vector<128x256xi32>
    %add3A_117 = arith.constant 32768 : i32
    %add3A_118 = vector.broadcast %add3A_117 : i32 to vector<128x256xi32>
    %add3A_119 = arith.addi %bitcast_convert_type3A_110, %add3A_118 : vector<128x256xi32>
    %shift_right_logical3A_120 = arith.constant 16 : i32
    %shift_right_logical3A_121 = vector.broadcast %shift_right_logical3A_120 : i32 to vector<128x256xi32>
    %shift_right_logical3A_122 = arith.shrui %add3A_119, %shift_right_logical3A_121 : vector<128x256xi32>
    %or3A_123 = arith.ori %and3A_116, %shift_right_logical3A_122 : vector<128x256xi32>
    %bitcast_convert_type3A_124 = tpu.bitcast %or3A_123 : vector<128x256xi32> -> vector<128x256xi32>
    %swap3A_125 = arith.constant 3 : index
    %swap3A_126 = arith.constant 0 : index
    %swap3A_127 = arith.constant 0 : index
    %swap3A_128 = vector.load %arg5[%swap3A_125, %swap3A_126, %swap3A_127] : memref<8x128x256xi32, #tpu.memory_space<vmem>>, vector<1x128x256xi32>
    %swap3A_129 = vector.shape_cast %swap3A_128 : vector<1x128x256xi32> to vector<128x256xi32>
    %swap3A_130 = vector.shape_cast %bitcast_convert_type3A_124 : vector<128x256xi32> to vector<1x128x256xi32>
    tpu.vector_store %arg5[%swap3A_125, %swap3A_126, %swap3A_127], %swap3A_130 {strides = array<i32>} : memref<8x128x256xi32, #tpu.memory_space<vmem>>, vector<1x128x256xi32>,
    %get3A_131 = arith.constant 0 : index
    %get3A_132 = arith.constant 0 : index
    %get3A_133 = arith.constant 4 : index
    %get3A_134 = arith.constant 0 : index
    %get3A_135 = vector.load %arg1[%get3A_131, %get3A_132, %get3A_133, %get3A_134] : memref<1x256x8x128xf32, #tpu.memory_space<vmem>>, vector<1x256x1x128xf32>
    %get3A_136 = vector.shape_cast %get3A_135 : vector<1x256x1x128xf32> to vector<256x128xf32>
    %convert_element_type3A_137 = arith.truncf %get3A_136 : vector<256x128xf32> to vector<256x128xbf16>
    %dot_general3A_138 = arith.constant dense<0.000000e+00> : vector<128x256xf32>
    %dot_general3A_139 = tpu.matmul %convert_element_type3A_137, %convert_element_type3A, %dot_general3A_138 {dimension_numbers = #tpu.dot_dimension_numbers<[0], [1], [1], [0], [0, 1, 1, 0], [], []>, transpose_lhs_hint = false} : vector<256x128xbf16>, vector<256x256xbf16>, vector<128x256xf32> -> vector<128x256xf32>
    %dot_general3A_140 = arith.constant dense<0.000000e+00> : vector<128x256xf32>
    %dot_general3A_141 = tpu.matmul %convert_element_type3A_137, %convert_element_type3A_5, %dot_general3A_140 {dimension_numbers = #tpu.dot_dimension_numbers<[0], [1], [1], [0], [0, 1, 1, 0], [], []>, transpose_lhs_hint = false} : vector<256x128xbf16>, vector<256x256xbf16>, vector<128x256xf32> -> vector<128x256xf32>
    %bitcast_convert_type3A_142 = tpu.bitcast %dot_general3A_139 : vector<128x256xf32> -> vector<128x256xi32>
    %bitcast_convert_type3A_143 = tpu.bitcast %dot_general3A_141 : vector<128x256xf32> -> vector<128x256xi32>
    %add3A_144 = arith.constant 32768 : i32
    %add3A_145 = vector.broadcast %add3A_144 : i32 to vector<128x256xi32>
    %add3A_146 = arith.addi %bitcast_convert_type3A_142, %add3A_145 : vector<128x256xi32>
    %and3A_147 = arith.constant -65536 : i32
    %and3A_148 = vector.broadcast %and3A_147 : i32 to vector<128x256xi32>
    %and3A_149 = arith.andi %add3A_146, %and3A_148 : vector<128x256xi32>
    %add3A_150 = arith.constant 32768 : i32
    %add3A_151 = vector.broadcast %add3A_150 : i32 to vector<128x256xi32>
    %add3A_152 = arith.addi %bitcast_convert_type3A_143, %add3A_151 : vector<128x256xi32>
    %shift_right_logical3A_153 = arith.constant 16 : i32
    %shift_right_logical3A_154 = vector.broadcast %shift_right_logical3A_153 : i32 to vector<128x256xi32>
    %shift_right_logical3A_155 = arith.shrui %add3A_152, %shift_right_logical3A_154 : vector<128x256xi32>
    %or3A_156 = arith.ori %and3A_149, %shift_right_logical3A_155 : vector<128x256xi32>
    %bitcast_convert_type3A_157 = tpu.bitcast %or3A_156 : vector<128x256xi32> -> vector<128x256xi32>
    %swap3A_158 = arith.constant 4 : index
    %swap3A_159 = arith.constant 0 : index
    %swap3A_160 = arith.constant 0 : index
    %swap3A_161 = vector.load %arg5[%swap3A_158, %swap3A_159, %swap3A_160] : memref<8x128x256xi32, #tpu.memory_space<vmem>>, vector<1x128x256xi32>
    %swap3A_162 = vector.shape_cast %swap3A_161 : vector<1x128x256xi32> to vector<128x256xi32>
    %swap3A_163 = vector.shape_cast %bitcast_convert_type3A_157 : vector<128x256xi32> to vector<1x128x256xi32>
    tpu.vector_store %arg5[%swap3A_158, %swap3A_159, %swap3A_160], %swap3A_163 {strides = array<i32>} : memref<8x128x256xi32, #tpu.memory_space<vmem>>, vector<1x128x256xi32>,
    %get3A_164 = arith.constant 0 : index
    %get3A_165 = arith.constant 0 : index
    %get3A_166 = arith.constant 5 : index
    %get3A_167 = arith.constant 0 : index
    %get3A_168 = vector.load %arg1[%get3A_164, %get3A_165, %get3A_166, %get3A_167] : memref<1x256x8x128xf32, #tpu.memory_space<vmem>>, vector<1x256x1x128xf32>
    %get3A_169 = vector.shape_cast %get3A_168 : vector<1x256x1x128xf32> to vector<256x128xf32>
    %convert_element_type3A_170 = arith.truncf %get3A_169 : vector<256x128xf32> to vector<256x128xbf16>
    %dot_general3A_171 = arith.constant dense<0.000000e+00> : vector<128x256xf32>
    %dot_general3A_172 = tpu.matmul %convert_element_type3A_170, %convert_element_type3A, %dot_general3A_171 {dimension_numbers = #tpu.dot_dimension_numbers<[0], [1], [1], [0], [0, 1, 1, 0], [], []>, transpose_lhs_hint = false} : vector<256x128xbf16>, vector<256x256xbf16>, vector<128x256xf32> -> vector<128x256xf32>
    %dot_general3A_173 = arith.constant dense<0.000000e+00> : vector<128x256xf32>
    %dot_general3A_174 = tpu.matmul %convert_element_type3A_170, %convert_element_type3A_5, %dot_general3A_173 {dimension_numbers = #tpu.dot_dimension_numbers<[0], [1], [1], [0], [0, 1, 1, 0], [], []>, transpose_lhs_hint = false} : vector<256x128xbf16>, vector<256x256xbf16>, vector<128x256xf32> -> vector<128x256xf32>
    %bitcast_convert_type3A_175 = tpu.bitcast %dot_general3A_172 : vector<128x256xf32> -> vector<128x256xi32>
    %bitcast_convert_type3A_176 = tpu.bitcast %dot_general3A_174 : vector<128x256xf32> -> vector<128x256xi32>
    %add3A_177 = arith.constant 32768 : i32
    %add3A_178 = vector.broadcast %add3A_177 : i32 to vector<128x256xi32>
    %add3A_179 = arith.addi %bitcast_convert_type3A_175, %add3A_178 : vector<128x256xi32>
    %and3A_180 = arith.constant -65536 : i32
    %and3A_181 = vector.broadcast %and3A_180 : i32 to vector<128x256xi32>
    %and3A_182 = arith.andi %add3A_179, %and3A_181 : vector<128x256xi32>
    %add3A_183 = arith.constant 32768 : i32
    %add3A_184 = vector.broadcast %add3A_183 : i32 to vector<128x256xi32>
    %add3A_185 = arith.addi %bitcast_convert_type3A_176, %add3A_184 : vector<128x256xi32>
    %shift_right_logical3A_186 = arith.constant 16 : i32
    %shift_right_logical3A_187 = vector.broadcast %shift_right_logical3A_186 : i32 to vector<128x256xi32>
    %shift_right_logical3A_188 = arith.shrui %add3A_185, %shift_right_logical3A_187 : vector<128x256xi32>
    %or3A_189 = arith.ori %and3A_182, %shift_right_logical3A_188 : vector<128x256xi32>
    %bitcast_convert_type3A_190 = tpu.bitcast %or3A_189 : vector<128x256xi32> -> vector<128x256xi32>
    %swap3A_191 = arith.constant 5 : index
    %swap3A_192 = arith.constant 0 : index
    %swap3A_193 = arith.constant 0 : index
    %swap3A_194 = vector.load %arg5[%swap3A_191, %swap3A_192, %swap3A_193] : memref<8x128x256xi32, #tpu.memory_space<vmem>>, vector<1x128x256xi32>
    %swap3A_195 = vector.shape_cast %swap3A_194 : vector<1x128x256xi32> to vector<128x256xi32>
    %swap3A_196 = vector.shape_cast %bitcast_convert_type3A_190 : vector<128x256xi32> to vector<1x128x256xi32>
    tpu.vector_store %arg5[%swap3A_191, %swap3A_192, %swap3A_193], %swap3A_196 {strides = array<i32>} : memref<8x128x256xi32, #tpu.memory_space<vmem>>, vector<1x128x256xi32>,
    %get3A_197 = arith.constant 0 : index
    %get3A_198 = arith.constant 0 : index
    %get3A_199 = arith.constant 6 : index
    %get3A_200 = arith.constant 0 : index
    %get3A_201 = vector.load %arg1[%get3A_197, %get3A_198, %get3A_199, %get3A_200] : memref<1x256x8x128xf32, #tpu.memory_space<vmem>>, vector<1x256x1x128xf32>
    %get3A_202 = vector.shape_cast %get3A_201 : vector<1x256x1x128xf32> to vector<256x128xf32>
    %convert_element_type3A_203 = arith.truncf %get3A_202 : vector<256x128xf32> to vector<256x128xbf16>
    %dot_general3A_204 = arith.constant dense<0.000000e+00> : vector<128x256xf32>
    %dot_general3A_205 = tpu.matmul %convert_element_type3A_203, %convert_element_type3A, %dot_general3A_204 {dimension_numbers = #tpu.dot_dimension_numbers<[0], [1], [1], [0], [0, 1, 1, 0], [], []>, transpose_lhs_hint = false} : vector<256x128xbf16>, vector<256x256xbf16>, vector<128x256xf32> -> vector<128x256xf32>
    %dot_general3A_206 = arith.constant dense<0.000000e+00> : vector<128x256xf32>
    %dot_general3A_207 = tpu.matmul %convert_element_type3A_203, %convert_element_type3A_5, %dot_general3A_206 {dimension_numbers = #tpu.dot_dimension_numbers<[0], [1], [1], [0], [0, 1, 1, 0], [], []>, transpose_lhs_hint = false} : vector<256x128xbf16>, vector<256x256xbf16>, vector<128x256xf32> -> vector<128x256xf32>
    %bitcast_convert_type3A_208 = tpu.bitcast %dot_general3A_205 : vector<128x256xf32> -> vector<128x256xi32>
    %bitcast_convert_type3A_209 = tpu.bitcast %dot_general3A_207 : vector<128x256xf32> -> vector<128x256xi32>
    %add3A_210 = arith.constant 32768 : i32
    %add3A_211 = vector.broadcast %add3A_210 : i32 to vector<128x256xi32>
    %add3A_212 = arith.addi %bitcast_convert_type3A_208, %add3A_211 : vector<128x256xi32>
    %and3A_213 = arith.constant -65536 : i32
    %and3A_214 = vector.broadcast %and3A_213 : i32 to vector<128x256xi32>
    %and3A_215 = arith.andi %add3A_212, %and3A_214 : vector<128x256xi32>
    %add3A_216 = arith.constant 32768 : i32
    %add3A_217 = vector.broadcast %add3A_216 : i32 to vector<128x256xi32>
    %add3A_218 = arith.addi %bitcast_convert_type3A_209, %add3A_217 : vector<128x256xi32>
    %shift_right_logical3A_219 = arith.constant 16 : i32
    %shift_right_logical3A_220 = vector.broadcast %shift_right_logical3A_219 : i32 to vector<128x256xi32>
    %shift_right_logical3A_221 = arith.shrui %add3A_218, %shift_right_logical3A_220 : vector<128x256xi32>
    %or3A_222 = arith.ori %and3A_215, %shift_right_logical3A_221 : vector<128x256xi32>
    %bitcast_convert_type3A_223 = tpu.bitcast %or3A_222 : vector<128x256xi32> -> vector<128x256xi32>
    %swap3A_224 = arith.constant 6 : index
    %swap3A_225 = arith.constant 0 : index
    %swap3A_226 = arith.constant 0 : index
    %swap3A_227 = vector.load %arg5[%swap3A_224, %swap3A_225, %swap3A_226] : memref<8x128x256xi32, #tpu.memory_space<vmem>>, vector<1x128x256xi32>
    %swap3A_228 = vector.shape_cast %swap3A_227 : vector<1x128x256xi32> to vector<128x256xi32>
    %swap3A_229 = vector.shape_cast %bitcast_convert_type3A_223 : vector<128x256xi32> to vector<1x128x256xi32>
    tpu.vector_store %arg5[%swap3A_224, %swap3A_225, %swap3A_226], %swap3A_229 {strides = array<i32>} : memref<8x128x256xi32, #tpu.memory_space<vmem>>, vector<1x128x256xi32>,
    %get3A_230 = arith.constant 0 : index
    %get3A_231 = arith.constant 0 : index
    %get3A_232 = arith.constant 7 : index
    %get3A_233 = arith.constant 0 : index
    %get3A_234 = vector.load %arg1[%get3A_230, %get3A_231, %get3A_232, %get3A_233] : memref<1x256x8x128xf32, #tpu.memory_space<vmem>>, vector<1x256x1x128xf32>
    %get3A_235 = vector.shape_cast %get3A_234 : vector<1x256x1x128xf32> to vector<256x128xf32>
    %convert_element_type3A_236 = arith.truncf %get3A_235 : vector<256x128xf32> to vector<256x128xbf16>
    %dot_general3A_237 = arith.constant dense<0.000000e+00> : vector<128x256xf32>
    %dot_general3A_238 = tpu.matmul %convert_element_type3A_236, %convert_element_type3A, %dot_general3A_237 {dimension_numbers = #tpu.dot_dimension_numbers<[0], [1], [1], [0], [0, 1, 1, 0], [], []>, transpose_lhs_hint = false} : vector<256x128xbf16>, vector<256x256xbf16>, vector<128x256xf32> -> vector<128x256xf32>
    %dot_general3A_239 = arith.constant dense<0.000000e+00> : vector<128x256xf32>
    %dot_general3A_240 = tpu.matmul %convert_element_type3A_236, %convert_element_type3A_5, %dot_general3A_239 {dimension_numbers = #tpu.dot_dimension_numbers<[0], [1], [1], [0], [0, 1, 1, 0], [], []>, transpose_lhs_hint = false} : vector<256x128xbf16>, vector<256x256xbf16>, vector<128x256xf32> -> vector<128x256xf32>
    %bitcast_convert_type3A_241 = tpu.bitcast %dot_general3A_238 : vector<128x256xf32> -> vector<128x256xi32>
    %bitcast_convert_type3A_242 = tpu.bitcast %dot_general3A_240 : vector<128x256xf32> -> vector<128x256xi32>
    %add3A_243 = arith.constant 32768 : i32
    %add3A_244 = vector.broadcast %add3A_243 : i32 to vector<128x256xi32>
    %add3A_245 = arith.addi %bitcast_convert_type3A_241, %add3A_244 : vector<128x256xi32>
    %and3A_246 = arith.constant -65536 : i32
    %and3A_247 = vector.broadcast %and3A_246 : i32 to vector<128x256xi32>
    %and3A_248 = arith.andi %add3A_245, %and3A_247 : vector<128x256xi32>
    %add3A_249 = arith.constant 32768 : i32
    %add3A_250 = vector.broadcast %add3A_249 : i32 to vector<128x256xi32>
    %add3A_251 = arith.addi %bitcast_convert_type3A_242, %add3A_250 : vector<128x256xi32>
    %shift_right_logical3A_252 = arith.constant 16 : i32
    %shift_right_logical3A_253 = vector.broadcast %shift_right_logical3A_252 : i32 to vector<128x256xi32>
    %shift_right_logical3A_254 = arith.shrui %add3A_251, %shift_right_logical3A_253 : vector<128x256xi32>
    %or3A_255 = arith.ori %and3A_248, %shift_right_logical3A_254 : vector<128x256xi32>
    %bitcast_convert_type3A_256 = tpu.bitcast %or3A_255 : vector<128x256xi32> -> vector<128x256xi32>
    %swap3A_257 = arith.constant 7 : index
    %swap3A_258 = arith.constant 0 : index
    %swap3A_259 = arith.constant 0 : index
    %swap3A_260 = vector.load %arg5[%swap3A_257, %swap3A_258, %swap3A_259] : memref<8x128x256xi32, #tpu.memory_space<vmem>>, vector<1x128x256xi32>
    %swap3A_261 = vector.shape_cast %swap3A_260 : vector<1x128x256xi32> to vector<128x256xi32>
    %swap3A_262 = vector.shape_cast %bitcast_convert_type3A_256 : vector<128x256xi32> to vector<1x128x256xi32>
    tpu.vector_store %arg5[%swap3A_257, %swap3A_258, %swap3A_259], %swap3A_262 {strides = array<i32>} : memref<8x128x256xi32, #tpu.memory_space<vmem>>, vector<1x128x256xi32>,
    %get3A_263 = arith.constant 0 : index
    %get3A_264 = arith.constant 0 : index
    %get3A_265 = arith.constant 0 : index
    %get3A_266 = arith.constant 0 : index
    %get3A_267 = vector.load %arg2[%get3A_263, %get3A_264, %get3A_265, %get3A_266] : memref<1x1x1024x2xf32, #tpu.memory_space<vmem>>, vector<1x1x1024x2xf32>
    %get3A_268 = vector.shape_cast %get3A_267 : vector<1x1x1024x2xf32> to vector<1024x2xf32>
    %transpose3A = tpu.transpose %get3A_268, [1, 0] : vector<1024x2xf32> -> vector<2x1024xf32>
    %mul3A = arith.constant 1024 : i32
    %mul3A_269 = arith.muli %arg0, %mul3A : i32
    %iota3A = tpu.iota {dimensions = array<i32: 1>} : vector<1x1024xi32>
    %add3A_270 = vector.broadcast %mul3A_269 : i32 to vector<1x1024xi32>
    %add3A_271 = arith.addi %add3A_270, %iota3A : vector<1x1024xi32>
    %jit3A = arith.constant 128 : i32
    %div3A = vector.broadcast %jit3A : i32 to vector<1x1024xi32>
    %div3A_272 = arith.divsi %add3A_271, %div3A : vector<1x1024xi32>
    %sign3A = arith.constant 0 : i32
    %sign3A_273 = vector.broadcast %sign3A : i32 to vector<1x1024xi32>
    %sign3A_274 = arith.cmpi sgt, %add3A_271, %sign3A_273 : vector<1x1024xi32>
    %sign3A_275 = arith.extui %sign3A_274 : vector<1x1024xi1> to vector<1x1024xi32>
    %sign3A_276 = arith.constant 0 : i32
    %sign3A_277 = vector.broadcast %sign3A_276 : i32 to vector<1x1024xi32>
    %sign3A_278 = arith.cmpi slt, %add3A_271, %sign3A_277 : vector<1x1024xi32>
    %sign3A_279 = arith.extui %sign3A_278 : vector<1x1024xi1> to vector<1x1024xi32>
    %sign3A_280 = arith.subi %sign3A_275, %sign3A_279 : vector<1x1024xi32>
    %sign3A_281 = arith.constant 0 : i32
    %sign3A_282 = arith.cmpi sgt, %jit3A, %sign3A_281 : i32
    %sign3A_283 = arith.extui %sign3A_282 : i1 to i32
    %sign3A_284 = arith.constant 0 : i32
    %sign3A_285 = arith.cmpi slt, %jit3A, %sign3A_284 : i32
    %sign3A_286 = arith.extui %sign3A_285 : i1 to i32
    %sign3A_287 = arith.subi %sign3A_283, %sign3A_286 : i32
    %ne3A = vector.broadcast %sign3A_287 : i32 to vector<1x1024xi32>
    %ne3A_288 = arith.cmpi ne, %sign3A_280, %ne3A : vector<1x1024xi32>
    %rem3A = vector.broadcast %jit3A : i32 to vector<1x1024xi32>
    %rem3A_289 = arith.remsi %add3A_271, %rem3A : vector<1x1024xi32>
    %ne3A_290 = arith.constant 0 : i32
    %ne3A_291 = vector.broadcast %ne3A_290 : i32 to vector<1x1024xi32>
    %ne3A_292 = arith.cmpi ne, %rem3A_289, %ne3A_291 : vector<1x1024xi32>
    %and3A_293 = arith.andi %ne3A_288, %ne3A_292 : vector<1x1024xi1>
    %sub3A = arith.constant 1 : i32
    %sub3A_294 = vector.broadcast %sub3A : i32 to vector<1x1024xi32>
    %sub3A_295 = arith.subi %div3A_272, %sub3A_294 : vector<1x1024xi32>
    %select_n3A = arith.select %and3A_293, %sub3A_295, %div3A_272 : vector<1x1024xi1>, vector<1x1024xi32>
    %mul3A_296 = arith.constant 128 : i32
    %mul3A_297 = vector.broadcast %mul3A_296 : i32 to vector<1x1024xi32>
    %mul3A_298 = arith.muli %select_n3A, %mul3A_297 : vector<1x1024xi32>
    %sub3A_299 = arith.subi %add3A_271, %mul3A_298 : vector<1x1024xi32>
    %convert_element_type3A_300 = arith.sitofp %sub3A_299 : vector<1x1024xi32> to vector<1x1024xf32>
    %slice3A = vector.extract_strided_slice %transpose3A {offsets = [0, 0], sizes = [1, 1024], strides = [1, 1]} : vector<2x1024xf32> to vector<1x1024xf32>
    %add3A_301 = arith.addf %convert_element_type3A_300, %slice3A : vector<1x1024xf32>
    %convert_element_type3A_302 = arith.sitofp %select_n3A : vector<1x1024xi32> to vector<1x1024xf32>
    %slice3A_303 = vector.extract_strided_slice %transpose3A {offsets = [1, 0], sizes = [1, 1024], strides = [1, 1]} : vector<2x1024xf32> to vector<1x1024xf32>
    %add3A_304 = arith.addf %convert_element_type3A_302, %slice3A_303 : vector<1x1024xf32>
    %floor3A = math.floor %add3A_301 : vector<1x1024xf32>
    %convert_element_type3A_305 = arith.fptosi %floor3A : vector<1x1024xf32> to vector<1x1024xi32>
    %floor3A_306 = math.floor %add3A_304 : vector<1x1024xf32>
    %convert_element_type3A_307 = arith.fptosi %floor3A_306 : vector<1x1024xf32> to vector<1x1024xi32>
    %add3A_308 = arith.constant 0 : i32
    %add3A_309 = vector.broadcast %add3A_308 : i32 to vector<1x1024xi32>
    %add3A_310 = arith.addi %convert_element_type3A_307, %add3A_309 : vector<1x1024xi32>
    %jit3A_311 = arith.constant 0 : i32
    %jit3A_312 = arith.constant 127 : i32
    %max3A = vector.broadcast %jit3A_311 : i32 to vector<1x1024xi32>
    %max3A_313 = arith.maxsi %max3A, %add3A_310 : vector<1x1024xi32>
    %min3A = vector.broadcast %jit3A_312 : i32 to vector<1x1024xi32>
    %min3A_314 = arith.minsi %min3A, %max3A_313 : vector<1x1024xi32>
    %add3A_315 = arith.constant 0 : i32
    %add3A_316 = vector.broadcast %add3A_315 : i32 to vector<1x1024xi32>
    %add3A_317 = arith.addi %convert_element_type3A_305, %add3A_316 : vector<1x1024xi32>
    %jit3A_318 = arith.constant 0 : i32
    %jit3A_319 = arith.constant 127 : i32
    %max3A_320 = vector.broadcast %jit3A_318 : i32 to vector<1x1024xi32>
    %max3A_321 = arith.maxsi %max3A_320, %add3A_317 : vector<1x1024xi32>
    %min3A_322 = vector.broadcast %jit3A_319 : i32 to vector<1x1024xi32>
    %min3A_323 = arith.minsi %min3A_322, %max3A_321 : vector<1x1024xi32>
    %mul3A_324 = arith.constant 128 : i32
    %mul3A_325 = vector.broadcast %mul3A_324 : i32 to vector<1x1024xi32>
    %mul3A_326 = arith.muli %mul3A_325, %min3A_314 : vector<1x1024xi32>
    %add3A_327 = arith.addi %min3A_323, %mul3A_326 : vector<1x1024xi32>
    %add3A_328 = arith.constant 1 : i32
    %add3A_329 = vector.broadcast %add3A_328 : i32 to vector<1x1024xi32>
    %add3A_330 = arith.addi %convert_element_type3A_305, %add3A_329 : vector<1x1024xi32>
    %jit3A_331 = arith.constant 0 : i32
    %jit3A_332 = arith.constant 127 : i32
    %max3A_333 = vector.broadcast %jit3A_331 : i32 to vector<1x1024xi32>
    %max3A_334 = arith.maxsi %max3A_333, %add3A_330 : vector<1x1024xi32>
    %min3A_335 = vector.broadcast %jit3A_332 : i32 to vector<1x1024xi32>
    %min3A_336 = arith.minsi %min3A_335, %max3A_334 : vector<1x1024xi32>
    %mul3A_337 = arith.constant 128 : i32
    %mul3A_338 = vector.broadcast %mul3A_337 : i32 to vector<1x1024xi32>
    %mul3A_339 = arith.muli %mul3A_338, %min3A_314 : vector<1x1024xi32>
    %add3A_340 = arith.addi %min3A_336, %mul3A_339 : vector<1x1024xi32>
    %add3A_341 = arith.constant 1 : i32
    %add3A_342 = vector.broadcast %add3A_341 : i32 to vector<1x1024xi32>
    %add3A_343 = arith.addi %convert_element_type3A_307, %add3A_342 : vector<1x1024xi32>
    %jit3A_344 = arith.constant 0 : i32
    %jit3A_345 = arith.constant 127 : i32
    %max3A_346 = vector.broadcast %jit3A_344 : i32 to vector<1x1024xi32>
    %max3A_347 = arith.maxsi %max3A_346, %add3A_343 : vector<1x1024xi32>
    %min3A_348 = vector.broadcast %jit3A_345 : i32 to vector<1x1024xi32>
    %min3A_349 = arith.minsi %min3A_348, %max3A_347 : vector<1x1024xi32>
    %add3A_350 = arith.constant 0 : i32
    %add3A_351 = vector.broadcast %add3A_350 : i32 to vector<1x1024xi32>
    %add3A_352 = arith.addi %convert_element_type3A_305, %add3A_351 : vector<1x1024xi32>
    %jit3A_353 = arith.constant 0 : i32
    %jit3A_354 = arith.constant 127 : i32
    %max3A_355 = vector.broadcast %jit3A_353 : i32 to vector<1x1024xi32>
    %max3A_356 = arith.maxsi %max3A_355, %add3A_352 : vector<1x1024xi32>
    %min3A_357 = vector.broadcast %jit3A_354 : i32 to vector<1x1024xi32>
    %min3A_358 = arith.minsi %min3A_357, %max3A_356 : vector<1x1024xi32>
    %mul3A_359 = arith.constant 128 : i32
    %mul3A_360 = vector.broadcast %mul3A_359 : i32 to vector<1x1024xi32>
    %mul3A_361 = arith.muli %mul3A_360, %min3A_349 : vector<1x1024xi32>
    %add3A_362 = arith.addi %min3A_358, %mul3A_361 : vector<1x1024xi32>
    %add3A_363 = arith.constant 1 : i32
    %add3A_364 = vector.broadcast %add3A_363 : i32 to vector<1x1024xi32>
    %add3A_365 = arith.addi %convert_element_type3A_305, %add3A_364 : vector<1x1024xi32>
    %jit3A_366 = arith.constant 0 : i32
    %jit3A_367 = arith.constant 127 : i32
    %max3A_368 = vector.broadcast %jit3A_366 : i32 to vector<1x1024xi32>
    %max3A_369 = arith.maxsi %max3A_368, %add3A_365 : vector<1x1024xi32>
    %min3A_370 = vector.broadcast %jit3A_367 : i32 to vector<1x1024xi32>
    %min3A_371 = arith.minsi %min3A_370, %max3A_369 : vector<1x1024xi32>
    %mul3A_372 = arith.constant 128 : i32
    %mul3A_373 = vector.broadcast %mul3A_372 : i32 to vector<1x1024xi32>
    %mul3A_374 = arith.muli %mul3A_373, %min3A_349 : vector<1x1024xi32>
    %add3A_375 = arith.addi %min3A_371, %mul3A_374 : vector<1x1024xi32>
    %concatenate3A = tpu.concatenate %add3A_327, %add3A_340, %add3A_362, %add3A_375, %add3A_327, %add3A_340, %add3A_362, %add3A_375 in 0 : vector<1x1024xi32>, vector<1x1024xi32>, vector<1x1024xi32>, vector<1x1024xi32>, vector<1x1024xi32>, vector<1x1024xi32>, vector<1x1024xi32>, vector<1x1024xi32> -> vector<8x1024xi32>
    %swap3A_376 = arith.constant 0 : index
    %swap3A_377 = arith.constant 0 : index
    %swap3A_378 = vector.load %arg6[%swap3A_376, %swap3A_377] : memref<8x1024xi32, #tpu.memory_space<vmem>>, vector<8x1024xi32>
    tpu.vector_store %arg6[%swap3A_376, %swap3A_377], %concatenate3A {strides = array<i32>} : memref<8x1024xi32, #tpu.memory_space<vmem>>, vector<8x1024xi32>,
    return
  }
  func.func @transform_0(%arg0: i32) -> (i32, i32, i32, i32) {
    %c1_i32 = arith.constant 1 : i32
    %c0_i32 = arith.constant 0 : i32
    %c0_i32_0 = arith.constant 0 : i32
    %c0_i32_1 = arith.constant 0 : i32
    return %c1_i32, %c0_i32, %arg0, %c0_i32_0 : i32, i32, i32, i32
  }
  func.func @transform_1(%arg0: i32) -> (i32, i32, i32, i32) {
    %c1_i32 = arith.constant 1 : i32
    %c0_i32 = arith.constant 0 : i32
    %c0_i32_0 = arith.constant 0 : i32
    %c0_i32_1 = arith.constant 0 : i32
    return %c1_i32, %arg0, %c0_i32, %c0_i32_0 : i32, i32, i32, i32
  }
  func.func @transform_2(%arg0: i32) -> (i32, i32) {
    %c0_i32 = arith.constant 0 : i32
    %c0_i32_0 = arith.constant 0 : i32
    %c0_i32_1 = arith.constant 0 : i32
    return %c0_i32, %c0_i32_0 : i32, i32
  }
  func.func @transform_3(%arg0: i32) -> (i32, i32) {
    %c0_i32 = arith.constant 0 : i32
    %c0_i32_0 = arith.constant 0 : i32
    %c0_i32_1 = arith.constant 0 : i32
    return %c0_i32, %c0_i32_0 : i32, i32
  }
  func.func @transform_4(%arg0: i32) -> (i32, i32, i32) {
    %c0_i32 = arith.constant 0 : i32
    %c0_i32_0 = arith.constant 0 : i32
    %c0_i32_1 = arith.constant 0 : i32
    return %arg0, %c0_i32, %c0_i32_0 : i32, i32, i32
  }
  func.func @transform_5(%arg0: i32) -> (i32, i32) {
    %c0_i32 = arith.constant 0 : i32
    %c0_i32_0 = arith.constant 0 : i32
    return %c0_i32, %arg0 : i32, i32
  }
}

module attributes {stable_mosaic.version = 14 : i64} {
  func.func @_proj_body(%arg0: i32, %arg1: memref<1x256x8x128xf32, #tpu.memory_space<vmem>>, %arg2: memref<1x1x1024x2xf32, #tpu.memory_space<vmem>>, %arg3: memref<256x256xf32, #tpu.memory_space<vmem>>, %arg4: memref<256x256xf32, #tpu.memory_space<vmem>>, %arg5: memref<8x128x256xi32, #tpu.memory_space<vmem>>, %arg6: memref<8x1024xi32, #tpu.memory_space<vmem>>) attributes {dimension_semantics = [#tpu.dimension_semantics<arbitrary>], iteration_bounds = array<i64: 16>, scalar_prefetch = 0 : i64, scratch_operands = 0 : i64, tpu.core_type = #tpu.core_type<tc>, window_params = [{transform_indices = @transform_0, window_bounds = array<i64: 1, 256, 8, 128>}, {transform_indices = @transform_1, window_bounds = array<i64: 1, 1, 1024, 2>}, {pipeline_mode = #tpu.pipeline_mode<synchronous>, transform_indices = @transform_2, window_bounds = array<i64: 256, 256>}, {pipeline_mode = #tpu.pipeline_mode<synchronous>, transform_indices = @transform_3, window_bounds = array<i64: 256, 256>}, {transform_indices = @transform_4, window_bounds = array<i64: 8, 128, 256>}, {transform_indices = @transform_5, window_bounds = array<i64: 8, 1024>}]} {
    %get3A = arith.constant 0 : index
    %get3A_0 = arith.constant 0 : index
    %get3A_1 = vector.load %arg3[%get3A, %get3A_0] : memref<256x256xf32, #tpu.memory_space<vmem>>, vector<256x256xf32>
    %convert_element_type3A = arith.truncf %get3A_1 : vector<256x256xf32> to vector<256x256xbf16>
    %get3A_2 = arith.constant 0 : index
    %get3A_3 = arith.constant 0 : index
    %get3A_4 = vector.load %arg4[%get3A_2, %get3A_3] : memref<256x256xf32, #tpu.memory_space<vmem>>, vector<256x256xf32>
    %convert_element_type3A_5 = arith.truncf %get3A_4 : vector<256x256xf32> to vector<256x256xbf16>
    %get3A_6 = arith.constant 0 : index
    %get3A_7 = arith.constant 0 : index
    %get3A_8 = arith.constant 0 : index
    %get3A_9 = arith.constant 0 : index
    %get3A_10 = vector.load %arg1[%get3A_6, %get3A_7, %get3A_8, %get3A_9] : memref<1x256x8x128xf32, #tpu.memory_space<vmem>>, vector<1x256x1x128xf32>
    %get3A_11 = vector.shape_cast %get3A_10 : vector<1x256x1x128xf32> to vector<256x128xf32>
    %convert_element_type3A_12 = arith.truncf %get3A_11 : vector<256x128xf32> to vector<256x128xbf16>
    %dot_general3A = arith.constant dense<0.000000e+00> : vector<128x256xf32>
    %dot_general3A_13 = tpu.matmul %convert_element_type3A_12, %convert_element_type3A, %dot_general3A {dimension_numbers = #tpu.dot_dimension_numbers<[0], [1], [1], [0], [0, 1, 1, 0], [], []>, transpose_lhs_hint = false} : vector<256x128xbf16>, vector<256x256xbf16>, vector<128x256xf32> -> vector<128x256xf32>
    %dot_general3A_14 = arith.constant dense<0.000000e+00> : vector<128x256xf32>
    %dot_general3A_15 = tpu.matmul %convert_element_type3A_12, %convert_element_type3A_5, %dot_general3A_14 {dimension_numbers = #tpu.dot_dimension_numbers<[0], [1], [1], [0], [0, 1, 1, 0], [], []>, transpose_lhs_hint = false} : vector<256x128xbf16>, vector<256x256xbf16>, vector<128x256xf32> -> vector<128x256xf32>
    %bitcast_convert_type3A = tpu.bitcast %dot_general3A_13 : vector<128x256xf32> -> vector<128x256xi32>
    %bitcast_convert_type3A_16 = tpu.bitcast %dot_general3A_15 : vector<128x256xf32> -> vector<128x256xi32>
    %add3A = arith.constant 32768 : i32
    %add3A_17 = vector.broadcast %add3A : i32 to vector<128x256xi32>
    %add3A_18 = arith.addi %bitcast_convert_type3A, %add3A_17 : vector<128x256xi32>
    %and3A = arith.constant -65536 : i32
    %and3A_19 = vector.broadcast %and3A : i32 to vector<128x256xi32>
    %and3A_20 = arith.andi %add3A_18, %and3A_19 : vector<128x256xi32>
    %add3A_21 = arith.constant 32768 : i32
    %add3A_22 = vector.broadcast %add3A_21 : i32 to vector<128x256xi32>
    %add3A_23 = arith.addi %bitcast_convert_type3A_16, %add3A_22 : vector<128x256xi32>
    %shift_right_logical3A = arith.constant 16 : i32
    %shift_right_logical3A_24 = vector.broadcast %shift_right_logical3A : i32 to vector<128x256xi32>
    %shift_right_logical3A_25 = arith.shrui %add3A_23, %shift_right_logical3A_24 : vector<128x256xi32>
    %or3A = arith.ori %and3A_20, %shift_right_logical3A_25 : vector<128x256xi32>
    %bitcast_convert_type3A_26 = tpu.bitcast %or3A : vector<128x256xi32> -> vector<128x256xi32>
    %swap3A = arith.constant 0 : index
    %swap3A_27 = arith.constant 0 : index
    %swap3A_28 = arith.constant 0 : index
    %swap3A_29 = vector.load %arg5[%swap3A, %swap3A_27, %swap3A_28] : memref<8x128x256xi32, #tpu.memory_space<vmem>>, vector<1x128x256xi32>
    %swap3A_30 = vector.shape_cast %swap3A_29 : vector<1x128x256xi32> to vector<128x256xi32>
    %swap3A_31 = vector.shape_cast %bitcast_convert_type3A_26 : vector<128x256xi32> to vector<1x128x256xi32>
    tpu.vector_store %arg5[%swap3A, %swap3A_27, %swap3A_28], %swap3A_31 {strides = array<i32>} : memref<8x128x256xi32, #tpu.memory_space<vmem>>, vector<1x128x256xi32>,
    %get3A_32 = arith.constant 0 : index
    %get3A_33 = arith.constant 0 : index
    %get3A_34 = arith.constant 1 : index
    %get3A_35 = arith.constant 0 : index
    %get3A_36 = vector.load %arg1[%get3A_32, %get3A_33, %get3A_34, %get3A_35] : memref<1x256x8x128xf32, #tpu.memory_space<vmem>>, vector<1x256x1x128xf32>
    %get3A_37 = vector.shape_cast %get3A_36 : vector<1x256x1x128xf32> to vector<256x128xf32>
    %convert_element_type3A_38 = arith.truncf %get3A_37 : vector<256x128xf32> to vector<256x128xbf16>
    %dot_general3A_39 = arith.constant dense<0.000000e+00> : vector<128x256xf32>
    %dot_general3A_40 = tpu.matmul %convert_element_type3A_38, %convert_element_type3A, %dot_general3A_39 {dimension_numbers = #tpu.dot_dimension_numbers<[0], [1], [1], [0], [0, 1, 1, 0], [], []>, transpose_lhs_hint = false} : vector<256x128xbf16>, vector<256x256xbf16>, vector<128x256xf32> -> vector<128x256xf32>
    %dot_general3A_41 = arith.constant dense<0.000000e+00> : vector<128x256xf32>
    %dot_general3A_42 = tpu.matmul %convert_element_type3A_38, %convert_element_type3A_5, %dot_general3A_41 {dimension_numbers = #tpu.dot_dimension_numbers<[0], [1], [1], [0], [0, 1, 1, 0], [], []>, transpose_lhs_hint = false} : vector<256x128xbf16>, vector<256x256xbf16>, vector<128x256xf32> -> vector<128x256xf32>
    %bitcast_convert_type3A_43 = tpu.bitcast %dot_general3A_40 : vector<128x256xf32> -> vector<128x256xi32>
    %bitcast_convert_type3A_44 = tpu.bitcast %dot_general3A_42 : vector<128x256xf32> -> vector<128x256xi32>
    %add3A_45 = arith.constant 32768 : i32
    %add3A_46 = vector.broadcast %add3A_45 : i32 to vector<128x256xi32>
    %add3A_47 = arith.addi %bitcast_convert_type3A_43, %add3A_46 : vector<128x256xi32>
    %and3A_48 = arith.constant -65536 : i32
    %and3A_49 = vector.broadcast %and3A_48 : i32 to vector<128x256xi32>
    %and3A_50 = arith.andi %add3A_47, %and3A_49 : vector<128x256xi32>
    %add3A_51 = arith.constant 32768 : i32
    %add3A_52 = vector.broadcast %add3A_51 : i32 to vector<128x256xi32>
    %add3A_53 = arith.addi %bitcast_convert_type3A_44, %add3A_52 : vector<128x256xi32>
    %shift_right_logical3A_54 = arith.constant 16 : i32
    %shift_right_logical3A_55 = vector.broadcast %shift_right_logical3A_54 : i32 to vector<128x256xi32>
    %shift_right_logical3A_56 = arith.shrui %add3A_53, %shift_right_logical3A_55 : vector<128x256xi32>
    %or3A_57 = arith.ori %and3A_50, %shift_right_logical3A_56 : vector<128x256xi32>
    %bitcast_convert_type3A_58 = tpu.bitcast %or3A_57 : vector<128x256xi32> -> vector<128x256xi32>
    %swap3A_59 = arith.constant 1 : index
    %swap3A_60 = arith.constant 0 : index
    %swap3A_61 = arith.constant 0 : index
    %swap3A_62 = vector.load %arg5[%swap3A_59, %swap3A_60, %swap3A_61] : memref<8x128x256xi32, #tpu.memory_space<vmem>>, vector<1x128x256xi32>
    %swap3A_63 = vector.shape_cast %swap3A_62 : vector<1x128x256xi32> to vector<128x256xi32>
    %swap3A_64 = vector.shape_cast %bitcast_convert_type3A_58 : vector<128x256xi32> to vector<1x128x256xi32>
    tpu.vector_store %arg5[%swap3A_59, %swap3A_60, %swap3A_61], %swap3A_64 {strides = array<i32>} : memref<8x128x256xi32, #tpu.memory_space<vmem>>, vector<1x128x256xi32>,
    %get3A_65 = arith.constant 0 : index
    %get3A_66 = arith.constant 0 : index
    %get3A_67 = arith.constant 2 : index
    %get3A_68 = arith.constant 0 : index
    %get3A_69 = vector.load %arg1[%get3A_65, %get3A_66, %get3A_67, %get3A_68] : memref<1x256x8x128xf32, #tpu.memory_space<vmem>>, vector<1x256x1x128xf32>
    %get3A_70 = vector.shape_cast %get3A_69 : vector<1x256x1x128xf32> to vector<256x128xf32>
    %convert_element_type3A_71 = arith.truncf %get3A_70 : vector<256x128xf32> to vector<256x128xbf16>
    %dot_general3A_72 = arith.constant dense<0.000000e+00> : vector<128x256xf32>
    %dot_general3A_73 = tpu.matmul %convert_element_type3A_71, %convert_element_type3A, %dot_general3A_72 {dimension_numbers = #tpu.dot_dimension_numbers<[0], [1], [1], [0], [0, 1, 1, 0], [], []>, transpose_lhs_hint = false} : vector<256x128xbf16>, vector<256x256xbf16>, vector<128x256xf32> -> vector<128x256xf32>
    %dot_general3A_74 = arith.constant dense<0.000000e+00> : vector<128x256xf32>
    %dot_general3A_75 = tpu.matmul %convert_element_type3A_71, %convert_element_type3A_5, %dot_general3A_74 {dimension_numbers = #tpu.dot_dimension_numbers<[0], [1], [1], [0], [0, 1, 1, 0], [], []>, transpose_lhs_hint = false} : vector<256x128xbf16>, vector<256x256xbf16>, vector<128x256xf32> -> vector<128x256xf32>
    %bitcast_convert_type3A_76 = tpu.bitcast %dot_general3A_73 : vector<128x256xf32> -> vector<128x256xi32>
    %bitcast_convert_type3A_77 = tpu.bitcast %dot_general3A_75 : vector<128x256xf32> -> vector<128x256xi32>
    %add3A_78 = arith.constant 32768 : i32
    %add3A_79 = vector.broadcast %add3A_78 : i32 to vector<128x256xi32>
    %add3A_80 = arith.addi %bitcast_convert_type3A_76, %add3A_79 : vector<128x256xi32>
    %and3A_81 = arith.constant -65536 : i32
    %and3A_82 = vector.broadcast %and3A_81 : i32 to vector<128x256xi32>
    %and3A_83 = arith.andi %add3A_80, %and3A_82 : vector<128x256xi32>
    %add3A_84 = arith.constant 32768 : i32
    %add3A_85 = vector.broadcast %add3A_84 : i32 to vector<128x256xi32>
    %add3A_86 = arith.addi %bitcast_convert_type3A_77, %add3A_85 : vector<128x256xi32>
    %shift_right_logical3A_87 = arith.constant 16 : i32
    %shift_right_logical3A_88 = vector.broadcast %shift_right_logical3A_87 : i32 to vector<128x256xi32>
    %shift_right_logical3A_89 = arith.shrui %add3A_86, %shift_right_logical3A_88 : vector<128x256xi32>
    %or3A_90 = arith.ori %and3A_83, %shift_right_logical3A_89 : vector<128x256xi32>
    %bitcast_convert_type3A_91 = tpu.bitcast %or3A_90 : vector<128x256xi32> -> vector<128x256xi32>
    %swap3A_92 = arith.constant 2 : index
    %swap3A_93 = arith.constant 0 : index
    %swap3A_94 = arith.constant 0 : index
    %swap3A_95 = vector.load %arg5[%swap3A_92, %swap3A_93, %swap3A_94] : memref<8x128x256xi32, #tpu.memory_space<vmem>>, vector<1x128x256xi32>
    %swap3A_96 = vector.shape_cast %swap3A_95 : vector<1x128x256xi32> to vector<128x256xi32>
    %swap3A_97 = vector.shape_cast %bitcast_convert_type3A_91 : vector<128x256xi32> to vector<1x128x256xi32>
    tpu.vector_store %arg5[%swap3A_92, %swap3A_93, %swap3A_94], %swap3A_97 {strides = array<i32>} : memref<8x128x256xi32, #tpu.memory_space<vmem>>, vector<1x128x256xi32>,
    %get3A_98 = arith.constant 0 : index
    %get3A_99 = arith.constant 0 : index
    %get3A_100 = arith.constant 3 : index
    %get3A_101 = arith.constant 0 : index
    %get3A_102 = vector.load %arg1[%get3A_98, %get3A_99, %get3A_100, %get3A_101] : memref<1x256x8x128xf32, #tpu.memory_space<vmem>>, vector<1x256x1x128xf32>
    %get3A_103 = vector.shape_cast %get3A_102 : vector<1x256x1x128xf32> to vector<256x128xf32>
    %convert_element_type3A_104 = arith.truncf %get3A_103 : vector<256x128xf32> to vector<256x128xbf16>
    %dot_general3A_105 = arith.constant dense<0.000000e+00> : vector<128x256xf32>
    %dot_general3A_106 = tpu.matmul %convert_element_type3A_104, %convert_element_type3A, %dot_general3A_105 {dimension_numbers = #tpu.dot_dimension_numbers<[0], [1], [1], [0], [0, 1, 1, 0], [], []>, transpose_lhs_hint = false} : vector<256x128xbf16>, vector<256x256xbf16>, vector<128x256xf32> -> vector<128x256xf32>
    %dot_general3A_107 = arith.constant dense<0.000000e+00> : vector<128x256xf32>
    %dot_general3A_108 = tpu.matmul %convert_element_type3A_104, %convert_element_type3A_5, %dot_general3A_107 {dimension_numbers = #tpu.dot_dimension_numbers<[0], [1], [1], [0], [0, 1, 1, 0], [], []>, transpose_lhs_hint = false} : vector<256x128xbf16>, vector<256x256xbf16>, vector<128x256xf32> -> vector<128x256xf32>
    %bitcast_convert_type3A_109 = tpu.bitcast %dot_general3A_106 : vector<128x256xf32> -> vector<128x256xi32>
    %bitcast_convert_type3A_110 = tpu.bitcast %dot_general3A_108 : vector<128x256xf32> -> vector<128x256xi32>
    %add3A_111 = arith.constant 32768 : i32
    %add3A_112 = vector.broadcast %add3A_111 : i32 to vector<128x256xi32>
    %add3A_113 = arith.addi %bitcast_convert_type3A_109, %add3A_112 : vector<128x256xi32>
    %and3A_114 = arith.constant -65536 : i32
    %and3A_115 = vector.broadcast %and3A_114 : i32 to vector<128x256xi32>
    %and3A_116 = arith.andi %add3A_113, %and3A_115 : vector<128x256xi32>
    %add3A_117 = arith.constant 32768 : i32
    %add3A_118 = vector.broadcast %add3A_117 : i32 to vector<128x256xi32>
    %add3A_119 = arith.addi %bitcast_convert_type3A_110, %add3A_118 : vector<128x256xi32>
    %shift_right_logical3A_120 = arith.constant 16 : i32
    %shift_right_logical3A_121 = vector.broadcast %shift_right_logical3A_120 : i32 to vector<128x256xi32>
    %shift_right_logical3A_122 = arith.shrui %add3A_119, %shift_right_logical3A_121 : vector<128x256xi32>
    %or3A_123 = arith.ori %and3A_116, %shift_right_logical3A_122 : vector<128x256xi32>
    %bitcast_convert_type3A_124 = tpu.bitcast %or3A_123 : vector<128x256xi32> -> vector<128x256xi32>
    %swap3A_125 = arith.constant 3 : index
    %swap3A_126 = arith.constant 0 : index
    %swap3A_127 = arith.constant 0 : index
    %swap3A_128 = vector.load %arg5[%swap3A_125, %swap3A_126, %swap3A_127] : memref<8x128x256xi32, #tpu.memory_space<vmem>>, vector<1x128x256xi32>
    %swap3A_129 = vector.shape_cast %swap3A_128 : vector<1x128x256xi32> to vector<128x256xi32>
    %swap3A_130 = vector.shape_cast %bitcast_convert_type3A_124 : vector<128x256xi32> to vector<1x128x256xi32>
    tpu.vector_store %arg5[%swap3A_125, %swap3A_126, %swap3A_127], %swap3A_130 {strides = array<i32>} : memref<8x128x256xi32, #tpu.memory_space<vmem>>, vector<1x128x256xi32>,
    %get3A_131 = arith.constant 0 : index
    %get3A_132 = arith.constant 0 : index
    %get3A_133 = arith.constant 4 : index
    %get3A_134 = arith.constant 0 : index
    %get3A_135 = vector.load %arg1[%get3A_131, %get3A_132, %get3A_133, %get3A_134] : memref<1x256x8x128xf32, #tpu.memory_space<vmem>>, vector<1x256x1x128xf32>
    %get3A_136 = vector.shape_cast %get3A_135 : vector<1x256x1x128xf32> to vector<256x128xf32>
    %convert_element_type3A_137 = arith.truncf %get3A_136 : vector<256x128xf32> to vector<256x128xbf16>
    %dot_general3A_138 = arith.constant dense<0.000000e+00> : vector<128x256xf32>
    %dot_general3A_139 = tpu.matmul %convert_element_type3A_137, %convert_element_type3A, %dot_general3A_138 {dimension_numbers = #tpu.dot_dimension_numbers<[0], [1], [1], [0], [0, 1, 1, 0], [], []>, transpose_lhs_hint = false} : vector<256x128xbf16>, vector<256x256xbf16>, vector<128x256xf32> -> vector<128x256xf32>
    %dot_general3A_140 = arith.constant dense<0.000000e+00> : vector<128x256xf32>
    %dot_general3A_141 = tpu.matmul %convert_element_type3A_137, %convert_element_type3A_5, %dot_general3A_140 {dimension_numbers = #tpu.dot_dimension_numbers<[0], [1], [1], [0], [0, 1, 1, 0], [], []>, transpose_lhs_hint = false} : vector<256x128xbf16>, vector<256x256xbf16>, vector<128x256xf32> -> vector<128x256xf32>
    %bitcast_convert_type3A_142 = tpu.bitcast %dot_general3A_139 : vector<128x256xf32> -> vector<128x256xi32>
    %bitcast_convert_type3A_143 = tpu.bitcast %dot_general3A_141 : vector<128x256xf32> -> vector<128x256xi32>
    %add3A_144 = arith.constant 32768 : i32
    %add3A_145 = vector.broadcast %add3A_144 : i32 to vector<128x256xi32>
    %add3A_146 = arith.addi %bitcast_convert_type3A_142, %add3A_145 : vector<128x256xi32>
    %and3A_147 = arith.constant -65536 : i32
    %and3A_148 = vector.broadcast %and3A_147 : i32 to vector<128x256xi32>
    %and3A_149 = arith.andi %add3A_146, %and3A_148 : vector<128x256xi32>
    %add3A_150 = arith.constant 32768 : i32
    %add3A_151 = vector.broadcast %add3A_150 : i32 to vector<128x256xi32>
    %add3A_152 = arith.addi %bitcast_convert_type3A_143, %add3A_151 : vector<128x256xi32>
    %shift_right_logical3A_153 = arith.constant 16 : i32
    %shift_right_logical3A_154 = vector.broadcast %shift_right_logical3A_153 : i32 to vector<128x256xi32>
    %shift_right_logical3A_155 = arith.shrui %add3A_152, %shift_right_logical3A_154 : vector<128x256xi32>
    %or3A_156 = arith.ori %and3A_149, %shift_right_logical3A_155 : vector<128x256xi32>
    %bitcast_convert_type3A_157 = tpu.bitcast %or3A_156 : vector<128x256xi32> -> vector<128x256xi32>
    %swap3A_158 = arith.constant 4 : index
    %swap3A_159 = arith.constant 0 : index
    %swap3A_160 = arith.constant 0 : index
    %swap3A_161 = vector.load %arg5[%swap3A_158, %swap3A_159, %swap3A_160] : memref<8x128x256xi32, #tpu.memory_space<vmem>>, vector<1x128x256xi32>
    %swap3A_162 = vector.shape_cast %swap3A_161 : vector<1x128x256xi32> to vector<128x256xi32>
    %swap3A_163 = vector.shape_cast %bitcast_convert_type3A_157 : vector<128x256xi32> to vector<1x128x256xi32>
    tpu.vector_store %arg5[%swap3A_158, %swap3A_159, %swap3A_160], %swap3A_163 {strides = array<i32>} : memref<8x128x256xi32, #tpu.memory_space<vmem>>, vector<1x128x256xi32>,
    %get3A_164 = arith.constant 0 : index
    %get3A_165 = arith.constant 0 : index
    %get3A_166 = arith.constant 5 : index
    %get3A_167 = arith.constant 0 : index
    %get3A_168 = vector.load %arg1[%get3A_164, %get3A_165, %get3A_166, %get3A_167] : memref<1x256x8x128xf32, #tpu.memory_space<vmem>>, vector<1x256x1x128xf32>
    %get3A_169 = vector.shape_cast %get3A_168 : vector<1x256x1x128xf32> to vector<256x128xf32>
    %convert_element_type3A_170 = arith.truncf %get3A_169 : vector<256x128xf32> to vector<256x128xbf16>
    %dot_general3A_171 = arith.constant dense<0.000000e+00> : vector<128x256xf32>
    %dot_general3A_172 = tpu.matmul %convert_element_type3A_170, %convert_element_type3A, %dot_general3A_171 {dimension_numbers = #tpu.dot_dimension_numbers<[0], [1], [1], [0], [0, 1, 1, 0], [], []>, transpose_lhs_hint = false} : vector<256x128xbf16>, vector<256x256xbf16>, vector<128x256xf32> -> vector<128x256xf32>
    %dot_general3A_173 = arith.constant dense<0.000000e+00> : vector<128x256xf32>
    %dot_general3A_174 = tpu.matmul %convert_element_type3A_170, %convert_element_type3A_5, %dot_general3A_173 {dimension_numbers = #tpu.dot_dimension_numbers<[0], [1], [1], [0], [0, 1, 1, 0], [], []>, transpose_lhs_hint = false} : vector<256x128xbf16>, vector<256x256xbf16>, vector<128x256xf32> -> vector<128x256xf32>
    %bitcast_convert_type3A_175 = tpu.bitcast %dot_general3A_172 : vector<128x256xf32> -> vector<128x256xi32>
    %bitcast_convert_type3A_176 = tpu.bitcast %dot_general3A_174 : vector<128x256xf32> -> vector<128x256xi32>
    %add3A_177 = arith.constant 32768 : i32
    %add3A_178 = vector.broadcast %add3A_177 : i32 to vector<128x256xi32>
    %add3A_179 = arith.addi %bitcast_convert_type3A_175, %add3A_178 : vector<128x256xi32>
    %and3A_180 = arith.constant -65536 : i32
    %and3A_181 = vector.broadcast %and3A_180 : i32 to vector<128x256xi32>
    %and3A_182 = arith.andi %add3A_179, %and3A_181 : vector<128x256xi32>
    %add3A_183 = arith.constant 32768 : i32
    %add3A_184 = vector.broadcast %add3A_183 : i32 to vector<128x256xi32>
    %add3A_185 = arith.addi %bitcast_convert_type3A_176, %add3A_184 : vector<128x256xi32>
    %shift_right_logical3A_186 = arith.constant 16 : i32
    %shift_right_logical3A_187 = vector.broadcast %shift_right_logical3A_186 : i32 to vector<128x256xi32>
    %shift_right_logical3A_188 = arith.shrui %add3A_185, %shift_right_logical3A_187 : vector<128x256xi32>
    %or3A_189 = arith.ori %and3A_182, %shift_right_logical3A_188 : vector<128x256xi32>
    %bitcast_convert_type3A_190 = tpu.bitcast %or3A_189 : vector<128x256xi32> -> vector<128x256xi32>
    %swap3A_191 = arith.constant 5 : index
    %swap3A_192 = arith.constant 0 : index
    %swap3A_193 = arith.constant 0 : index
    %swap3A_194 = vector.load %arg5[%swap3A_191, %swap3A_192, %swap3A_193] : memref<8x128x256xi32, #tpu.memory_space<vmem>>, vector<1x128x256xi32>
    %swap3A_195 = vector.shape_cast %swap3A_194 : vector<1x128x256xi32> to vector<128x256xi32>
    %swap3A_196 = vector.shape_cast %bitcast_convert_type3A_190 : vector<128x256xi32> to vector<1x128x256xi32>
    tpu.vector_store %arg5[%swap3A_191, %swap3A_192, %swap3A_193], %swap3A_196 {strides = array<i32>} : memref<8x128x256xi32, #tpu.memory_space<vmem>>, vector<1x128x256xi32>,
    %get3A_197 = arith.constant 0 : index
    %get3A_198 = arith.constant 0 : index
    %get3A_199 = arith.constant 6 : index
    %get3A_200 = arith.constant 0 : index
    %get3A_201 = vector.load %arg1[%get3A_197, %get3A_198, %get3A_199, %get3A_200] : memref<1x256x8x128xf32, #tpu.memory_space<vmem>>, vector<1x256x1x128xf32>
    %get3A_202 = vector.shape_cast %get3A_201 : vector<1x256x1x128xf32> to vector<256x128xf32>
    %convert_element_type3A_203 = arith.truncf %get3A_202 : vector<256x128xf32> to vector<256x128xbf16>
    %dot_general3A_204 = arith.constant dense<0.000000e+00> : vector<128x256xf32>
    %dot_general3A_205 = tpu.matmul %convert_element_type3A_203, %convert_element_type3A, %dot_general3A_204 {dimension_numbers = #tpu.dot_dimension_numbers<[0], [1], [1], [0], [0, 1, 1, 0], [], []>, transpose_lhs_hint = false} : vector<256x128xbf16>, vector<256x256xbf16>, vector<128x256xf32> -> vector<128x256xf32>
    %dot_general3A_206 = arith.constant dense<0.000000e+00> : vector<128x256xf32>
    %dot_general3A_207 = tpu.matmul %convert_element_type3A_203, %convert_element_type3A_5, %dot_general3A_206 {dimension_numbers = #tpu.dot_dimension_numbers<[0], [1], [1], [0], [0, 1, 1, 0], [], []>, transpose_lhs_hint = false} : vector<256x128xbf16>, vector<256x256xbf16>, vector<128x256xf32> -> vector<128x256xf32>
    %bitcast_convert_type3A_208 = tpu.bitcast %dot_general3A_205 : vector<128x256xf32> -> vector<128x256xi32>
    %bitcast_convert_type3A_209 = tpu.bitcast %dot_general3A_207 : vector<128x256xf32> -> vector<128x256xi32>
    %add3A_210 = arith.constant 32768 : i32
    %add3A_211 = vector.broadcast %add3A_210 : i32 to vector<128x256xi32>
    %add3A_212 = arith.addi %bitcast_convert_type3A_208, %add3A_211 : vector<128x256xi32>
    %and3A_213 = arith.constant -65536 : i32
    %and3A_214 = vector.broadcast %and3A_213 : i32 to vector<128x256xi32>
    %and3A_215 = arith.andi %add3A_212, %and3A_214 : vector<128x256xi32>
    %add3A_216 = arith.constant 32768 : i32
    %add3A_217 = vector.broadcast %add3A_216 : i32 to vector<128x256xi32>
    %add3A_218 = arith.addi %bitcast_convert_type3A_209, %add3A_217 : vector<128x256xi32>
    %shift_right_logical3A_219 = arith.constant 16 : i32
    %shift_right_logical3A_220 = vector.broadcast %shift_right_logical3A_219 : i32 to vector<128x256xi32>
    %shift_right_logical3A_221 = arith.shrui %add3A_218, %shift_right_logical3A_220 : vector<128x256xi32>
    %or3A_222 = arith.ori %and3A_215, %shift_right_logical3A_221 : vector<128x256xi32>
    %bitcast_convert_type3A_223 = tpu.bitcast %or3A_222 : vector<128x256xi32> -> vector<128x256xi32>
    %swap3A_224 = arith.constant 6 : index
    %swap3A_225 = arith.constant 0 : index
    %swap3A_226 = arith.constant 0 : index
    %swap3A_227 = vector.load %arg5[%swap3A_224, %swap3A_225, %swap3A_226] : memref<8x128x256xi32, #tpu.memory_space<vmem>>, vector<1x128x256xi32>
    %swap3A_228 = vector.shape_cast %swap3A_227 : vector<1x128x256xi32> to vector<128x256xi32>
    %swap3A_229 = vector.shape_cast %bitcast_convert_type3A_223 : vector<128x256xi32> to vector<1x128x256xi32>
    tpu.vector_store %arg5[%swap3A_224, %swap3A_225, %swap3A_226], %swap3A_229 {strides = array<i32>} : memref<8x128x256xi32, #tpu.memory_space<vmem>>, vector<1x128x256xi32>,
    %get3A_230 = arith.constant 0 : index
    %get3A_231 = arith.constant 0 : index
    %get3A_232 = arith.constant 7 : index
    %get3A_233 = arith.constant 0 : index
    %get3A_234 = vector.load %arg1[%get3A_230, %get3A_231, %get3A_232, %get3A_233] : memref<1x256x8x128xf32, #tpu.memory_space<vmem>>, vector<1x256x1x128xf32>
    %get3A_235 = vector.shape_cast %get3A_234 : vector<1x256x1x128xf32> to vector<256x128xf32>
    %convert_element_type3A_236 = arith.truncf %get3A_235 : vector<256x128xf32> to vector<256x128xbf16>
    %dot_general3A_237 = arith.constant dense<0.000000e+00> : vector<128x256xf32>
    %dot_general3A_238 = tpu.matmul %convert_element_type3A_236, %convert_element_type3A, %dot_general3A_237 {dimension_numbers = #tpu.dot_dimension_numbers<[0], [1], [1], [0], [0, 1, 1, 0], [], []>, transpose_lhs_hint = false} : vector<256x128xbf16>, vector<256x256xbf16>, vector<128x256xf32> -> vector<128x256xf32>
    %dot_general3A_239 = arith.constant dense<0.000000e+00> : vector<128x256xf32>
    %dot_general3A_240 = tpu.matmul %convert_element_type3A_236, %convert_element_type3A_5, %dot_general3A_239 {dimension_numbers = #tpu.dot_dimension_numbers<[0], [1], [1], [0], [0, 1, 1, 0], [], []>, transpose_lhs_hint = false} : vector<256x128xbf16>, vector<256x256xbf16>, vector<128x256xf32> -> vector<128x256xf32>
    %bitcast_convert_type3A_241 = tpu.bitcast %dot_general3A_238 : vector<128x256xf32> -> vector<128x256xi32>
    %bitcast_convert_type3A_242 = tpu.bitcast %dot_general3A_240 : vector<128x256xf32> -> vector<128x256xi32>
    %add3A_243 = arith.constant 32768 : i32
    %add3A_244 = vector.broadcast %add3A_243 : i32 to vector<128x256xi32>
    %add3A_245 = arith.addi %bitcast_convert_type3A_241, %add3A_244 : vector<128x256xi32>
    %and3A_246 = arith.constant -65536 : i32
    %and3A_247 = vector.broadcast %and3A_246 : i32 to vector<128x256xi32>
    %and3A_248 = arith.andi %add3A_245, %and3A_247 : vector<128x256xi32>
    %add3A_249 = arith.constant 32768 : i32
    %add3A_250 = vector.broadcast %add3A_249 : i32 to vector<128x256xi32>
    %add3A_251 = arith.addi %bitcast_convert_type3A_242, %add3A_250 : vector<128x256xi32>
    %shift_right_logical3A_252 = arith.constant 16 : i32
    %shift_right_logical3A_253 = vector.broadcast %shift_right_logical3A_252 : i32 to vector<128x256xi32>
    %shift_right_logical3A_254 = arith.shrui %add3A_251, %shift_right_logical3A_253 : vector<128x256xi32>
    %or3A_255 = arith.ori %and3A_248, %shift_right_logical3A_254 : vector<128x256xi32>
    %bitcast_convert_type3A_256 = tpu.bitcast %or3A_255 : vector<128x256xi32> -> vector<128x256xi32>
    %swap3A_257 = arith.constant 7 : index
    %swap3A_258 = arith.constant 0 : index
    %swap3A_259 = arith.constant 0 : index
    %swap3A_260 = vector.load %arg5[%swap3A_257, %swap3A_258, %swap3A_259] : memref<8x128x256xi32, #tpu.memory_space<vmem>>, vector<1x128x256xi32>
    %swap3A_261 = vector.shape_cast %swap3A_260 : vector<1x128x256xi32> to vector<128x256xi32>
    %swap3A_262 = vector.shape_cast %bitcast_convert_type3A_256 : vector<128x256xi32> to vector<1x128x256xi32>
    tpu.vector_store %arg5[%swap3A_257, %swap3A_258, %swap3A_259], %swap3A_262 {strides = array<i32>} : memref<8x128x256xi32, #tpu.memory_space<vmem>>, vector<1x128x256xi32>,
    %get3A_263 = arith.constant 0 : index
    %get3A_264 = arith.constant 0 : index
    %get3A_265 = arith.constant 0 : index
    %get3A_266 = arith.constant 0 : index
    %get3A_267 = vector.load %arg2[%get3A_263, %get3A_264, %get3A_265, %get3A_266] : memref<1x1x1024x2xf32, #tpu.memory_space<vmem>>, vector<1x1x1024x2xf32>
    %get3A_268 = vector.shape_cast %get3A_267 : vector<1x1x1024x2xf32> to vector<1024x2xf32>
    %transpose3A = tpu.transpose %get3A_268, [1, 0] : vector<1024x2xf32> -> vector<2x1024xf32>
    %mul3A = arith.constant 1024 : i32
    %mul3A_269 = arith.muli %arg0, %mul3A : i32
    %iota3A = tpu.iota {dimensions = array<i32: 1>} : vector<1x1024xi32>
    %add3A_270 = vector.broadcast %mul3A_269 : i32 to vector<1x1024xi32>
    %add3A_271 = arith.addi %add3A_270, %iota3A : vector<1x1024xi32>
    %jit3A = arith.constant 128 : i32
    %div3A = vector.broadcast %jit3A : i32 to vector<1x1024xi32>
    %div3A_272 = arith.divsi %add3A_271, %div3A : vector<1x1024xi32>
    %sign3A = arith.constant 0 : i32
    %sign3A_273 = vector.broadcast %sign3A : i32 to vector<1x1024xi32>
    %sign3A_274 = arith.cmpi sgt, %add3A_271, %sign3A_273 : vector<1x1024xi32>
    %sign3A_275 = arith.extui %sign3A_274 : vector<1x1024xi1> to vector<1x1024xi32>
    %sign3A_276 = arith.constant 0 : i32
    %sign3A_277 = vector.broadcast %sign3A_276 : i32 to vector<1x1024xi32>
    %sign3A_278 = arith.cmpi slt, %add3A_271, %sign3A_277 : vector<1x1024xi32>
    %sign3A_279 = arith.extui %sign3A_278 : vector<1x1024xi1> to vector<1x1024xi32>
    %sign3A_280 = arith.subi %sign3A_275, %sign3A_279 : vector<1x1024xi32>
    %sign3A_281 = arith.constant 0 : i32
    %sign3A_282 = arith.cmpi sgt, %jit3A, %sign3A_281 : i32
    %sign3A_283 = arith.extui %sign3A_282 : i1 to i32
    %sign3A_284 = arith.constant 0 : i32
    %sign3A_285 = arith.cmpi slt, %jit3A, %sign3A_284 : i32
    %sign3A_286 = arith.extui %sign3A_285 : i1 to i32
    %sign3A_287 = arith.subi %sign3A_283, %sign3A_286 : i32
    %ne3A = vector.broadcast %sign3A_287 : i32 to vector<1x1024xi32>
    %ne3A_288 = arith.cmpi ne, %sign3A_280, %ne3A : vector<1x1024xi32>
    %rem3A = vector.broadcast %jit3A : i32 to vector<1x1024xi32>
    %rem3A_289 = arith.remsi %add3A_271, %rem3A : vector<1x1024xi32>
    %ne3A_290 = arith.constant 0 : i32
    %ne3A_291 = vector.broadcast %ne3A_290 : i32 to vector<1x1024xi32>
    %ne3A_292 = arith.cmpi ne, %rem3A_289, %ne3A_291 : vector<1x1024xi32>
    %and3A_293 = arith.andi %ne3A_288, %ne3A_292 : vector<1x1024xi1>
    %sub3A = arith.constant 1 : i32
    %sub3A_294 = vector.broadcast %sub3A : i32 to vector<1x1024xi32>
    %sub3A_295 = arith.subi %div3A_272, %sub3A_294 : vector<1x1024xi32>
    %select_n3A = arith.select %and3A_293, %sub3A_295, %div3A_272 : vector<1x1024xi1>, vector<1x1024xi32>
    %mul3A_296 = arith.constant 128 : i32
    %mul3A_297 = vector.broadcast %mul3A_296 : i32 to vector<1x1024xi32>
    %mul3A_298 = arith.muli %select_n3A, %mul3A_297 : vector<1x1024xi32>
    %sub3A_299 = arith.subi %add3A_271, %mul3A_298 : vector<1x1024xi32>
    %convert_element_type3A_300 = arith.sitofp %sub3A_299 : vector<1x1024xi32> to vector<1x1024xf32>
    %slice3A = vector.extract_strided_slice %transpose3A {offsets = [0, 0], sizes = [1, 1024], strides = [1, 1]} : vector<2x1024xf32> to vector<1x1024xf32>
    %add3A_301 = arith.addf %convert_element_type3A_300, %slice3A : vector<1x1024xf32>
    %convert_element_type3A_302 = arith.sitofp %select_n3A : vector<1x1024xi32> to vector<1x1024xf32>
    %slice3A_303 = vector.extract_strided_slice %transpose3A {offsets = [1, 0], sizes = [1, 1024], strides = [1, 1]} : vector<2x1024xf32> to vector<1x1024xf32>
    %add3A_304 = arith.addf %convert_element_type3A_302, %slice3A_303 : vector<1x1024xf32>
    %floor3A = math.floor %add3A_301 : vector<1x1024xf32>
    %convert_element_type3A_305 = arith.fptosi %floor3A : vector<1x1024xf32> to vector<1x1024xi32>
    %floor3A_306 = math.floor %add3A_304 : vector<1x1024xf32>
    %convert_element_type3A_307 = arith.fptosi %floor3A_306 : vector<1x1024xf32> to vector<1x1024xi32>
    %add3A_308 = arith.constant 0 : i32
    %add3A_309 = vector.broadcast %add3A_308 : i32 to vector<1x1024xi32>
    %add3A_310 = arith.addi %convert_element_type3A_307, %add3A_309 : vector<1x1024xi32>
    %jit3A_311 = arith.constant 0 : i32
    %jit3A_312 = arith.constant 127 : i32
    %max3A = vector.broadcast %jit3A_311 : i32 to vector<1x1024xi32>
    %max3A_313 = arith.maxsi %max3A, %add3A_310 : vector<1x1024xi32>
    %min3A = vector.broadcast %jit3A_312 : i32 to vector<1x1024xi32>
    %min3A_314 = arith.minsi %min3A, %max3A_313 : vector<1x1024xi32>
    %add3A_315 = arith.constant 0 : i32
    %add3A_316 = vector.broadcast %add3A_315 : i32 to vector<1x1024xi32>
    %add3A_317 = arith.addi %convert_element_type3A_305, %add3A_316 : vector<1x1024xi32>
    %jit3A_318 = arith.constant 0 : i32
    %jit3A_319 = arith.constant 127 : i32
    %max3A_320 = vector.broadcast %jit3A_318 : i32 to vector<1x1024xi32>
    %max3A_321 = arith.maxsi %max3A_320, %add3A_317 : vector<1x1024xi32>
    %min3A_322 = vector.broadcast %jit3A_319 : i32 to vector<1x1024xi32>
    %min3A_323 = arith.minsi %min3A_322, %max3A_321 : vector<1x1024xi32>
    %mul3A_324 = arith.constant 128 : i32
    %mul3A_325 = vector.broadcast %mul3A_324 : i32 to vector<1x1024xi32>
    %mul3A_326 = arith.muli %mul3A_325, %min3A_314 : vector<1x1024xi32>
    %add3A_327 = arith.addi %min3A_323, %mul3A_326 : vector<1x1024xi32>
    %add3A_328 = arith.constant 1 : i32
    %add3A_329 = vector.broadcast %add3A_328 : i32 to vector<1x1024xi32>
    %add3A_330 = arith.addi %convert_element_type3A_305, %add3A_329 : vector<1x1024xi32>
    %jit3A_331 = arith.constant 0 : i32
    %jit3A_332 = arith.constant 127 : i32
    %max3A_333 = vector.broadcast %jit3A_331 : i32 to vector<1x1024xi32>
    %max3A_334 = arith.maxsi %max3A_333, %add3A_330 : vector<1x1024xi32>
    %min3A_335 = vector.broadcast %jit3A_332 : i32 to vector<1x1024xi32>
    %min3A_336 = arith.minsi %min3A_335, %max3A_334 : vector<1x1024xi32>
    %mul3A_337 = arith.constant 128 : i32
    %mul3A_338 = vector.broadcast %mul3A_337 : i32 to vector<1x1024xi32>
    %mul3A_339 = arith.muli %mul3A_338, %min3A_314 : vector<1x1024xi32>
    %add3A_340 = arith.addi %min3A_336, %mul3A_339 : vector<1x1024xi32>
    %add3A_341 = arith.constant 1 : i32
    %add3A_342 = vector.broadcast %add3A_341 : i32 to vector<1x1024xi32>
    %add3A_343 = arith.addi %convert_element_type3A_307, %add3A_342 : vector<1x1024xi32>
    %jit3A_344 = arith.constant 0 : i32
    %jit3A_345 = arith.constant 127 : i32
    %max3A_346 = vector.broadcast %jit3A_344 : i32 to vector<1x1024xi32>
    %max3A_347 = arith.maxsi %max3A_346, %add3A_343 : vector<1x1024xi32>
    %min3A_348 = vector.broadcast %jit3A_345 : i32 to vector<1x1024xi32>
    %min3A_349 = arith.minsi %min3A_348, %max3A_347 : vector<1x1024xi32>
    %add3A_350 = arith.constant 0 : i32
    %add3A_351 = vector.broadcast %add3A_350 : i32 to vector<1x1024xi32>
    %add3A_352 = arith.addi %convert_element_type3A_305, %add3A_351 : vector<1x1024xi32>
    %jit3A_353 = arith.constant 0 : i32
    %jit3A_354 = arith.constant 127 : i32
    %max3A_355 = vector.broadcast %jit3A_353 : i32 to vector<1x1024xi32>
    %max3A_356 = arith.maxsi %max3A_355, %add3A_352 : vector<1x1024xi32>
    %min3A_357 = vector.broadcast %jit3A_354 : i32 to vector<1x1024xi32>
    %min3A_358 = arith.minsi %min3A_357, %max3A_356 : vector<1x1024xi32>
    %mul3A_359 = arith.constant 128 : i32
    %mul3A_360 = vector.broadcast %mul3A_359 : i32 to vector<1x1024xi32>
    %mul3A_361 = arith.muli %mul3A_360, %min3A_349 : vector<1x1024xi32>
    %add3A_362 = arith.addi %min3A_358, %mul3A_361 : vector<1x1024xi32>
    %add3A_363 = arith.constant 1 : i32
    %add3A_364 = vector.broadcast %add3A_363 : i32 to vector<1x1024xi32>
    %add3A_365 = arith.addi %convert_element_type3A_305, %add3A_364 : vector<1x1024xi32>
    %jit3A_366 = arith.constant 0 : i32
    %jit3A_367 = arith.constant 127 : i32
    %max3A_368 = vector.broadcast %jit3A_366 : i32 to vector<1x1024xi32>
    %max3A_369 = arith.maxsi %max3A_368, %add3A_365 : vector<1x1024xi32>
    %min3A_370 = vector.broadcast %jit3A_367 : i32 to vector<1x1024xi32>
    %min3A_371 = arith.minsi %min3A_370, %max3A_369 : vector<1x1024xi32>
    %mul3A_372 = arith.constant 128 : i32
    %mul3A_373 = vector.broadcast %mul3A_372 : i32 to vector<1x1024xi32>
    %mul3A_374 = arith.muli %mul3A_373, %min3A_349 : vector<1x1024xi32>
    %add3A_375 = arith.addi %min3A_371, %mul3A_374 : vector<1x1024xi32>
    %concatenate3A = tpu.concatenate %add3A_327, %add3A_340, %add3A_362, %add3A_375, %add3A_327, %add3A_340, %add3A_362, %add3A_375 in 0 : vector<1x1024xi32>, vector<1x1024xi32>, vector<1x1024xi32>, vector<1x1024xi32>, vector<1x1024xi32>, vector<1x1024xi32>, vector<1x1024xi32>, vector<1x1024xi32> -> vector<8x1024xi32>
    %swap3A_376 = arith.constant 0 : index
    %swap3A_377 = arith.constant 0 : index
    %swap3A_378 = vector.load %arg6[%swap3A_376, %swap3A_377] : memref<8x1024xi32, #tpu.memory_space<vmem>>, vector<8x1024xi32>
    tpu.vector_store %arg6[%swap3A_376, %swap3A_377], %concatenate3A {strides = array<i32>} : memref<8x1024xi32, #tpu.memory_space<vmem>>, vector<8x1024xi32>,
    return
  }
  func.func @transform_0(%arg0: i32) -> (i32, i32, i32, i32) {
    %c0_i32 = arith.constant 0 : i32
    %c0_i32_0 = arith.constant 0 : i32
    %c0_i32_1 = arith.constant 0 : i32
    %c0_i32_2 = arith.constant 0 : i32
    return %c0_i32, %c0_i32_0, %arg0, %c0_i32_1 : i32, i32, i32, i32
  }
  func.func @transform_1(%arg0: i32) -> (i32, i32, i32, i32) {
    %c0_i32 = arith.constant 0 : i32
    %c0_i32_0 = arith.constant 0 : i32
    %c0_i32_1 = arith.constant 0 : i32
    %c0_i32_2 = arith.constant 0 : i32
    return %c0_i32, %arg0, %c0_i32_0, %c0_i32_1 : i32, i32, i32, i32
  }
  func.func @transform_2(%arg0: i32) -> (i32, i32) {
    %c0_i32 = arith.constant 0 : i32
    %c0_i32_0 = arith.constant 0 : i32
    %c0_i32_1 = arith.constant 0 : i32
    return %c0_i32, %c0_i32_0 : i32, i32
  }
  func.func @transform_3(%arg0: i32) -> (i32, i32) {
    %c0_i32 = arith.constant 0 : i32
    %c0_i32_0 = arith.constant 0 : i32
    %c0_i32_1 = arith.constant 0 : i32
    return %c0_i32, %c0_i32_0 : i32, i32
  }
  func.func @transform_4(%arg0: i32) -> (i32, i32, i32) {
    %c0_i32 = arith.constant 0 : i32
    %c0_i32_0 = arith.constant 0 : i32
    %c0_i32_1 = arith.constant 0 : i32
    return %arg0, %c0_i32, %c0_i32_0 : i32, i32, i32
  }
  func.func @transform_5(%arg0: i32) -> (i32, i32) {
    %c0_i32 = arith.constant 0 : i32
    %c0_i32_0 = arith.constant 0 : i32
    return %c0_i32, %arg0 : i32, i32
  }
}

module attributes {stable_mosaic.version = 14 : i64} {
  func.func @_attn_body_impl(%arg0: i32, %arg1: memref<4x1024x256xi32, #tpu.memory_space<vmem>>, %arg2: memref<1x256x8x128xf32, #tpu.memory_space<vmem>>, %arg3: memref<1x1x1024x2xf32, #tpu.memory_space<vmem>>, %arg4: memref<8x256xf32, #tpu.memory_space<vmem>>, %arg5: memref<16x128xf32, #tpu.memory_space<vmem>>, %arg6: memref<256x256xf32, #tpu.memory_space<vmem>>, %arg7: memref<256x256xf32, #tpu.memory_space<vmem>>, %arg8: memref<256x256xf32, #tpu.memory_space<vmem>>, %arg9: memref<8x256xf32, #tpu.memory_space<vmem>>, %arg10: memref<1x256x8x128xf32, #tpu.memory_space<vmem>>) attributes {dimension_semantics = [#tpu.dimension_semantics<arbitrary>], iteration_bounds = array<i64: 16>, scalar_prefetch = 0 : i64, scratch_operands = 0 : i64, tpu.core_type = #tpu.core_type<tc>, window_params = [{transform_indices = @transform_0, window_bounds = array<i64: 4, 1024, 256>}, {transform_indices = @transform_1, window_bounds = array<i64: 1, 256, 8, 128>}, {transform_indices = @transform_2, window_bounds = array<i64: 1, 1, 1024, 2>}, {pipeline_mode = #tpu.pipeline_mode<synchronous>, transform_indices = @transform_3, window_bounds = array<i64: 8, 256>}, {pipeline_mode = #tpu.pipeline_mode<synchronous>, transform_indices = @transform_4, window_bounds = array<i64: 16, 128>}, {pipeline_mode = #tpu.pipeline_mode<synchronous>, transform_indices = @transform_5, window_bounds = array<i64: 256, 256>}, {pipeline_mode = #tpu.pipeline_mode<synchronous>, transform_indices = @transform_6, window_bounds = array<i64: 256, 256>}, {pipeline_mode = #tpu.pipeline_mode<synchronous>, transform_indices = @transform_7, window_bounds = array<i64: 256, 256>}, {pipeline_mode = #tpu.pipeline_mode<synchronous>, transform_indices = @transform_8, window_bounds = array<i64: 8, 256>}, {transform_indices = @transform_9, window_bounds = array<i64: 1, 256, 8, 128>}]} {
    %get3A = arith.constant 0 : index
    %get3A_0 = arith.constant 0 : index
    %get3A_1 = arith.constant 0 : index
    %get3A_2 = arith.constant 0 : index
    %get3A_3 = vector.load %arg3[%get3A, %get3A_0, %get3A_1, %get3A_2] : memref<1x1x1024x2xf32, #tpu.memory_space<vmem>>, vector<1x1x1024x2xf32>
    %get3A_4 = vector.shape_cast %get3A_3 : vector<1x1x1024x2xf32> to vector<1024x2xf32>
    %transpose3A = tpu.transpose %get3A_4, [1, 0] : vector<1024x2xf32> -> vector<2x1024xf32>
    %slice3A = vector.extract_strided_slice %transpose3A {offsets = [0, 0], sizes = [1, 1024], strides = [1, 1]} : vector<2x1024xf32> to vector<1x1024xf32>
    %slice3A_5 = vector.extract_strided_slice %transpose3A {offsets = [1, 0], sizes = [1, 1024], strides = [1, 1]} : vector<2x1024xf32> to vector<1x1024xf32>
    %floor3A = math.floor %slice3A : vector<1x1024xf32>
    %sub3A = arith.subf %slice3A, %floor3A : vector<1x1024xf32>
    %floor3A_6 = math.floor %slice3A_5 : vector<1x1024xf32>
    %sub3A_7 = arith.subf %slice3A_5, %floor3A_6 : vector<1x1024xf32>
    %broadcast_in_dim3A = arith.constant 1.000000e+00 : f32
    %broadcast_in_dim3A_8 = vector.broadcast %broadcast_in_dim3A : f32 to vector<1x1024xf32>
    %mul3A = arith.mulf %broadcast_in_dim3A_8, %sub3A_7 : vector<1x1024xf32>
    %mul3A_9 = arith.mulf %mul3A, %sub3A_7 : vector<1x1024xf32>
    %mul3A_10 = arith.mulf %mul3A_9, %sub3A_7 : vector<1x1024xf32>
    %mul3A_11 = arith.mulf %mul3A_10, %sub3A_7 : vector<1x1024xf32>
    %mul3A_12 = arith.mulf %mul3A_11, %sub3A_7 : vector<1x1024xf32>
    %mul3A_13 = arith.mulf %mul3A_12, %sub3A_7 : vector<1x1024xf32>
    %mul3A_14 = arith.mulf %mul3A_13, %sub3A_7 : vector<1x1024xf32>
    %mul3A_15 = arith.mulf %mul3A_14, %sub3A_7 : vector<1x1024xf32>
    %mul3A_16 = arith.mulf %mul3A_15, %sub3A_7 : vector<1x1024xf32>
    %mul3A_17 = arith.mulf %mul3A_16, %sub3A_7 : vector<1x1024xf32>
    %broadcast_in_dim3A_18 = arith.constant 0.000000e+00 : f32
    %broadcast_in_dim3A_19 = vector.broadcast %broadcast_in_dim3A_18 : f32 to vector<5x1024xf32>
    %concatenate3A = tpu.concatenate %broadcast_in_dim3A_8, %mul3A, %mul3A_9, %mul3A_10, %mul3A_11, %mul3A_12, %mul3A_13, %mul3A_14, %mul3A_15, %mul3A_16, %mul3A_17, %broadcast_in_dim3A_19 in 0 : vector<1x1024xf32>, vector<1x1024xf32>, vector<1x1024xf32>, vector<1x1024xf32>, vector<1x1024xf32>, vector<1x1024xf32>, vector<1x1024xf32>, vector<1x1024xf32>, vector<1x1024xf32>, vector<1x1024xf32>, vector<1x1024xf32>, vector<5x1024xf32> -> vector<16x1024xf32>
    %broadcast_in_dim3A_20 = arith.constant 1.000000e+00 : f32
    %broadcast_in_dim3A_21 = vector.broadcast %broadcast_in_dim3A_20 : f32 to vector<1x1024xf32>
    %mul3A_22 = arith.mulf %broadcast_in_dim3A_21, %sub3A : vector<1x1024xf32>
    %mul3A_23 = arith.mulf %mul3A_22, %sub3A : vector<1x1024xf32>
    %mul3A_24 = arith.mulf %mul3A_23, %sub3A : vector<1x1024xf32>
    %mul3A_25 = arith.mulf %mul3A_24, %sub3A : vector<1x1024xf32>
    %mul3A_26 = arith.mulf %mul3A_25, %sub3A : vector<1x1024xf32>
    %mul3A_27 = arith.mulf %mul3A_26, %sub3A : vector<1x1024xf32>
    %mul3A_28 = arith.mulf %mul3A_27, %sub3A : vector<1x1024xf32>
    %mul3A_29 = arith.mulf %mul3A_28, %sub3A : vector<1x1024xf32>
    %mul3A_30 = arith.mulf %mul3A_29, %sub3A : vector<1x1024xf32>
    %mul3A_31 = arith.mulf %mul3A_30, %sub3A : vector<1x1024xf32>
    %broadcast_in_dim3A_32 = arith.constant 0.000000e+00 : f32
    %broadcast_in_dim3A_33 = vector.broadcast %broadcast_in_dim3A_32 : f32 to vector<5x1024xf32>
    %concatenate3A_34 = tpu.concatenate %broadcast_in_dim3A_21, %mul3A_22, %mul3A_23, %mul3A_24, %mul3A_25, %mul3A_26, %mul3A_27, %mul3A_28, %mul3A_29, %mul3A_30, %mul3A_31, %broadcast_in_dim3A_33 in 0 : vector<1x1024xf32>, vector<1x1024xf32>, vector<1x1024xf32>, vector<1x1024xf32>, vector<1x1024xf32>, vector<1x1024xf32>, vector<1x1024xf32>, vector<1x1024xf32>, vector<1x1024xf32>, vector<1x1024xf32>, vector<1x1024xf32>, vector<5x1024xf32> -> vector<16x1024xf32>
    %concatenate3A_35 = tpu.concatenate %concatenate3A, %concatenate3A_34 in 0 : vector<16x1024xf32>, vector<16x1024xf32> -> vector<32x1024xf32>
    %get3A_36 = arith.constant 0 : index
    %get3A_37 = arith.constant 0 : index
    %get3A_38 = vector.load %arg6[%get3A_36, %get3A_37] : memref<256x256xf32, #tpu.memory_space<vmem>>, vector<256x256xf32>
    %get3A_39 = arith.constant 0 : index
    %get3A_40 = arith.constant 0 : index
    %get3A_41 = vector.load %arg5[%get3A_39, %get3A_40] : memref<16x128xf32, #tpu.memory_space<vmem>>, vector<16x128xf32>
    %slice3A_42 = vector.extract_strided_slice %get3A_38 {offsets = [0, 0], sizes = [256, 128], strides = [1, 1]} : vector<256x256xf32> to vector<256x128xf32>
    %dot_general3A = arith.constant dense<0.000000e+00> : vector<16x256xf32>
    %dot_general3A_43 = tpu.matmul %get3A_41, %slice3A_42, %dot_general3A {dimension_numbers = #tpu.dot_dimension_numbers<[1], [1], [0], [0], [0, 0, 1, 0], [], []>, transpose_lhs_hint = false} : vector<16x128xf32>, vector<256x128xf32>, vector<16x256xf32> -> vector<16x256xf32>
    %get3A_44 = arith.constant 0 : index
    %get3A_45 = arith.constant 0 : index
    %get3A_46 = vector.load %arg5[%get3A_44, %get3A_45] : memref<16x128xf32, #tpu.memory_space<vmem>>, vector<16x128xf32>
    %slice3A_47 = vector.extract_strided_slice %get3A_38 {offsets = [0, 128], sizes = [256, 128], strides = [1, 1]} : vector<256x256xf32> to vector<256x128xf32>
    %dot_general3A_48 = arith.constant dense<0.000000e+00> : vector<16x256xf32>
    %dot_general3A_49 = tpu.matmul %get3A_46, %slice3A_47, %dot_general3A_48 {dimension_numbers = #tpu.dot_dimension_numbers<[1], [1], [0], [0], [0, 0, 1, 0], [], []>, transpose_lhs_hint = false} : vector<16x128xf32>, vector<256x128xf32>, vector<16x256xf32> -> vector<16x256xf32>
    %concatenate3A_50 = tpu.concatenate %dot_general3A_43, %dot_general3A_49 in 0 : vector<16x256xf32>, vector<16x256xf32> -> vector<32x256xf32>
    %convert_element_type3A = arith.truncf %get3A_38 : vector<256x256xf32> to vector<256x256xbf16>
    %get3A_51 = arith.constant 0 : index
    %get3A_52 = arith.constant 0 : index
    %get3A_53 = arith.constant 0 : index
    %get3A_54 = arith.constant 0 : index
    %get3A_55 = vector.load %arg2[%get3A_51, %get3A_52, %get3A_53, %get3A_54] : memref<1x256x8x128xf32, #tpu.memory_space<vmem>>, vector<1x256x1x128xf32>
    %get3A_56 = vector.shape_cast %get3A_55 : vector<1x256x1x128xf32> to vector<256x128xf32>
    %convert_element_type3A_57 = arith.truncf %get3A_56 : vector<256x128xf32> to vector<256x128xbf16>
    %dot_general3A_58 = arith.constant dense<0.000000e+00> : vector<128x256xf32>
    %dot_general3A_59 = tpu.matmul %convert_element_type3A_57, %convert_element_type3A, %dot_general3A_58 {dimension_numbers = #tpu.dot_dimension_numbers<[0], [1], [1], [0], [0, 1, 1, 0], [], []>, transpose_lhs_hint = false} : vector<256x128xbf16>, vector<256x256xbf16>, vector<128x256xf32> -> vector<128x256xf32>
    %get3A_60 = arith.constant 0 : index
    %get3A_61 = arith.constant 0 : index
    %get3A_62 = arith.constant 1 : index
    %get3A_63 = arith.constant 0 : index
    %get3A_64 = vector.load %arg2[%get3A_60, %get3A_61, %get3A_62, %get3A_63] : memref<1x256x8x128xf32, #tpu.memory_space<vmem>>, vector<1x256x1x128xf32>
    %get3A_65 = vector.shape_cast %get3A_64 : vector<1x256x1x128xf32> to vector<256x128xf32>
    %convert_element_type3A_66 = arith.truncf %get3A_65 : vector<256x128xf32> to vector<256x128xbf16>
    %dot_general3A_67 = arith.constant dense<0.000000e+00> : vector<128x256xf32>
    %dot_general3A_68 = tpu.matmul %convert_element_type3A_66, %convert_element_type3A, %dot_general3A_67 {dimension_numbers = #tpu.dot_dimension_numbers<[0], [1], [1], [0], [0, 1, 1, 0], [], []>, transpose_lhs_hint = false} : vector<256x128xbf16>, vector<256x256xbf16>, vector<128x256xf32> -> vector<128x256xf32>
    %get3A_69 = arith.constant 0 : index
    %get3A_70 = arith.constant 0 : index
    %get3A_71 = arith.constant 2 : index
    %get3A_72 = arith.constant 0 : index
    %get3A_73 = vector.load %arg2[%get3A_69, %get3A_70, %get3A_71, %get3A_72] : memref<1x256x8x128xf32, #tpu.memory_space<vmem>>, vector<1x256x1x128xf32>
    %get3A_74 = vector.shape_cast %get3A_73 : vector<1x256x1x128xf32> to vector<256x128xf32>
    %convert_element_type3A_75 = arith.truncf %get3A_74 : vector<256x128xf32> to vector<256x128xbf16>
    %dot_general3A_76 = arith.constant dense<0.000000e+00> : vector<128x256xf32>
    %dot_general3A_77 = tpu.matmul %convert_element_type3A_75, %convert_element_type3A, %dot_general3A_76 {dimension_numbers = #tpu.dot_dimension_numbers<[0], [1], [1], [0], [0, 1, 1, 0], [], []>, transpose_lhs_hint = false} : vector<256x128xbf16>, vector<256x256xbf16>, vector<128x256xf32> -> vector<128x256xf32>
    %get3A_78 = arith.constant 0 : index
    %get3A_79 = arith.constant 0 : index
    %get3A_80 = arith.constant 3 : index
    %get3A_81 = arith.constant 0 : index
    %get3A_82 = vector.load %arg2[%get3A_78, %get3A_79, %get3A_80, %get3A_81] : memref<1x256x8x128xf32, #tpu.memory_space<vmem>>, vector<1x256x1x128xf32>
    %get3A_83 = vector.shape_cast %get3A_82 : vector<1x256x1x128xf32> to vector<256x128xf32>
    %convert_element_type3A_84 = arith.truncf %get3A_83 : vector<256x128xf32> to vector<256x128xbf16>
    %dot_general3A_85 = arith.constant dense<0.000000e+00> : vector<128x256xf32>
    %dot_general3A_86 = tpu.matmul %convert_element_type3A_84, %convert_element_type3A, %dot_general3A_85 {dimension_numbers = #tpu.dot_dimension_numbers<[0], [1], [1], [0], [0, 1, 1, 0], [], []>, transpose_lhs_hint = false} : vector<256x128xbf16>, vector<256x256xbf16>, vector<128x256xf32> -> vector<128x256xf32>
    %get3A_87 = arith.constant 0 : index
    %get3A_88 = arith.constant 0 : index
    %get3A_89 = arith.constant 4 : index
    %get3A_90 = arith.constant 0 : index
    %get3A_91 = vector.load %arg2[%get3A_87, %get3A_88, %get3A_89, %get3A_90] : memref<1x256x8x128xf32, #tpu.memory_space<vmem>>, vector<1x256x1x128xf32>
    %get3A_92 = vector.shape_cast %get3A_91 : vector<1x256x1x128xf32> to vector<256x128xf32>
    %convert_element_type3A_93 = arith.truncf %get3A_92 : vector<256x128xf32> to vector<256x128xbf16>
    %dot_general3A_94 = arith.constant dense<0.000000e+00> : vector<128x256xf32>
    %dot_general3A_95 = tpu.matmul %convert_element_type3A_93, %convert_element_type3A, %dot_general3A_94 {dimension_numbers = #tpu.dot_dimension_numbers<[0], [1], [1], [0], [0, 1, 1, 0], [], []>, transpose_lhs_hint = false} : vector<256x128xbf16>, vector<256x256xbf16>, vector<128x256xf32> -> vector<128x256xf32>
    %get3A_96 = arith.constant 0 : index
    %get3A_97 = arith.constant 0 : index
    %get3A_98 = arith.constant 5 : index
    %get3A_99 = arith.constant 0 : index
    %get3A_100 = vector.load %arg2[%get3A_96, %get3A_97, %get3A_98, %get3A_99] : memref<1x256x8x128xf32, #tpu.memory_space<vmem>>, vector<1x256x1x128xf32>
    %get3A_101 = vector.shape_cast %get3A_100 : vector<1x256x1x128xf32> to vector<256x128xf32>
    %convert_element_type3A_102 = arith.truncf %get3A_101 : vector<256x128xf32> to vector<256x128xbf16>
    %dot_general3A_103 = arith.constant dense<0.000000e+00> : vector<128x256xf32>
    %dot_general3A_104 = tpu.matmul %convert_element_type3A_102, %convert_element_type3A, %dot_general3A_103 {dimension_numbers = #tpu.dot_dimension_numbers<[0], [1], [1], [0], [0, 1, 1, 0], [], []>, transpose_lhs_hint = false} : vector<256x128xbf16>, vector<256x256xbf16>, vector<128x256xf32> -> vector<128x256xf32>
    %get3A_105 = arith.constant 0 : index
    %get3A_106 = arith.constant 0 : index
    %get3A_107 = arith.constant 6 : index
    %get3A_108 = arith.constant 0 : index
    %get3A_109 = vector.load %arg2[%get3A_105, %get3A_106, %get3A_107, %get3A_108] : memref<1x256x8x128xf32, #tpu.memory_space<vmem>>, vector<1x256x1x128xf32>
    %get3A_110 = vector.shape_cast %get3A_109 : vector<1x256x1x128xf32> to vector<256x128xf32>
    %convert_element_type3A_111 = arith.truncf %get3A_110 : vector<256x128xf32> to vector<256x128xbf16>
    %dot_general3A_112 = arith.constant dense<0.000000e+00> : vector<128x256xf32>
    %dot_general3A_113 = tpu.matmul %convert_element_type3A_111, %convert_element_type3A, %dot_general3A_112 {dimension_numbers = #tpu.dot_dimension_numbers<[0], [1], [1], [0], [0, 1, 1, 0], [], []>, transpose_lhs_hint = false} : vector<256x128xbf16>, vector<256x256xbf16>, vector<128x256xf32> -> vector<128x256xf32>
    %get3A_114 = arith.constant 0 : index
    %get3A_115 = arith.constant 0 : index
    %get3A_116 = arith.constant 7 : index
    %get3A_117 = arith.constant 0 : index
    %get3A_118 = vector.load %arg2[%get3A_114, %get3A_115, %get3A_116, %get3A_117] : memref<1x256x8x128xf32, #tpu.memory_space<vmem>>, vector<1x256x1x128xf32>
    %get3A_119 = vector.shape_cast %get3A_118 : vector<1x256x1x128xf32> to vector<256x128xf32>
    %convert_element_type3A_120 = arith.truncf %get3A_119 : vector<256x128xf32> to vector<256x128xbf16>
    %dot_general3A_121 = arith.constant dense<0.000000e+00> : vector<128x256xf32>
    %dot_general3A_122 = tpu.matmul %convert_element_type3A_120, %convert_element_type3A, %dot_general3A_121 {dimension_numbers = #tpu.dot_dimension_numbers<[0], [1], [1], [0], [0, 1, 1, 0], [], []>, transpose_lhs_hint = false} : vector<256x128xbf16>, vector<256x256xbf16>, vector<128x256xf32> -> vector<128x256xf32>
    %concatenate3A_123 = tpu.concatenate %dot_general3A_59, %dot_general3A_68, %dot_general3A_77, %dot_general3A_86, %dot_general3A_95, %dot_general3A_104, %dot_general3A_113, %dot_general3A_122 in 0 : vector<128x256xf32>, vector<128x256xf32>, vector<128x256xf32>, vector<128x256xf32>, vector<128x256xf32>, vector<128x256xf32>, vector<128x256xf32>, vector<128x256xf32> -> vector<1024x256xf32>
    %dot_general3A_124 = arith.constant dense<0.000000e+00> : vector<1024x256xf32>
    %dot_general3A_125 = tpu.matmul %concatenate3A_35, %concatenate3A_50, %dot_general3A_124 {dimension_numbers = #tpu.dot_dimension_numbers<[0], [0], [1], [1], [0, 1, 1, 1], [], []>, transpose_lhs_hint = false} : vector<32x1024xf32>, vector<32x256xf32>, vector<1024x256xf32> -> vector<1024x256xf32>
    %add3A = arith.addf %concatenate3A_123, %dot_general3A_125 : vector<1024x256xf32>
    %get3A_126 = arith.constant 0 : index
    %get3A_127 = arith.constant 0 : index
    %get3A_128 = vector.load %arg9[%get3A_126, %get3A_127] : memref<8x256xf32, #tpu.memory_space<vmem>>, vector<1x256xf32>
    %add3A_129 = vector.broadcast %get3A_128 : vector<1x256xf32> to vector<1024x256xf32>
    %add3A_130 = arith.addf %add3A, %add3A_129 : vector<1024x256xf32>
    %mul3A_131 = arith.constant 0.176776692 : f32
    %mul3A_132 = vector.broadcast %mul3A_131 : f32 to vector<1024x256xf32>
    %mul3A_133 = arith.mulf %add3A_130, %mul3A_132 : vector<1024x256xf32>
    %get3A_134 = arith.constant 0 : index
    %get3A_135 = arith.constant 0 : index
    %get3A_136 = vector.load %arg4[%get3A_134, %get3A_135] : memref<8x256xf32, #tpu.memory_space<vmem>>, vector<8x256xf32>
    %get3A_137 = arith.constant 0 : index
    %get3A_138 = arith.constant 0 : index
    %get3A_139 = vector.load %arg7[%get3A_137, %get3A_138] : memref<256x256xf32, #tpu.memory_space<vmem>>, vector<256x256xf32>
    %dot_general3A_140 = arith.constant dense<0.000000e+00> : vector<8x256xf32>
    %dot_general3A_141 = tpu.matmul %get3A_136, %get3A_139, %dot_general3A_140 {dimension_numbers = #tpu.dot_dimension_numbers<[1], [1], [0], [0], [0, 0, 1, 0], [], []>, transpose_lhs_hint = false} : vector<8x256xf32>, vector<256x256xf32>, vector<8x256xf32> -> vector<8x256xf32>
    %get3A_142 = arith.constant 1 : index
    %get3A_143 = arith.constant 0 : index
    %get3A_144 = vector.load %arg9[%get3A_142, %get3A_143] : memref<8x256xf32, #tpu.memory_space<vmem>>, vector<1x256xf32>
    %add3A_145 = vector.broadcast %get3A_144 : vector<1x256xf32> to vector<8x256xf32>
    %add3A_146 = arith.addf %dot_general3A_141, %add3A_145 : vector<8x256xf32>
    %get3A_147 = arith.constant 0 : index
    %get3A_148 = arith.constant 0 : index
    %get3A_149 = vector.load %arg4[%get3A_147, %get3A_148] : memref<8x256xf32, #tpu.memory_space<vmem>>, vector<8x256xf32>
    %get3A_150 = arith.constant 0 : index
    %get3A_151 = arith.constant 0 : index
    %get3A_152 = vector.load %arg8[%get3A_150, %get3A_151] : memref<256x256xf32, #tpu.memory_space<vmem>>, vector<256x256xf32>
    %dot_general3A_153 = arith.constant dense<0.000000e+00> : vector<8x256xf32>
    %dot_general3A_154 = tpu.matmul %get3A_149, %get3A_152, %dot_general3A_153 {dimension_numbers = #tpu.dot_dimension_numbers<[1], [1], [0], [0], [0, 0, 1, 0], [], []>, transpose_lhs_hint = false} : vector<8x256xf32>, vector<256x256xf32>, vector<8x256xf32> -> vector<8x256xf32>
    %get3A_155 = arith.constant 2 : index
    %get3A_156 = arith.constant 0 : index
    %get3A_157 = vector.load %arg9[%get3A_155, %get3A_156] : memref<8x256xf32, #tpu.memory_space<vmem>>, vector<1x256xf32>
    %add3A_158 = vector.broadcast %get3A_157 : vector<1x256xf32> to vector<8x256xf32>
    %add3A_159 = arith.addf %dot_general3A_154, %add3A_158 : vector<8x256xf32>
    %iota3A = tpu.iota {dimensions = array<i32: 0>} : vector<256x8xi32>
    %jit3A = arith.constant 32 : i32
    %div3A = vector.broadcast %jit3A : i32 to vector<256x8xi32>
    %div3A_160 = arith.divsi %iota3A, %div3A : vector<256x8xi32>
    %sign3A = arith.constant 0 : i32
    %sign3A_161 = vector.broadcast %sign3A : i32 to vector<256x8xi32>
    %sign3A_162 = arith.cmpi sgt, %iota3A, %sign3A_161 : vector<256x8xi32>
    %sign3A_163 = arith.extui %sign3A_162 : vector<256x8xi1> to vector<256x8xi32>
    %sign3A_164 = arith.constant 0 : i32
    %sign3A_165 = vector.broadcast %sign3A_164 : i32 to vector<256x8xi32>
    %sign3A_166 = arith.cmpi slt, %iota3A, %sign3A_165 : vector<256x8xi32>
    %sign3A_167 = arith.extui %sign3A_166 : vector<256x8xi1> to vector<256x8xi32>
    %sign3A_168 = arith.subi %sign3A_163, %sign3A_167 : vector<256x8xi32>
    %sign3A_169 = arith.constant 0 : i32
    %sign3A_170 = arith.cmpi sgt, %jit3A, %sign3A_169 : i32
    %sign3A_171 = arith.extui %sign3A_170 : i1 to i32
    %sign3A_172 = arith.constant 0 : i32
    %sign3A_173 = arith.cmpi slt, %jit3A, %sign3A_172 : i32
    %sign3A_174 = arith.extui %sign3A_173 : i1 to i32
    %sign3A_175 = arith.subi %sign3A_171, %sign3A_174 : i32
    %ne3A = vector.broadcast %sign3A_175 : i32 to vector<256x8xi32>
    %ne3A_176 = arith.cmpi ne, %sign3A_168, %ne3A : vector<256x8xi32>
    %rem3A = vector.broadcast %jit3A : i32 to vector<256x8xi32>
    %rem3A_177 = arith.remsi %iota3A, %rem3A : vector<256x8xi32>
    %ne3A_178 = arith.constant 0 : i32
    %ne3A_179 = vector.broadcast %ne3A_178 : i32 to vector<256x8xi32>
    %ne3A_180 = arith.cmpi ne, %rem3A_177, %ne3A_179 : vector<256x8xi32>
    %and3A = arith.andi %ne3A_176, %ne3A_180 : vector<256x8xi1>
    %sub3A_181 = arith.constant 1 : i32
    %sub3A_182 = vector.broadcast %sub3A_181 : i32 to vector<256x8xi32>
    %sub3A_183 = arith.subi %div3A_160, %sub3A_182 : vector<256x8xi32>
    %select_n3A = arith.select %and3A, %sub3A_183, %div3A_160 : vector<256x8xi1>, vector<256x8xi32>
    %iota3A_184 = tpu.iota {dimensions = array<i32: 1>} : vector<256x8xi32>
    %eq3A = arith.cmpi eq, %select_n3A, %iota3A_184 : vector<256x8xi32>
    %convert_element_type3A_185 = arith.extui %eq3A : vector<256x8xi1> to vector<256x8xi32>
    %convert_element_type3A_186 = arith.sitofp %convert_element_type3A_185 : vector<256x8xi32> to vector<256x8xf32>
    %convert_element_type3A_187 = arith.extui %eq3A : vector<256x8xi1> to vector<256x8xi32>
    %convert_element_type3A_188 = arith.sitofp %convert_element_type3A_187 : vector<256x8xi32> to vector<256x8xf32>
    %convert_element_type3A_189 = arith.truncf %convert_element_type3A_188 : vector<256x8xf32> to vector<256x8xbf16>
    %get3A_190 = arith.constant 0 : index
    %get3A_191 = arith.constant 0 : index
    %get3A_192 = arith.constant 0 : index
    %get3A_193 = vector.load %arg1[%get3A_190, %get3A_191, %get3A_192] : memref<4x1024x256xi32, #tpu.memory_space<vmem>>, vector<1x1024x256xi32>
    %get3A_194 = vector.shape_cast %get3A_193 : vector<1x1024x256xi32> to vector<1024x256xi32>
    %get3A_195 = arith.constant 1 : index
    %get3A_196 = arith.constant 0 : index
    %get3A_197 = arith.constant 0 : index
    %get3A_198 = vector.load %arg1[%get3A_195, %get3A_196, %get3A_197] : memref<4x1024x256xi32, #tpu.memory_space<vmem>>, vector<1x1024x256xi32>
    %get3A_199 = vector.shape_cast %get3A_198 : vector<1x1024x256xi32> to vector<1024x256xi32>
    %get3A_200 = arith.constant 2 : index
    %get3A_201 = arith.constant 0 : index
    %get3A_202 = arith.constant 0 : index
    %get3A_203 = vector.load %arg1[%get3A_200, %get3A_201, %get3A_202] : memref<4x1024x256xi32, #tpu.memory_space<vmem>>, vector<1x1024x256xi32>
    %get3A_204 = vector.shape_cast %get3A_203 : vector<1x1024x256xi32> to vector<1024x256xi32>
    %get3A_205 = arith.constant 3 : index
    %get3A_206 = arith.constant 0 : index
    %get3A_207 = arith.constant 0 : index
    %get3A_208 = vector.load %arg1[%get3A_205, %get3A_206, %get3A_207] : memref<4x1024x256xi32, #tpu.memory_space<vmem>>, vector<1x1024x256xi32>
    %get3A_209 = vector.shape_cast %get3A_208 : vector<1x1024x256xi32> to vector<1024x256xi32>
    %bitcast_convert_type3A = tpu.bitcast %get3A_194 : vector<1024x256xi32> -> vector<1024x256xf32>
    %slice3A_210 = vector.extract_strided_slice %add3A_146 {offsets = [0, 0], sizes = [1, 256], strides = [1, 1]} : vector<8x256xf32> to vector<1x256xf32>
    %add3A_211 = vector.broadcast %slice3A_210 : vector<1x256xf32> to vector<1024x256xf32>
    %add3A_212 = arith.addf %bitcast_convert_type3A, %add3A_211 : vector<1024x256xf32>
    %mul3A_213 = arith.mulf %mul3A_133, %add3A_212 : vector<1024x256xf32>
    %convert_element_type3A_214 = arith.truncf %mul3A_213 : vector<1024x256xf32> to vector<1024x256xbf16>
    %dot_general3A_215 = arith.constant dense<0.000000e+00> : vector<1024x8xf32>
    %dot_general3A_216 = tpu.matmul %convert_element_type3A_214, %convert_element_type3A_189, %dot_general3A_215 {dimension_numbers = #tpu.dot_dimension_numbers<[1], [0], [0], [1], [0, 0, 1, 1], [], []>, transpose_lhs_hint = false} : vector<1024x256xbf16>, vector<256x8xbf16>, vector<1024x8xf32> -> vector<1024x8xf32>
    %bitcast_convert_type3A_217 = tpu.bitcast %get3A_199 : vector<1024x256xi32> -> vector<1024x256xf32>
    %slice3A_218 = vector.extract_strided_slice %add3A_146 {offsets = [1, 0], sizes = [1, 256], strides = [1, 1]} : vector<8x256xf32> to vector<1x256xf32>
    %add3A_219 = vector.broadcast %slice3A_218 : vector<1x256xf32> to vector<1024x256xf32>
    %add3A_220 = arith.addf %bitcast_convert_type3A_217, %add3A_219 : vector<1024x256xf32>
    %mul3A_221 = arith.mulf %mul3A_133, %add3A_220 : vector<1024x256xf32>
    %convert_element_type3A_222 = arith.truncf %mul3A_221 : vector<1024x256xf32> to vector<1024x256xbf16>
    %dot_general3A_223 = arith.constant dense<0.000000e+00> : vector<1024x8xf32>
    %dot_general3A_224 = tpu.matmul %convert_element_type3A_222, %convert_element_type3A_189, %dot_general3A_223 {dimension_numbers = #tpu.dot_dimension_numbers<[1], [0], [0], [1], [0, 0, 1, 1], [], []>, transpose_lhs_hint = false} : vector<1024x256xbf16>, vector<256x8xbf16>, vector<1024x8xf32> -> vector<1024x8xf32>
    %bitcast_convert_type3A_225 = tpu.bitcast %get3A_204 : vector<1024x256xi32> -> vector<1024x256xf32>
    %slice3A_226 = vector.extract_strided_slice %add3A_146 {offsets = [2, 0], sizes = [1, 256], strides = [1, 1]} : vector<8x256xf32> to vector<1x256xf32>
    %add3A_227 = vector.broadcast %slice3A_226 : vector<1x256xf32> to vector<1024x256xf32>
    %add3A_228 = arith.addf %bitcast_convert_type3A_225, %add3A_227 : vector<1024x256xf32>
    %mul3A_229 = arith.mulf %mul3A_133, %add3A_228 : vector<1024x256xf32>
    %convert_element_type3A_230 = arith.truncf %mul3A_229 : vector<1024x256xf32> to vector<1024x256xbf16>
    %dot_general3A_231 = arith.constant dense<0.000000e+00> : vector<1024x8xf32>
    %dot_general3A_232 = tpu.matmul %convert_element_type3A_230, %convert_element_type3A_189, %dot_general3A_231 {dimension_numbers = #tpu.dot_dimension_numbers<[1], [0], [0], [1], [0, 0, 1, 1], [], []>, transpose_lhs_hint = false} : vector<1024x256xbf16>, vector<256x8xbf16>, vector<1024x8xf32> -> vector<1024x8xf32>
    %bitcast_convert_type3A_233 = tpu.bitcast %get3A_209 : vector<1024x256xi32> -> vector<1024x256xf32>
    %slice3A_234 = vector.extract_strided_slice %add3A_146 {offsets = [3, 0], sizes = [1, 256], strides = [1, 1]} : vector<8x256xf32> to vector<1x256xf32>
    %add3A_235 = vector.broadcast %slice3A_234 : vector<1x256xf32> to vector<1024x256xf32>
    %add3A_236 = arith.addf %bitcast_convert_type3A_233, %add3A_235 : vector<1024x256xf32>
    %mul3A_237 = arith.mulf %mul3A_133, %add3A_236 : vector<1024x256xf32>
    %convert_element_type3A_238 = arith.truncf %mul3A_237 : vector<1024x256xf32> to vector<1024x256xbf16>
    %dot_general3A_239 = arith.constant dense<0.000000e+00> : vector<1024x8xf32>
    %dot_general3A_240 = tpu.matmul %convert_element_type3A_238, %convert_element_type3A_189, %dot_general3A_239 {dimension_numbers = #tpu.dot_dimension_numbers<[1], [0], [0], [1], [0, 0, 1, 1], [], []>, transpose_lhs_hint = false} : vector<1024x256xbf16>, vector<256x8xbf16>, vector<1024x8xf32> -> vector<1024x8xf32>
    %max3A = arith.maximumf %dot_general3A_216, %dot_general3A_224 : vector<1024x8xf32>
    %max3A_241 = arith.maximumf %dot_general3A_232, %dot_general3A_240 : vector<1024x8xf32>
    %max3A_242 = arith.maximumf %max3A, %max3A_241 : vector<1024x8xf32>
    %sub3A_243 = arith.subf %dot_general3A_216, %max3A_242 : vector<1024x8xf32>
    %exp3A = math.exp %sub3A_243 : vector<1024x8xf32>
    %sub3A_244 = arith.subf %dot_general3A_224, %max3A_242 : vector<1024x8xf32>
    %exp3A_245 = math.exp %sub3A_244 : vector<1024x8xf32>
    %sub3A_246 = arith.subf %dot_general3A_232, %max3A_242 : vector<1024x8xf32>
    %exp3A_247 = math.exp %sub3A_246 : vector<1024x8xf32>
    %sub3A_248 = arith.subf %dot_general3A_240, %max3A_242 : vector<1024x8xf32>
    %exp3A_249 = math.exp %sub3A_248 : vector<1024x8xf32>
    %add3A_250 = arith.addf %exp3A, %exp3A_245 : vector<1024x8xf32>
    %add3A_251 = arith.addf %add3A_250, %exp3A_247 : vector<1024x8xf32>
    %add3A_252 = arith.addf %add3A_251, %exp3A_249 : vector<1024x8xf32>
    %div3A_253 = arith.constant 1.000000e+00 : f32
    %div3A_254 = vector.broadcast %div3A_253 : f32 to vector<1024x8xf32>
    %div3A_255 = arith.divf %div3A_254, %add3A_252 : vector<1024x8xf32>
    %broadcast_in_dim3A_256 = arith.constant 0.000000e+00 : f32
    %broadcast_in_dim3A_257 = vector.broadcast %broadcast_in_dim3A_256 : f32 to vector<1024x256xf32>
    %mul3A_258 = arith.mulf %exp3A, %div3A_255 : vector<1024x8xf32>
    %dot_general3A_259 = arith.constant dense<0.000000e+00> : vector<1024x256xf32>
    %dot_general3A_260 = tpu.matmul %mul3A_258, %convert_element_type3A_186, %dot_general3A_259 {dimension_numbers = #tpu.dot_dimension_numbers<[1], [1], [0], [0], [0, 0, 1, 0], [], []>, transpose_lhs_hint = false} : vector<1024x8xf32>, vector<256x8xf32>, vector<1024x256xf32> -> vector<1024x256xf32>
    %shift_left3A = arith.constant 16 : i32
    %shift_left3A_261 = vector.broadcast %shift_left3A : i32 to vector<1024x256xi32>
    %shift_left3A_262 = arith.shli %get3A_194, %shift_left3A_261 : vector<1024x256xi32>
    %bitcast_convert_type3A_263 = tpu.bitcast %shift_left3A_262 : vector<1024x256xi32> -> vector<1024x256xf32>
    %slice3A_264 = vector.extract_strided_slice %add3A_159 {offsets = [0, 0], sizes = [1, 256], strides = [1, 1]} : vector<8x256xf32> to vector<1x256xf32>
    %add3A_265 = vector.broadcast %slice3A_264 : vector<1x256xf32> to vector<1024x256xf32>
    %add3A_266 = arith.addf %bitcast_convert_type3A_263, %add3A_265 : vector<1024x256xf32>
    %mul3A_267 = arith.mulf %dot_general3A_260, %add3A_266 : vector<1024x256xf32>
    %add3A_268 = arith.addf %broadcast_in_dim3A_257, %mul3A_267 : vector<1024x256xf32>
    %mul3A_269 = arith.mulf %exp3A_245, %div3A_255 : vector<1024x8xf32>
    %dot_general3A_270 = arith.constant dense<0.000000e+00> : vector<1024x256xf32>
    %dot_general3A_271 = tpu.matmul %mul3A_269, %convert_element_type3A_186, %dot_general3A_270 {dimension_numbers = #tpu.dot_dimension_numbers<[1], [1], [0], [0], [0, 0, 1, 0], [], []>, transpose_lhs_hint = false} : vector<1024x8xf32>, vector<256x8xf32>, vector<1024x256xf32> -> vector<1024x256xf32>
    %shift_left3A_272 = arith.constant 16 : i32
    %shift_left3A_273 = vector.broadcast %shift_left3A_272 : i32 to vector<1024x256xi32>
    %shift_left3A_274 = arith.shli %get3A_199, %shift_left3A_273 : vector<1024x256xi32>
    %bitcast_convert_type3A_275 = tpu.bitcast %shift_left3A_274 : vector<1024x256xi32> -> vector<1024x256xf32>
    %slice3A_276 = vector.extract_strided_slice %add3A_159 {offsets = [1, 0], sizes = [1, 256], strides = [1, 1]} : vector<8x256xf32> to vector<1x256xf32>
    %add3A_277 = vector.broadcast %slice3A_276 : vector<1x256xf32> to vector<1024x256xf32>
    %add3A_278 = arith.addf %bitcast_convert_type3A_275, %add3A_277 : vector<1024x256xf32>
    %mul3A_279 = arith.mulf %dot_general3A_271, %add3A_278 : vector<1024x256xf32>
    %add3A_280 = arith.addf %add3A_268, %mul3A_279 : vector<1024x256xf32>
    %mul3A_281 = arith.mulf %exp3A_247, %div3A_255 : vector<1024x8xf32>
    %dot_general3A_282 = arith.constant dense<0.000000e+00> : vector<1024x256xf32>
    %dot_general3A_283 = tpu.matmul %mul3A_281, %convert_element_type3A_186, %dot_general3A_282 {dimension_numbers = #tpu.dot_dimension_numbers<[1], [1], [0], [0], [0, 0, 1, 0], [], []>, transpose_lhs_hint = false} : vector<1024x8xf32>, vector<256x8xf32>, vector<1024x256xf32> -> vector<1024x256xf32>
    %shift_left3A_284 = arith.constant 16 : i32
    %shift_left3A_285 = vector.broadcast %shift_left3A_284 : i32 to vector<1024x256xi32>
    %shift_left3A_286 = arith.shli %get3A_204, %shift_left3A_285 : vector<1024x256xi32>
    %bitcast_convert_type3A_287 = tpu.bitcast %shift_left3A_286 : vector<1024x256xi32> -> vector<1024x256xf32>
    %slice3A_288 = vector.extract_strided_slice %add3A_159 {offsets = [2, 0], sizes = [1, 256], strides = [1, 1]} : vector<8x256xf32> to vector<1x256xf32>
    %add3A_289 = vector.broadcast %slice3A_288 : vector<1x256xf32> to vector<1024x256xf32>
    %add3A_290 = arith.addf %bitcast_convert_type3A_287, %add3A_289 : vector<1024x256xf32>
    %mul3A_291 = arith.mulf %dot_general3A_283, %add3A_290 : vector<1024x256xf32>
    %add3A_292 = arith.addf %add3A_280, %mul3A_291 : vector<1024x256xf32>
    %mul3A_293 = arith.mulf %exp3A_249, %div3A_255 : vector<1024x8xf32>
    %dot_general3A_294 = arith.constant dense<0.000000e+00> : vector<1024x256xf32>
    %dot_general3A_295 = tpu.matmul %mul3A_293, %convert_element_type3A_186, %dot_general3A_294 {dimension_numbers = #tpu.dot_dimension_numbers<[1], [1], [0], [0], [0, 0, 1, 0], [], []>, transpose_lhs_hint = false} : vector<1024x8xf32>, vector<256x8xf32>, vector<1024x256xf32> -> vector<1024x256xf32>
    %shift_left3A_296 = arith.constant 16 : i32
    %shift_left3A_297 = vector.broadcast %shift_left3A_296 : i32 to vector<1024x256xi32>
    %shift_left3A_298 = arith.shli %get3A_209, %shift_left3A_297 : vector<1024x256xi32>
    %bitcast_convert_type3A_299 = tpu.bitcast %shift_left3A_298 : vector<1024x256xi32> -> vector<1024x256xf32>
    %slice3A_300 = vector.extract_strided_slice %add3A_159 {offsets = [3, 0], sizes = [1, 256], strides = [1, 1]} : vector<8x256xf32> to vector<1x256xf32>
    %add3A_301 = vector.broadcast %slice3A_300 : vector<1x256xf32> to vector<1024x256xf32>
    %add3A_302 = arith.addf %bitcast_convert_type3A_299, %add3A_301 : vector<1024x256xf32>
    %mul3A_303 = arith.mulf %dot_general3A_295, %add3A_302 : vector<1024x256xf32>
    %add3A_304 = arith.addf %add3A_292, %mul3A_303 : vector<1024x256xf32>
    %transpose3A_305 = tpu.transpose %add3A_304, [1, 0] : vector<1024x256xf32> -> vector<256x1024xf32>
    %slice3A_306 = vector.extract_strided_slice %transpose3A_305 {offsets = [0, 0], sizes = [256, 128], strides = [1, 1]} : vector<256x1024xf32> to vector<256x128xf32>
    %swap3A = arith.constant 0 : index
    %swap3A_307 = arith.constant 0 : index
    %swap3A_308 = arith.constant 0 : index
    %swap3A_309 = arith.constant 0 : index
    %swap3A_310 = vector.load %arg10[%swap3A, %swap3A_307, %swap3A_308, %swap3A_309] : memref<1x256x8x128xf32, #tpu.memory_space<vmem>>, vector<1x256x1x128xf32>
    %swap3A_311 = vector.shape_cast %swap3A_310 : vector<1x256x1x128xf32> to vector<256x128xf32>
    %swap3A_312 = vector.shape_cast %slice3A_306 : vector<256x128xf32> to vector<1x256x1x128xf32>
    tpu.vector_store %arg10[%swap3A, %swap3A_307, %swap3A_308, %swap3A_309], %swap3A_312 {strides = array<i32>} : memref<1x256x8x128xf32, #tpu.memory_space<vmem>>, vector<1x256x1x128xf32>,
    %slice3A_313 = vector.extract_strided_slice %transpose3A_305 {offsets = [0, 128], sizes = [256, 128], strides = [1, 1]} : vector<256x1024xf32> to vector<256x128xf32>
    %swap3A_314 = arith.constant 0 : index
    %swap3A_315 = arith.constant 0 : index
    %swap3A_316 = arith.constant 1 : index
    %swap3A_317 = arith.constant 0 : index
    %swap3A_318 = vector.load %arg10[%swap3A_314, %swap3A_315, %swap3A_316, %swap3A_317] : memref<1x256x8x128xf32, #tpu.memory_space<vmem>>, vector<1x256x1x128xf32>
    %swap3A_319 = vector.shape_cast %swap3A_318 : vector<1x256x1x128xf32> to vector<256x128xf32>
    %swap3A_320 = vector.shape_cast %slice3A_313 : vector<256x128xf32> to vector<1x256x1x128xf32>
    tpu.vector_store %arg10[%swap3A_314, %swap3A_315, %swap3A_316, %swap3A_317], %swap3A_320 {strides = array<i32>} : memref<1x256x8x128xf32, #tpu.memory_space<vmem>>, vector<1x256x1x128xf32>,
    %slice3A_321 = vector.extract_strided_slice %transpose3A_305 {offsets = [0, 256], sizes = [256, 128], strides = [1, 1]} : vector<256x1024xf32> to vector<256x128xf32>
    %swap3A_322 = arith.constant 0 : index
    %swap3A_323 = arith.constant 0 : index
    %swap3A_324 = arith.constant 2 : index
    %swap3A_325 = arith.constant 0 : index
    %swap3A_326 = vector.load %arg10[%swap3A_322, %swap3A_323, %swap3A_324, %swap3A_325] : memref<1x256x8x128xf32, #tpu.memory_space<vmem>>, vector<1x256x1x128xf32>
    %swap3A_327 = vector.shape_cast %swap3A_326 : vector<1x256x1x128xf32> to vector<256x128xf32>
    %swap3A_328 = vector.shape_cast %slice3A_321 : vector<256x128xf32> to vector<1x256x1x128xf32>
    tpu.vector_store %arg10[%swap3A_322, %swap3A_323, %swap3A_324, %swap3A_325], %swap3A_328 {strides = array<i32>} : memref<1x256x8x128xf32, #tpu.memory_space<vmem>>, vector<1x256x1x128xf32>,
    %slice3A_329 = vector.extract_strided_slice %transpose3A_305 {offsets = [0, 384], sizes = [256, 128], strides = [1, 1]} : vector<256x1024xf32> to vector<256x128xf32>
    %swap3A_330 = arith.constant 0 : index
    %swap3A_331 = arith.constant 0 : index
    %swap3A_332 = arith.constant 3 : index
    %swap3A_333 = arith.constant 0 : index
    %swap3A_334 = vector.load %arg10[%swap3A_330, %swap3A_331, %swap3A_332, %swap3A_333] : memref<1x256x8x128xf32, #tpu.memory_space<vmem>>, vector<1x256x1x128xf32>
    %swap3A_335 = vector.shape_cast %swap3A_334 : vector<1x256x1x128xf32> to vector<256x128xf32>
    %swap3A_336 = vector.shape_cast %slice3A_329 : vector<256x128xf32> to vector<1x256x1x128xf32>
    tpu.vector_store %arg10[%swap3A_330, %swap3A_331, %swap3A_332, %swap3A_333], %swap3A_336 {strides = array<i32>} : memref<1x256x8x128xf32, #tpu.memory_space<vmem>>, vector<1x256x1x128xf32>,
    %slice3A_337 = vector.extract_strided_slice %transpose3A_305 {offsets = [0, 512], sizes = [256, 128], strides = [1, 1]} : vector<256x1024xf32> to vector<256x128xf32>
    %swap3A_338 = arith.constant 0 : index
    %swap3A_339 = arith.constant 0 : index
    %swap3A_340 = arith.constant 4 : index
    %swap3A_341 = arith.constant 0 : index
    %swap3A_342 = vector.load %arg10[%swap3A_338, %swap3A_339, %swap3A_340, %swap3A_341] : memref<1x256x8x128xf32, #tpu.memory_space<vmem>>, vector<1x256x1x128xf32>
    %swap3A_343 = vector.shape_cast %swap3A_342 : vector<1x256x1x128xf32> to vector<256x128xf32>
    %swap3A_344 = vector.shape_cast %slice3A_337 : vector<256x128xf32> to vector<1x256x1x128xf32>
    tpu.vector_store %arg10[%swap3A_338, %swap3A_339, %swap3A_340, %swap3A_341], %swap3A_344 {strides = array<i32>} : memref<1x256x8x128xf32, #tpu.memory_space<vmem>>, vector<1x256x1x128xf32>,
    %slice3A_345 = vector.extract_strided_slice %transpose3A_305 {offsets = [0, 640], sizes = [256, 128], strides = [1, 1]} : vector<256x1024xf32> to vector<256x128xf32>
    %swap3A_346 = arith.constant 0 : index
    %swap3A_347 = arith.constant 0 : index
    %swap3A_348 = arith.constant 5 : index
    %swap3A_349 = arith.constant 0 : index
    %swap3A_350 = vector.load %arg10[%swap3A_346, %swap3A_347, %swap3A_348, %swap3A_349] : memref<1x256x8x128xf32, #tpu.memory_space<vmem>>, vector<1x256x1x128xf32>
    %swap3A_351 = vector.shape_cast %swap3A_350 : vector<1x256x1x128xf32> to vector<256x128xf32>
    %swap3A_352 = vector.shape_cast %slice3A_345 : vector<256x128xf32> to vector<1x256x1x128xf32>
    tpu.vector_store %arg10[%swap3A_346, %swap3A_347, %swap3A_348, %swap3A_349], %swap3A_352 {strides = array<i32>} : memref<1x256x8x128xf32, #tpu.memory_space<vmem>>, vector<1x256x1x128xf32>,
    %slice3A_353 = vector.extract_strided_slice %transpose3A_305 {offsets = [0, 768], sizes = [256, 128], strides = [1, 1]} : vector<256x1024xf32> to vector<256x128xf32>
    %swap3A_354 = arith.constant 0 : index
    %swap3A_355 = arith.constant 0 : index
    %swap3A_356 = arith.constant 6 : index
    %swap3A_357 = arith.constant 0 : index
    %swap3A_358 = vector.load %arg10[%swap3A_354, %swap3A_355, %swap3A_356, %swap3A_357] : memref<1x256x8x128xf32, #tpu.memory_space<vmem>>, vector<1x256x1x128xf32>
    %swap3A_359 = vector.shape_cast %swap3A_358 : vector<1x256x1x128xf32> to vector<256x128xf32>
    %swap3A_360 = vector.shape_cast %slice3A_353 : vector<256x128xf32> to vector<1x256x1x128xf32>
    tpu.vector_store %arg10[%swap3A_354, %swap3A_355, %swap3A_356, %swap3A_357], %swap3A_360 {strides = array<i32>} : memref<1x256x8x128xf32, #tpu.memory_space<vmem>>, vector<1x256x1x128xf32>,
    %slice3A_361 = vector.extract_strided_slice %transpose3A_305 {offsets = [0, 896], sizes = [256, 128], strides = [1, 1]} : vector<256x1024xf32> to vector<256x128xf32>
    %swap3A_362 = arith.constant 0 : index
    %swap3A_363 = arith.constant 0 : index
    %swap3A_364 = arith.constant 7 : index
    %swap3A_365 = arith.constant 0 : index
    %swap3A_366 = vector.load %arg10[%swap3A_362, %swap3A_363, %swap3A_364, %swap3A_365] : memref<1x256x8x128xf32, #tpu.memory_space<vmem>>, vector<1x256x1x128xf32>
    %swap3A_367 = vector.shape_cast %swap3A_366 : vector<1x256x1x128xf32> to vector<256x128xf32>
    %swap3A_368 = vector.shape_cast %slice3A_361 : vector<256x128xf32> to vector<1x256x1x128xf32>
    tpu.vector_store %arg10[%swap3A_362, %swap3A_363, %swap3A_364, %swap3A_365], %swap3A_368 {strides = array<i32>} : memref<1x256x8x128xf32, #tpu.memory_space<vmem>>, vector<1x256x1x128xf32>,
    return
  }
  func.func @transform_0(%arg0: i32) -> (i32, i32, i32) {
    %c0_i32 = arith.constant 0 : i32
    %c0_i32_0 = arith.constant 0 : i32
    %c0_i32_1 = arith.constant 0 : i32
    return %c0_i32, %arg0, %c0_i32_0 : i32, i32, i32
  }
  func.func @transform_1(%arg0: i32) -> (i32, i32, i32, i32) {
    %c0_i32 = arith.constant 0 : i32
    %c0_i32_0 = arith.constant 0 : i32
    %c0_i32_1 = arith.constant 0 : i32
    %c0_i32_2 = arith.constant 0 : i32
    return %c0_i32, %c0_i32_0, %arg0, %c0_i32_1 : i32, i32, i32, i32
  }
  func.func @transform_2(%arg0: i32) -> (i32, i32, i32, i32) {
    %c0_i32 = arith.constant 0 : i32
    %c0_i32_0 = arith.constant 0 : i32
    %c0_i32_1 = arith.constant 0 : i32
    %c0_i32_2 = arith.constant 0 : i32
    return %c0_i32, %arg0, %c0_i32_0, %c0_i32_1 : i32, i32, i32, i32
  }
  func.func @transform_3(%arg0: i32) -> (i32, i32) {
    %c0_i32 = arith.constant 0 : i32
    %c0_i32_0 = arith.constant 0 : i32
    %c0_i32_1 = arith.constant 0 : i32
    return %c0_i32, %c0_i32_0 : i32, i32
  }
  func.func @transform_4(%arg0: i32) -> (i32, i32) {
    %c0_i32 = arith.constant 0 : i32
    %c0_i32_0 = arith.constant 0 : i32
    %c0_i32_1 = arith.constant 0 : i32
    return %c0_i32, %c0_i32_0 : i32, i32
  }
  func.func @transform_5(%arg0: i32) -> (i32, i32) {
    %c0_i32 = arith.constant 0 : i32
    %c0_i32_0 = arith.constant 0 : i32
    %c0_i32_1 = arith.constant 0 : i32
    return %c0_i32, %c0_i32_0 : i32, i32
  }
  func.func @transform_6(%arg0: i32) -> (i32, i32) {
    %c0_i32 = arith.constant 0 : i32
    %c0_i32_0 = arith.constant 0 : i32
    %c0_i32_1 = arith.constant 0 : i32
    return %c0_i32, %c0_i32_0 : i32, i32
  }
  func.func @transform_7(%arg0: i32) -> (i32, i32) {
    %c0_i32 = arith.constant 0 : i32
    %c0_i32_0 = arith.constant 0 : i32
    %c0_i32_1 = arith.constant 0 : i32
    return %c0_i32, %c0_i32_0 : i32, i32
  }
  func.func @transform_8(%arg0: i32) -> (i32, i32) {
    %c0_i32 = arith.constant 0 : i32
    %c0_i32_0 = arith.constant 0 : i32
    %c0_i32_1 = arith.constant 0 : i32
    return %c0_i32, %c0_i32_0 : i32, i32
  }
  func.func @transform_9(%arg0: i32) -> (i32, i32, i32, i32) {
    %c0_i32 = arith.constant 0 : i32
    %c0_i32_0 = arith.constant 0 : i32
    %c0_i32_1 = arith.constant 0 : i32
    %c0_i32_2 = arith.constant 0 : i32
    return %c0_i32, %c0_i32_0, %arg0, %c0_i32_1 : i32, i32, i32, i32
  }
}

module attributes {stable_mosaic.version = 14 : i64} {
  func.func @body(%arg0: i32, %arg1: memref<2x256x128x128xf32, #tpu.memory_space<any>>, %arg2: memref<4x1024x256xi32, #tpu.memory_space<vmem>>, %arg3: memref<1x256x8x128xf32, #tpu.memory_space<vmem>>, %arg4: memref<1x1x1024x2xf32, #tpu.memory_space<vmem>>, %arg5: memref<8x256xf32, #tpu.memory_space<vmem>>, %arg6: memref<16x128xf32, #tpu.memory_space<vmem>>, %arg7: memref<256x256xf32, #tpu.memory_space<vmem>>, %arg8: memref<256x256xf32, #tpu.memory_space<vmem>>, %arg9: memref<256x256xf32, #tpu.memory_space<vmem>>, %arg10: memref<8x256xf32, #tpu.memory_space<vmem>>, %arg11: memref<1x256x8x128xf32, #tpu.memory_space<vmem>>) attributes {dimension_semantics = [#tpu.dimension_semantics<arbitrary>], iteration_bounds = array<i64: 16>, scalar_prefetch = 0 : i64, scratch_operands = 0 : i64, tpu.core_type = #tpu.core_type<tc>, window_params = [{}, {transform_indices = @transform_1, window_bounds = array<i64: 4, 1024, 256>}, {transform_indices = @transform_2, window_bounds = array<i64: 1, 256, 8, 128>}, {transform_indices = @transform_3, window_bounds = array<i64: 1, 1, 1024, 2>}, {pipeline_mode = #tpu.pipeline_mode<synchronous>, transform_indices = @transform_4, window_bounds = array<i64: 8, 256>}, {pipeline_mode = #tpu.pipeline_mode<synchronous>, transform_indices = @transform_5, window_bounds = array<i64: 16, 128>}, {pipeline_mode = #tpu.pipeline_mode<synchronous>, transform_indices = @transform_6, window_bounds = array<i64: 256, 256>}, {pipeline_mode = #tpu.pipeline_mode<synchronous>, transform_indices = @transform_7, window_bounds = array<i64: 256, 256>}, {pipeline_mode = #tpu.pipeline_mode<synchronous>, transform_indices = @transform_8, window_bounds = array<i64: 256, 256>}, {pipeline_mode = #tpu.pipeline_mode<synchronous>, transform_indices = @transform_9, window_bounds = array<i64: 8, 256>}, {transform_indices = @transform_10, window_bounds = array<i64: 1, 256, 8, 128>}]} {
    %get3A = arith.constant 0 : index
    %get3A_0 = arith.constant 0 : index
    %get3A_1 = arith.constant 0 : index
    %get3A_2 = arith.constant 0 : index
    %get3A_3 = vector.load %arg4[%get3A, %get3A_0, %get3A_1, %get3A_2] : memref<1x1x1024x2xf32, #tpu.memory_space<vmem>>, vector<1x1x1024x2xf32>
    %get3A_4 = vector.shape_cast %get3A_3 : vector<1x1x1024x2xf32> to vector<1024x2xf32>
    %transpose3A = tpu.transpose %get3A_4, [1, 0] : vector<1024x2xf32> -> vector<2x1024xf32>
    %slice3A = vector.extract_strided_slice %transpose3A {offsets = [0, 0], sizes = [1, 1024], strides = [1, 1]} : vector<2x1024xf32> to vector<1x1024xf32>
    %slice3A_5 = vector.extract_strided_slice %transpose3A {offsets = [1, 0], sizes = [1, 1024], strides = [1, 1]} : vector<2x1024xf32> to vector<1x1024xf32>
    %floor3A = math.floor %slice3A : vector<1x1024xf32>
    %sub3A = arith.subf %slice3A, %floor3A : vector<1x1024xf32>
    %floor3A_6 = math.floor %slice3A_5 : vector<1x1024xf32>
    %sub3A_7 = arith.subf %slice3A_5, %floor3A_6 : vector<1x1024xf32>
    %broadcast_in_dim3A = arith.constant 1.000000e+00 : f32
    %broadcast_in_dim3A_8 = vector.broadcast %broadcast_in_dim3A : f32 to vector<1x1024xf32>
    %mul3A = arith.mulf %broadcast_in_dim3A_8, %sub3A_7 : vector<1x1024xf32>
    %mul3A_9 = arith.mulf %mul3A, %sub3A_7 : vector<1x1024xf32>
    %mul3A_10 = arith.mulf %mul3A_9, %sub3A_7 : vector<1x1024xf32>
    %mul3A_11 = arith.mulf %mul3A_10, %sub3A_7 : vector<1x1024xf32>
    %mul3A_12 = arith.mulf %mul3A_11, %sub3A_7 : vector<1x1024xf32>
    %mul3A_13 = arith.mulf %mul3A_12, %sub3A_7 : vector<1x1024xf32>
    %mul3A_14 = arith.mulf %mul3A_13, %sub3A_7 : vector<1x1024xf32>
    %mul3A_15 = arith.mulf %mul3A_14, %sub3A_7 : vector<1x1024xf32>
    %mul3A_16 = arith.mulf %mul3A_15, %sub3A_7 : vector<1x1024xf32>
    %mul3A_17 = arith.mulf %mul3A_16, %sub3A_7 : vector<1x1024xf32>
    %broadcast_in_dim3A_18 = arith.constant 0.000000e+00 : f32
    %broadcast_in_dim3A_19 = vector.broadcast %broadcast_in_dim3A_18 : f32 to vector<5x1024xf32>
    %concatenate3A = tpu.concatenate %broadcast_in_dim3A_8, %mul3A, %mul3A_9, %mul3A_10, %mul3A_11, %mul3A_12, %mul3A_13, %mul3A_14, %mul3A_15, %mul3A_16, %mul3A_17, %broadcast_in_dim3A_19 in 0 : vector<1x1024xf32>, vector<1x1024xf32>, vector<1x1024xf32>, vector<1x1024xf32>, vector<1x1024xf32>, vector<1x1024xf32>, vector<1x1024xf32>, vector<1x1024xf32>, vector<1x1024xf32>, vector<1x1024xf32>, vector<1x1024xf32>, vector<5x1024xf32> -> vector<16x1024xf32>
    %broadcast_in_dim3A_20 = arith.constant 1.000000e+00 : f32
    %broadcast_in_dim3A_21 = vector.broadcast %broadcast_in_dim3A_20 : f32 to vector<1x1024xf32>
    %mul3A_22 = arith.mulf %broadcast_in_dim3A_21, %sub3A : vector<1x1024xf32>
    %mul3A_23 = arith.mulf %mul3A_22, %sub3A : vector<1x1024xf32>
    %mul3A_24 = arith.mulf %mul3A_23, %sub3A : vector<1x1024xf32>
    %mul3A_25 = arith.mulf %mul3A_24, %sub3A : vector<1x1024xf32>
    %mul3A_26 = arith.mulf %mul3A_25, %sub3A : vector<1x1024xf32>
    %mul3A_27 = arith.mulf %mul3A_26, %sub3A : vector<1x1024xf32>
    %mul3A_28 = arith.mulf %mul3A_27, %sub3A : vector<1x1024xf32>
    %mul3A_29 = arith.mulf %mul3A_28, %sub3A : vector<1x1024xf32>
    %mul3A_30 = arith.mulf %mul3A_29, %sub3A : vector<1x1024xf32>
    %mul3A_31 = arith.mulf %mul3A_30, %sub3A : vector<1x1024xf32>
    %broadcast_in_dim3A_32 = arith.constant 0.000000e+00 : f32
    %broadcast_in_dim3A_33 = vector.broadcast %broadcast_in_dim3A_32 : f32 to vector<5x1024xf32>
    %concatenate3A_34 = tpu.concatenate %broadcast_in_dim3A_21, %mul3A_22, %mul3A_23, %mul3A_24, %mul3A_25, %mul3A_26, %mul3A_27, %mul3A_28, %mul3A_29, %mul3A_30, %mul3A_31, %broadcast_in_dim3A_33 in 0 : vector<1x1024xf32>, vector<1x1024xf32>, vector<1x1024xf32>, vector<1x1024xf32>, vector<1x1024xf32>, vector<1x1024xf32>, vector<1x1024xf32>, vector<1x1024xf32>, vector<1x1024xf32>, vector<1x1024xf32>, vector<1x1024xf32>, vector<5x1024xf32> -> vector<16x1024xf32>
    %concatenate3A_35 = tpu.concatenate %concatenate3A, %concatenate3A_34 in 0 : vector<16x1024xf32>, vector<16x1024xf32> -> vector<32x1024xf32>
    %get3A_36 = arith.constant 0 : index
    %get3A_37 = arith.constant 0 : index
    %get3A_38 = vector.load %arg7[%get3A_36, %get3A_37] : memref<256x256xf32, #tpu.memory_space<vmem>>, vector<256x256xf32>
    %get3A_39 = arith.constant 0 : index
    %get3A_40 = arith.constant 0 : index
    %get3A_41 = vector.load %arg6[%get3A_39, %get3A_40] : memref<16x128xf32, #tpu.memory_space<vmem>>, vector<16x128xf32>
    %slice3A_42 = vector.extract_strided_slice %get3A_38 {offsets = [0, 0], sizes = [256, 128], strides = [1, 1]} : vector<256x256xf32> to vector<256x128xf32>
    %dot_general3A = arith.constant dense<0.000000e+00> : vector<16x256xf32>
    %dot_general3A_43 = tpu.matmul %get3A_41, %slice3A_42, %dot_general3A {dimension_numbers = #tpu.dot_dimension_numbers<[1], [1], [0], [0], [0, 0, 1, 0], [], []>, transpose_lhs_hint = false} : vector<16x128xf32>, vector<256x128xf32>, vector<16x256xf32> -> vector<16x256xf32>
    %get3A_44 = arith.constant 0 : index
    %get3A_45 = arith.constant 0 : index
    %get3A_46 = vector.load %arg6[%get3A_44, %get3A_45] : memref<16x128xf32, #tpu.memory_space<vmem>>, vector<16x128xf32>
    %slice3A_47 = vector.extract_strided_slice %get3A_38 {offsets = [0, 128], sizes = [256, 128], strides = [1, 1]} : vector<256x256xf32> to vector<256x128xf32>
    %dot_general3A_48 = arith.constant dense<0.000000e+00> : vector<16x256xf32>
    %dot_general3A_49 = tpu.matmul %get3A_46, %slice3A_47, %dot_general3A_48 {dimension_numbers = #tpu.dot_dimension_numbers<[1], [1], [0], [0], [0, 0, 1, 0], [], []>, transpose_lhs_hint = false} : vector<16x128xf32>, vector<256x128xf32>, vector<16x256xf32> -> vector<16x256xf32>
    %concatenate3A_50 = tpu.concatenate %dot_general3A_43, %dot_general3A_49 in 0 : vector<16x256xf32>, vector<16x256xf32> -> vector<32x256xf32>
    %convert_element_type3A = arith.truncf %get3A_38 : vector<256x256xf32> to vector<256x256xbf16>
    %get3A_51 = arith.constant 0 : index
    %get3A_52 = arith.constant 0 : index
    %get3A_53 = arith.constant 0 : index
    %get3A_54 = arith.constant 0 : index
    %get3A_55 = vector.load %arg3[%get3A_51, %get3A_52, %get3A_53, %get3A_54] : memref<1x256x8x128xf32, #tpu.memory_space<vmem>>, vector<1x256x1x128xf32>
    %get3A_56 = vector.shape_cast %get3A_55 : vector<1x256x1x128xf32> to vector<256x128xf32>
    %convert_element_type3A_57 = arith.truncf %get3A_56 : vector<256x128xf32> to vector<256x128xbf16>
    %dot_general3A_58 = arith.constant dense<0.000000e+00> : vector<128x256xf32>
    %dot_general3A_59 = tpu.matmul %convert_element_type3A_57, %convert_element_type3A, %dot_general3A_58 {dimension_numbers = #tpu.dot_dimension_numbers<[0], [1], [1], [0], [0, 1, 1, 0], [], []>, transpose_lhs_hint = false} : vector<256x128xbf16>, vector<256x256xbf16>, vector<128x256xf32> -> vector<128x256xf32>
    %get3A_60 = arith.constant 0 : index
    %get3A_61 = arith.constant 0 : index
    %get3A_62 = arith.constant 1 : index
    %get3A_63 = arith.constant 0 : index
    %get3A_64 = vector.load %arg3[%get3A_60, %get3A_61, %get3A_62, %get3A_63] : memref<1x256x8x128xf32, #tpu.memory_space<vmem>>, vector<1x256x1x128xf32>
    %get3A_65 = vector.shape_cast %get3A_64 : vector<1x256x1x128xf32> to vector<256x128xf32>
    %convert_element_type3A_66 = arith.truncf %get3A_65 : vector<256x128xf32> to vector<256x128xbf16>
    %dot_general3A_67 = arith.constant dense<0.000000e+00> : vector<128x256xf32>
    %dot_general3A_68 = tpu.matmul %convert_element_type3A_66, %convert_element_type3A, %dot_general3A_67 {dimension_numbers = #tpu.dot_dimension_numbers<[0], [1], [1], [0], [0, 1, 1, 0], [], []>, transpose_lhs_hint = false} : vector<256x128xbf16>, vector<256x256xbf16>, vector<128x256xf32> -> vector<128x256xf32>
    %get3A_69 = arith.constant 0 : index
    %get3A_70 = arith.constant 0 : index
    %get3A_71 = arith.constant 2 : index
    %get3A_72 = arith.constant 0 : index
    %get3A_73 = vector.load %arg3[%get3A_69, %get3A_70, %get3A_71, %get3A_72] : memref<1x256x8x128xf32, #tpu.memory_space<vmem>>, vector<1x256x1x128xf32>
    %get3A_74 = vector.shape_cast %get3A_73 : vector<1x256x1x128xf32> to vector<256x128xf32>
    %convert_element_type3A_75 = arith.truncf %get3A_74 : vector<256x128xf32> to vector<256x128xbf16>
    %dot_general3A_76 = arith.constant dense<0.000000e+00> : vector<128x256xf32>
    %dot_general3A_77 = tpu.matmul %convert_element_type3A_75, %convert_element_type3A, %dot_general3A_76 {dimension_numbers = #tpu.dot_dimension_numbers<[0], [1], [1], [0], [0, 1, 1, 0], [], []>, transpose_lhs_hint = false} : vector<256x128xbf16>, vector<256x256xbf16>, vector<128x256xf32> -> vector<128x256xf32>
    %get3A_78 = arith.constant 0 : index
    %get3A_79 = arith.constant 0 : index
    %get3A_80 = arith.constant 3 : index
    %get3A_81 = arith.constant 0 : index
    %get3A_82 = vector.load %arg3[%get3A_78, %get3A_79, %get3A_80, %get3A_81] : memref<1x256x8x128xf32, #tpu.memory_space<vmem>>, vector<1x256x1x128xf32>
    %get3A_83 = vector.shape_cast %get3A_82 : vector<1x256x1x128xf32> to vector<256x128xf32>
    %convert_element_type3A_84 = arith.truncf %get3A_83 : vector<256x128xf32> to vector<256x128xbf16>
    %dot_general3A_85 = arith.constant dense<0.000000e+00> : vector<128x256xf32>
    %dot_general3A_86 = tpu.matmul %convert_element_type3A_84, %convert_element_type3A, %dot_general3A_85 {dimension_numbers = #tpu.dot_dimension_numbers<[0], [1], [1], [0], [0, 1, 1, 0], [], []>, transpose_lhs_hint = false} : vector<256x128xbf16>, vector<256x256xbf16>, vector<128x256xf32> -> vector<128x256xf32>
    %get3A_87 = arith.constant 0 : index
    %get3A_88 = arith.constant 0 : index
    %get3A_89 = arith.constant 4 : index
    %get3A_90 = arith.constant 0 : index
    %get3A_91 = vector.load %arg3[%get3A_87, %get3A_88, %get3A_89, %get3A_90] : memref<1x256x8x128xf32, #tpu.memory_space<vmem>>, vector<1x256x1x128xf32>
    %get3A_92 = vector.shape_cast %get3A_91 : vector<1x256x1x128xf32> to vector<256x128xf32>
    %convert_element_type3A_93 = arith.truncf %get3A_92 : vector<256x128xf32> to vector<256x128xbf16>
    %dot_general3A_94 = arith.constant dense<0.000000e+00> : vector<128x256xf32>
    %dot_general3A_95 = tpu.matmul %convert_element_type3A_93, %convert_element_type3A, %dot_general3A_94 {dimension_numbers = #tpu.dot_dimension_numbers<[0], [1], [1], [0], [0, 1, 1, 0], [], []>, transpose_lhs_hint = false} : vector<256x128xbf16>, vector<256x256xbf16>, vector<128x256xf32> -> vector<128x256xf32>
    %get3A_96 = arith.constant 0 : index
    %get3A_97 = arith.constant 0 : index
    %get3A_98 = arith.constant 5 : index
    %get3A_99 = arith.constant 0 : index
    %get3A_100 = vector.load %arg3[%get3A_96, %get3A_97, %get3A_98, %get3A_99] : memref<1x256x8x128xf32, #tpu.memory_space<vmem>>, vector<1x256x1x128xf32>
    %get3A_101 = vector.shape_cast %get3A_100 : vector<1x256x1x128xf32> to vector<256x128xf32>
    %convert_element_type3A_102 = arith.truncf %get3A_101 : vector<256x128xf32> to vector<256x128xbf16>
    %dot_general3A_103 = arith.constant dense<0.000000e+00> : vector<128x256xf32>
    %dot_general3A_104 = tpu.matmul %convert_element_type3A_102, %convert_element_type3A, %dot_general3A_103 {dimension_numbers = #tpu.dot_dimension_numbers<[0], [1], [1], [0], [0, 1, 1, 0], [], []>, transpose_lhs_hint = false} : vector<256x128xbf16>, vector<256x256xbf16>, vector<128x256xf32> -> vector<128x256xf32>
    %get3A_105 = arith.constant 0 : index
    %get3A_106 = arith.constant 0 : index
    %get3A_107 = arith.constant 6 : index
    %get3A_108 = arith.constant 0 : index
    %get3A_109 = vector.load %arg3[%get3A_105, %get3A_106, %get3A_107, %get3A_108] : memref<1x256x8x128xf32, #tpu.memory_space<vmem>>, vector<1x256x1x128xf32>
    %get3A_110 = vector.shape_cast %get3A_109 : vector<1x256x1x128xf32> to vector<256x128xf32>
    %convert_element_type3A_111 = arith.truncf %get3A_110 : vector<256x128xf32> to vector<256x128xbf16>
    %dot_general3A_112 = arith.constant dense<0.000000e+00> : vector<128x256xf32>
    %dot_general3A_113 = tpu.matmul %convert_element_type3A_111, %convert_element_type3A, %dot_general3A_112 {dimension_numbers = #tpu.dot_dimension_numbers<[0], [1], [1], [0], [0, 1, 1, 0], [], []>, transpose_lhs_hint = false} : vector<256x128xbf16>, vector<256x256xbf16>, vector<128x256xf32> -> vector<128x256xf32>
    %get3A_114 = arith.constant 0 : index
    %get3A_115 = arith.constant 0 : index
    %get3A_116 = arith.constant 7 : index
    %get3A_117 = arith.constant 0 : index
    %get3A_118 = vector.load %arg3[%get3A_114, %get3A_115, %get3A_116, %get3A_117] : memref<1x256x8x128xf32, #tpu.memory_space<vmem>>, vector<1x256x1x128xf32>
    %get3A_119 = vector.shape_cast %get3A_118 : vector<1x256x1x128xf32> to vector<256x128xf32>
    %convert_element_type3A_120 = arith.truncf %get3A_119 : vector<256x128xf32> to vector<256x128xbf16>
    %dot_general3A_121 = arith.constant dense<0.000000e+00> : vector<128x256xf32>
    %dot_general3A_122 = tpu.matmul %convert_element_type3A_120, %convert_element_type3A, %dot_general3A_121 {dimension_numbers = #tpu.dot_dimension_numbers<[0], [1], [1], [0], [0, 1, 1, 0], [], []>, transpose_lhs_hint = false} : vector<256x128xbf16>, vector<256x256xbf16>, vector<128x256xf32> -> vector<128x256xf32>
    %concatenate3A_123 = tpu.concatenate %dot_general3A_59, %dot_general3A_68, %dot_general3A_77, %dot_general3A_86, %dot_general3A_95, %dot_general3A_104, %dot_general3A_113, %dot_general3A_122 in 0 : vector<128x256xf32>, vector<128x256xf32>, vector<128x256xf32>, vector<128x256xf32>, vector<128x256xf32>, vector<128x256xf32>, vector<128x256xf32>, vector<128x256xf32> -> vector<1024x256xf32>
    %dot_general3A_124 = arith.constant dense<0.000000e+00> : vector<1024x256xf32>
    %dot_general3A_125 = tpu.matmul %concatenate3A_35, %concatenate3A_50, %dot_general3A_124 {dimension_numbers = #tpu.dot_dimension_numbers<[0], [0], [1], [1], [0, 1, 1, 1], [], []>, transpose_lhs_hint = false} : vector<32x1024xf32>, vector<32x256xf32>, vector<1024x256xf32> -> vector<1024x256xf32>
    %add3A = arith.addf %concatenate3A_123, %dot_general3A_125 : vector<1024x256xf32>
    %get3A_126 = arith.constant 0 : index
    %get3A_127 = arith.constant 0 : index
    %get3A_128 = vector.load %arg10[%get3A_126, %get3A_127] : memref<8x256xf32, #tpu.memory_space<vmem>>, vector<1x256xf32>
    %add3A_129 = vector.broadcast %get3A_128 : vector<1x256xf32> to vector<1024x256xf32>
    %add3A_130 = arith.addf %add3A, %add3A_129 : vector<1024x256xf32>
    %mul3A_131 = arith.constant 0.176776692 : f32
    %mul3A_132 = vector.broadcast %mul3A_131 : f32 to vector<1024x256xf32>
    %mul3A_133 = arith.mulf %add3A_130, %mul3A_132 : vector<1024x256xf32>
    %get3A_134 = arith.constant 0 : index
    %get3A_135 = arith.constant 0 : index
    %get3A_136 = vector.load %arg5[%get3A_134, %get3A_135] : memref<8x256xf32, #tpu.memory_space<vmem>>, vector<8x256xf32>
    %get3A_137 = arith.constant 0 : index
    %get3A_138 = arith.constant 0 : index
    %get3A_139 = vector.load %arg8[%get3A_137, %get3A_138] : memref<256x256xf32, #tpu.memory_space<vmem>>, vector<256x256xf32>
    %dot_general3A_140 = arith.constant dense<0.000000e+00> : vector<8x256xf32>
    %dot_general3A_141 = tpu.matmul %get3A_136, %get3A_139, %dot_general3A_140 {dimension_numbers = #tpu.dot_dimension_numbers<[1], [1], [0], [0], [0, 0, 1, 0], [], []>, transpose_lhs_hint = false} : vector<8x256xf32>, vector<256x256xf32>, vector<8x256xf32> -> vector<8x256xf32>
    %get3A_142 = arith.constant 1 : index
    %get3A_143 = arith.constant 0 : index
    %get3A_144 = vector.load %arg10[%get3A_142, %get3A_143] : memref<8x256xf32, #tpu.memory_space<vmem>>, vector<1x256xf32>
    %add3A_145 = vector.broadcast %get3A_144 : vector<1x256xf32> to vector<8x256xf32>
    %add3A_146 = arith.addf %dot_general3A_141, %add3A_145 : vector<8x256xf32>
    %get3A_147 = arith.constant 0 : index
    %get3A_148 = arith.constant 0 : index
    %get3A_149 = vector.load %arg5[%get3A_147, %get3A_148] : memref<8x256xf32, #tpu.memory_space<vmem>>, vector<8x256xf32>
    %get3A_150 = arith.constant 0 : index
    %get3A_151 = arith.constant 0 : index
    %get3A_152 = vector.load %arg9[%get3A_150, %get3A_151] : memref<256x256xf32, #tpu.memory_space<vmem>>, vector<256x256xf32>
    %dot_general3A_153 = arith.constant dense<0.000000e+00> : vector<8x256xf32>
    %dot_general3A_154 = tpu.matmul %get3A_149, %get3A_152, %dot_general3A_153 {dimension_numbers = #tpu.dot_dimension_numbers<[1], [1], [0], [0], [0, 0, 1, 0], [], []>, transpose_lhs_hint = false} : vector<8x256xf32>, vector<256x256xf32>, vector<8x256xf32> -> vector<8x256xf32>
    %get3A_155 = arith.constant 2 : index
    %get3A_156 = arith.constant 0 : index
    %get3A_157 = vector.load %arg10[%get3A_155, %get3A_156] : memref<8x256xf32, #tpu.memory_space<vmem>>, vector<1x256xf32>
    %add3A_158 = vector.broadcast %get3A_157 : vector<1x256xf32> to vector<8x256xf32>
    %add3A_159 = arith.addf %dot_general3A_154, %add3A_158 : vector<8x256xf32>
    %iota3A = tpu.iota {dimensions = array<i32: 0>} : vector<256x8xi32>
    %jit3A = arith.constant 32 : i32
    %div3A = vector.broadcast %jit3A : i32 to vector<256x8xi32>
    %div3A_160 = arith.divsi %iota3A, %div3A : vector<256x8xi32>
    %sign3A = arith.constant 0 : i32
    %sign3A_161 = vector.broadcast %sign3A : i32 to vector<256x8xi32>
    %sign3A_162 = arith.cmpi sgt, %iota3A, %sign3A_161 : vector<256x8xi32>
    %sign3A_163 = arith.extui %sign3A_162 : vector<256x8xi1> to vector<256x8xi32>
    %sign3A_164 = arith.constant 0 : i32
    %sign3A_165 = vector.broadcast %sign3A_164 : i32 to vector<256x8xi32>
    %sign3A_166 = arith.cmpi slt, %iota3A, %sign3A_165 : vector<256x8xi32>
    %sign3A_167 = arith.extui %sign3A_166 : vector<256x8xi1> to vector<256x8xi32>
    %sign3A_168 = arith.subi %sign3A_163, %sign3A_167 : vector<256x8xi32>
    %sign3A_169 = arith.constant 0 : i32
    %sign3A_170 = arith.cmpi sgt, %jit3A, %sign3A_169 : i32
    %sign3A_171 = arith.extui %sign3A_170 : i1 to i32
    %sign3A_172 = arith.constant 0 : i32
    %sign3A_173 = arith.cmpi slt, %jit3A, %sign3A_172 : i32
    %sign3A_174 = arith.extui %sign3A_173 : i1 to i32
    %sign3A_175 = arith.subi %sign3A_171, %sign3A_174 : i32
    %ne3A = vector.broadcast %sign3A_175 : i32 to vector<256x8xi32>
    %ne3A_176 = arith.cmpi ne, %sign3A_168, %ne3A : vector<256x8xi32>
    %rem3A = vector.broadcast %jit3A : i32 to vector<256x8xi32>
    %rem3A_177 = arith.remsi %iota3A, %rem3A : vector<256x8xi32>
    %ne3A_178 = arith.constant 0 : i32
    %ne3A_179 = vector.broadcast %ne3A_178 : i32 to vector<256x8xi32>
    %ne3A_180 = arith.cmpi ne, %rem3A_177, %ne3A_179 : vector<256x8xi32>
    %and3A = arith.andi %ne3A_176, %ne3A_180 : vector<256x8xi1>
    %sub3A_181 = arith.constant 1 : i32
    %sub3A_182 = vector.broadcast %sub3A_181 : i32 to vector<256x8xi32>
    %sub3A_183 = arith.subi %div3A_160, %sub3A_182 : vector<256x8xi32>
    %select_n3A = arith.select %and3A, %sub3A_183, %div3A_160 : vector<256x8xi1>, vector<256x8xi32>
    %iota3A_184 = tpu.iota {dimensions = array<i32: 1>} : vector<256x8xi32>
    %eq3A = arith.cmpi eq, %select_n3A, %iota3A_184 : vector<256x8xi32>
    %convert_element_type3A_185 = arith.extui %eq3A : vector<256x8xi1> to vector<256x8xi32>
    %convert_element_type3A_186 = arith.sitofp %convert_element_type3A_185 : vector<256x8xi32> to vector<256x8xf32>
    %convert_element_type3A_187 = arith.extui %eq3A : vector<256x8xi1> to vector<256x8xi32>
    %convert_element_type3A_188 = arith.sitofp %convert_element_type3A_187 : vector<256x8xi32> to vector<256x8xf32>
    %convert_element_type3A_189 = arith.truncf %convert_element_type3A_188 : vector<256x8xf32> to vector<256x8xbf16>
    %get3A_190 = arith.constant 0 : index
    %get3A_191 = arith.constant 0 : index
    %get3A_192 = arith.constant 0 : index
    %get3A_193 = vector.load %arg2[%get3A_190, %get3A_191, %get3A_192] : memref<4x1024x256xi32, #tpu.memory_space<vmem>>, vector<1x1024x256xi32>
    %get3A_194 = vector.shape_cast %get3A_193 : vector<1x1024x256xi32> to vector<1024x256xi32>
    %get3A_195 = arith.constant 1 : index
    %get3A_196 = arith.constant 0 : index
    %get3A_197 = arith.constant 0 : index
    %get3A_198 = vector.load %arg2[%get3A_195, %get3A_196, %get3A_197] : memref<4x1024x256xi32, #tpu.memory_space<vmem>>, vector<1x1024x256xi32>
    %get3A_199 = vector.shape_cast %get3A_198 : vector<1x1024x256xi32> to vector<1024x256xi32>
    %get3A_200 = arith.constant 2 : index
    %get3A_201 = arith.constant 0 : index
    %get3A_202 = arith.constant 0 : index
    %get3A_203 = vector.load %arg2[%get3A_200, %get3A_201, %get3A_202] : memref<4x1024x256xi32, #tpu.memory_space<vmem>>, vector<1x1024x256xi32>
    %get3A_204 = vector.shape_cast %get3A_203 : vector<1x1024x256xi32> to vector<1024x256xi32>
    %get3A_205 = arith.constant 3 : index
    %get3A_206 = arith.constant 0 : index
    %get3A_207 = arith.constant 0 : index
    %get3A_208 = vector.load %arg2[%get3A_205, %get3A_206, %get3A_207] : memref<4x1024x256xi32, #tpu.memory_space<vmem>>, vector<1x1024x256xi32>
    %get3A_209 = vector.shape_cast %get3A_208 : vector<1x1024x256xi32> to vector<1024x256xi32>
    %bitcast_convert_type3A = tpu.bitcast %get3A_194 : vector<1024x256xi32> -> vector<1024x256xf32>
    %slice3A_210 = vector.extract_strided_slice %add3A_146 {offsets = [0, 0], sizes = [1, 256], strides = [1, 1]} : vector<8x256xf32> to vector<1x256xf32>
    %add3A_211 = vector.broadcast %slice3A_210 : vector<1x256xf32> to vector<1024x256xf32>
    %add3A_212 = arith.addf %bitcast_convert_type3A, %add3A_211 : vector<1024x256xf32>
    %mul3A_213 = arith.mulf %mul3A_133, %add3A_212 : vector<1024x256xf32>
    %convert_element_type3A_214 = arith.truncf %mul3A_213 : vector<1024x256xf32> to vector<1024x256xbf16>
    %dot_general3A_215 = arith.constant dense<0.000000e+00> : vector<1024x8xf32>
    %dot_general3A_216 = tpu.matmul %convert_element_type3A_214, %convert_element_type3A_189, %dot_general3A_215 {dimension_numbers = #tpu.dot_dimension_numbers<[1], [0], [0], [1], [0, 0, 1, 1], [], []>, transpose_lhs_hint = false} : vector<1024x256xbf16>, vector<256x8xbf16>, vector<1024x8xf32> -> vector<1024x8xf32>
    %bitcast_convert_type3A_217 = tpu.bitcast %get3A_199 : vector<1024x256xi32> -> vector<1024x256xf32>
    %slice3A_218 = vector.extract_strided_slice %add3A_146 {offsets = [1, 0], sizes = [1, 256], strides = [1, 1]} : vector<8x256xf32> to vector<1x256xf32>
    %add3A_219 = vector.broadcast %slice3A_218 : vector<1x256xf32> to vector<1024x256xf32>
    %add3A_220 = arith.addf %bitcast_convert_type3A_217, %add3A_219 : vector<1024x256xf32>
    %mul3A_221 = arith.mulf %mul3A_133, %add3A_220 : vector<1024x256xf32>
    %convert_element_type3A_222 = arith.truncf %mul3A_221 : vector<1024x256xf32> to vector<1024x256xbf16>
    %dot_general3A_223 = arith.constant dense<0.000000e+00> : vector<1024x8xf32>
    %dot_general3A_224 = tpu.matmul %convert_element_type3A_222, %convert_element_type3A_189, %dot_general3A_223 {dimension_numbers = #tpu.dot_dimension_numbers<[1], [0], [0], [1], [0, 0, 1, 1], [], []>, transpose_lhs_hint = false} : vector<1024x256xbf16>, vector<256x8xbf16>, vector<1024x8xf32> -> vector<1024x8xf32>
    %bitcast_convert_type3A_225 = tpu.bitcast %get3A_204 : vector<1024x256xi32> -> vector<1024x256xf32>
    %slice3A_226 = vector.extract_strided_slice %add3A_146 {offsets = [2, 0], sizes = [1, 256], strides = [1, 1]} : vector<8x256xf32> to vector<1x256xf32>
    %add3A_227 = vector.broadcast %slice3A_226 : vector<1x256xf32> to vector<1024x256xf32>
    %add3A_228 = arith.addf %bitcast_convert_type3A_225, %add3A_227 : vector<1024x256xf32>
    %mul3A_229 = arith.mulf %mul3A_133, %add3A_228 : vector<1024x256xf32>
    %convert_element_type3A_230 = arith.truncf %mul3A_229 : vector<1024x256xf32> to vector<1024x256xbf16>
    %dot_general3A_231 = arith.constant dense<0.000000e+00> : vector<1024x8xf32>
    %dot_general3A_232 = tpu.matmul %convert_element_type3A_230, %convert_element_type3A_189, %dot_general3A_231 {dimension_numbers = #tpu.dot_dimension_numbers<[1], [0], [0], [1], [0, 0, 1, 1], [], []>, transpose_lhs_hint = false} : vector<1024x256xbf16>, vector<256x8xbf16>, vector<1024x8xf32> -> vector<1024x8xf32>
    %bitcast_convert_type3A_233 = tpu.bitcast %get3A_209 : vector<1024x256xi32> -> vector<1024x256xf32>
    %slice3A_234 = vector.extract_strided_slice %add3A_146 {offsets = [3, 0], sizes = [1, 256], strides = [1, 1]} : vector<8x256xf32> to vector<1x256xf32>
    %add3A_235 = vector.broadcast %slice3A_234 : vector<1x256xf32> to vector<1024x256xf32>
    %add3A_236 = arith.addf %bitcast_convert_type3A_233, %add3A_235 : vector<1024x256xf32>
    %mul3A_237 = arith.mulf %mul3A_133, %add3A_236 : vector<1024x256xf32>
    %convert_element_type3A_238 = arith.truncf %mul3A_237 : vector<1024x256xf32> to vector<1024x256xbf16>
    %dot_general3A_239 = arith.constant dense<0.000000e+00> : vector<1024x8xf32>
    %dot_general3A_240 = tpu.matmul %convert_element_type3A_238, %convert_element_type3A_189, %dot_general3A_239 {dimension_numbers = #tpu.dot_dimension_numbers<[1], [0], [0], [1], [0, 0, 1, 1], [], []>, transpose_lhs_hint = false} : vector<1024x256xbf16>, vector<256x8xbf16>, vector<1024x8xf32> -> vector<1024x8xf32>
    %max3A = arith.maximumf %dot_general3A_216, %dot_general3A_224 : vector<1024x8xf32>
    %max3A_241 = arith.maximumf %dot_general3A_232, %dot_general3A_240 : vector<1024x8xf32>
    %max3A_242 = arith.maximumf %max3A, %max3A_241 : vector<1024x8xf32>
    %sub3A_243 = arith.subf %dot_general3A_216, %max3A_242 : vector<1024x8xf32>
    %exp3A = math.exp %sub3A_243 : vector<1024x8xf32>
    %sub3A_244 = arith.subf %dot_general3A_224, %max3A_242 : vector<1024x8xf32>
    %exp3A_245 = math.exp %sub3A_244 : vector<1024x8xf32>
    %sub3A_246 = arith.subf %dot_general3A_232, %max3A_242 : vector<1024x8xf32>
    %exp3A_247 = math.exp %sub3A_246 : vector<1024x8xf32>
    %sub3A_248 = arith.subf %dot_general3A_240, %max3A_242 : vector<1024x8xf32>
    %exp3A_249 = math.exp %sub3A_248 : vector<1024x8xf32>
    %add3A_250 = arith.addf %exp3A, %exp3A_245 : vector<1024x8xf32>
    %add3A_251 = arith.addf %add3A_250, %exp3A_247 : vector<1024x8xf32>
    %add3A_252 = arith.addf %add3A_251, %exp3A_249 : vector<1024x8xf32>
    %div3A_253 = arith.constant 1.000000e+00 : f32
    %div3A_254 = vector.broadcast %div3A_253 : f32 to vector<1024x8xf32>
    %div3A_255 = arith.divf %div3A_254, %add3A_252 : vector<1024x8xf32>
    %broadcast_in_dim3A_256 = arith.constant 0.000000e+00 : f32
    %broadcast_in_dim3A_257 = vector.broadcast %broadcast_in_dim3A_256 : f32 to vector<1024x256xf32>
    %mul3A_258 = arith.mulf %exp3A, %div3A_255 : vector<1024x8xf32>
    %dot_general3A_259 = arith.constant dense<0.000000e+00> : vector<1024x256xf32>
    %dot_general3A_260 = tpu.matmul %mul3A_258, %convert_element_type3A_186, %dot_general3A_259 {dimension_numbers = #tpu.dot_dimension_numbers<[1], [1], [0], [0], [0, 0, 1, 0], [], []>, transpose_lhs_hint = false} : vector<1024x8xf32>, vector<256x8xf32>, vector<1024x256xf32> -> vector<1024x256xf32>
    %shift_left3A = arith.constant 16 : i32
    %shift_left3A_261 = vector.broadcast %shift_left3A : i32 to vector<1024x256xi32>
    %shift_left3A_262 = arith.shli %get3A_194, %shift_left3A_261 : vector<1024x256xi32>
    %bitcast_convert_type3A_263 = tpu.bitcast %shift_left3A_262 : vector<1024x256xi32> -> vector<1024x256xf32>
    %slice3A_264 = vector.extract_strided_slice %add3A_159 {offsets = [0, 0], sizes = [1, 256], strides = [1, 1]} : vector<8x256xf32> to vector<1x256xf32>
    %add3A_265 = vector.broadcast %slice3A_264 : vector<1x256xf32> to vector<1024x256xf32>
    %add3A_266 = arith.addf %bitcast_convert_type3A_263, %add3A_265 : vector<1024x256xf32>
    %mul3A_267 = arith.mulf %dot_general3A_260, %add3A_266 : vector<1024x256xf32>
    %add3A_268 = arith.addf %broadcast_in_dim3A_257, %mul3A_267 : vector<1024x256xf32>
    %mul3A_269 = arith.mulf %exp3A_245, %div3A_255 : vector<1024x8xf32>
    %dot_general3A_270 = arith.constant dense<0.000000e+00> : vector<1024x256xf32>
    %dot_general3A_271 = tpu.matmul %mul3A_269, %convert_element_type3A_186, %dot_general3A_270 {dimension_numbers = #tpu.dot_dimension_numbers<[1], [1], [0], [0], [0, 0, 1, 0], [], []>, transpose_lhs_hint = false} : vector<1024x8xf32>, vector<256x8xf32>, vector<1024x256xf32> -> vector<1024x256xf32>
    %shift_left3A_272 = arith.constant 16 : i32
    %shift_left3A_273 = vector.broadcast %shift_left3A_272 : i32 to vector<1024x256xi32>
    %shift_left3A_274 = arith.shli %get3A_199, %shift_left3A_273 : vector<1024x256xi32>
    %bitcast_convert_type3A_275 = tpu.bitcast %shift_left3A_274 : vector<1024x256xi32> -> vector<1024x256xf32>
    %slice3A_276 = vector.extract_strided_slice %add3A_159 {offsets = [1, 0], sizes = [1, 256], strides = [1, 1]} : vector<8x256xf32> to vector<1x256xf32>
    %add3A_277 = vector.broadcast %slice3A_276 : vector<1x256xf32> to vector<1024x256xf32>
    %add3A_278 = arith.addf %bitcast_convert_type3A_275, %add3A_277 : vector<1024x256xf32>
    %mul3A_279 = arith.mulf %dot_general3A_271, %add3A_278 : vector<1024x256xf32>
    %add3A_280 = arith.addf %add3A_268, %mul3A_279 : vector<1024x256xf32>
    %mul3A_281 = arith.mulf %exp3A_247, %div3A_255 : vector<1024x8xf32>
    %dot_general3A_282 = arith.constant dense<0.000000e+00> : vector<1024x256xf32>
    %dot_general3A_283 = tpu.matmul %mul3A_281, %convert_element_type3A_186, %dot_general3A_282 {dimension_numbers = #tpu.dot_dimension_numbers<[1], [1], [0], [0], [0, 0, 1, 0], [], []>, transpose_lhs_hint = false} : vector<1024x8xf32>, vector<256x8xf32>, vector<1024x256xf32> -> vector<1024x256xf32>
    %shift_left3A_284 = arith.constant 16 : i32
    %shift_left3A_285 = vector.broadcast %shift_left3A_284 : i32 to vector<1024x256xi32>
    %shift_left3A_286 = arith.shli %get3A_204, %shift_left3A_285 : vector<1024x256xi32>
    %bitcast_convert_type3A_287 = tpu.bitcast %shift_left3A_286 : vector<1024x256xi32> -> vector<1024x256xf32>
    %slice3A_288 = vector.extract_strided_slice %add3A_159 {offsets = [2, 0], sizes = [1, 256], strides = [1, 1]} : vector<8x256xf32> to vector<1x256xf32>
    %add3A_289 = vector.broadcast %slice3A_288 : vector<1x256xf32> to vector<1024x256xf32>
    %add3A_290 = arith.addf %bitcast_convert_type3A_287, %add3A_289 : vector<1024x256xf32>
    %mul3A_291 = arith.mulf %dot_general3A_283, %add3A_290 : vector<1024x256xf32>
    %add3A_292 = arith.addf %add3A_280, %mul3A_291 : vector<1024x256xf32>
    %mul3A_293 = arith.mulf %exp3A_249, %div3A_255 : vector<1024x8xf32>
    %dot_general3A_294 = arith.constant dense<0.000000e+00> : vector<1024x256xf32>
    %dot_general3A_295 = tpu.matmul %mul3A_293, %convert_element_type3A_186, %dot_general3A_294 {dimension_numbers = #tpu.dot_dimension_numbers<[1], [1], [0], [0], [0, 0, 1, 0], [], []>, transpose_lhs_hint = false} : vector<1024x8xf32>, vector<256x8xf32>, vector<1024x256xf32> -> vector<1024x256xf32>
    %shift_left3A_296 = arith.constant 16 : i32
    %shift_left3A_297 = vector.broadcast %shift_left3A_296 : i32 to vector<1024x256xi32>
    %shift_left3A_298 = arith.shli %get3A_209, %shift_left3A_297 : vector<1024x256xi32>
    %bitcast_convert_type3A_299 = tpu.bitcast %shift_left3A_298 : vector<1024x256xi32> -> vector<1024x256xf32>
    %slice3A_300 = vector.extract_strided_slice %add3A_159 {offsets = [3, 0], sizes = [1, 256], strides = [1, 1]} : vector<8x256xf32> to vector<1x256xf32>
    %add3A_301 = vector.broadcast %slice3A_300 : vector<1x256xf32> to vector<1024x256xf32>
    %add3A_302 = arith.addf %bitcast_convert_type3A_299, %add3A_301 : vector<1024x256xf32>
    %mul3A_303 = arith.mulf %dot_general3A_295, %add3A_302 : vector<1024x256xf32>
    %add3A_304 = arith.addf %add3A_292, %mul3A_303 : vector<1024x256xf32>
    %transpose3A_305 = tpu.transpose %add3A_304, [1, 0] : vector<1024x256xf32> -> vector<256x1024xf32>
    %slice3A_306 = vector.extract_strided_slice %transpose3A_305 {offsets = [0, 0], sizes = [256, 128], strides = [1, 1]} : vector<256x1024xf32> to vector<256x128xf32>
    %swap3A = arith.constant 0 : index
    %swap3A_307 = arith.constant 0 : index
    %swap3A_308 = arith.constant 0 : index
    %swap3A_309 = arith.constant 0 : index
    %swap3A_310 = vector.load %arg11[%swap3A, %swap3A_307, %swap3A_308, %swap3A_309] : memref<1x256x8x128xf32, #tpu.memory_space<vmem>>, vector<1x256x1x128xf32>
    %swap3A_311 = vector.shape_cast %swap3A_310 : vector<1x256x1x128xf32> to vector<256x128xf32>
    %swap3A_312 = vector.shape_cast %slice3A_306 : vector<256x128xf32> to vector<1x256x1x128xf32>
    tpu.vector_store %arg11[%swap3A, %swap3A_307, %swap3A_308, %swap3A_309], %swap3A_312 {strides = array<i32>} : memref<1x256x8x128xf32, #tpu.memory_space<vmem>>, vector<1x256x1x128xf32>,
    %slice3A_313 = vector.extract_strided_slice %transpose3A_305 {offsets = [0, 128], sizes = [256, 128], strides = [1, 1]} : vector<256x1024xf32> to vector<256x128xf32>
    %swap3A_314 = arith.constant 0 : index
    %swap3A_315 = arith.constant 0 : index
    %swap3A_316 = arith.constant 1 : index
    %swap3A_317 = arith.constant 0 : index
    %swap3A_318 = vector.load %arg11[%swap3A_314, %swap3A_315, %swap3A_316, %swap3A_317] : memref<1x256x8x128xf32, #tpu.memory_space<vmem>>, vector<1x256x1x128xf32>
    %swap3A_319 = vector.shape_cast %swap3A_318 : vector<1x256x1x128xf32> to vector<256x128xf32>
    %swap3A_320 = vector.shape_cast %slice3A_313 : vector<256x128xf32> to vector<1x256x1x128xf32>
    tpu.vector_store %arg11[%swap3A_314, %swap3A_315, %swap3A_316, %swap3A_317], %swap3A_320 {strides = array<i32>} : memref<1x256x8x128xf32, #tpu.memory_space<vmem>>, vector<1x256x1x128xf32>,
    %slice3A_321 = vector.extract_strided_slice %transpose3A_305 {offsets = [0, 256], sizes = [256, 128], strides = [1, 1]} : vector<256x1024xf32> to vector<256x128xf32>
    %swap3A_322 = arith.constant 0 : index
    %swap3A_323 = arith.constant 0 : index
    %swap3A_324 = arith.constant 2 : index
    %swap3A_325 = arith.constant 0 : index
    %swap3A_326 = vector.load %arg11[%swap3A_322, %swap3A_323, %swap3A_324, %swap3A_325] : memref<1x256x8x128xf32, #tpu.memory_space<vmem>>, vector<1x256x1x128xf32>
    %swap3A_327 = vector.shape_cast %swap3A_326 : vector<1x256x1x128xf32> to vector<256x128xf32>
    %swap3A_328 = vector.shape_cast %slice3A_321 : vector<256x128xf32> to vector<1x256x1x128xf32>
    tpu.vector_store %arg11[%swap3A_322, %swap3A_323, %swap3A_324, %swap3A_325], %swap3A_328 {strides = array<i32>} : memref<1x256x8x128xf32, #tpu.memory_space<vmem>>, vector<1x256x1x128xf32>,
    %slice3A_329 = vector.extract_strided_slice %transpose3A_305 {offsets = [0, 384], sizes = [256, 128], strides = [1, 1]} : vector<256x1024xf32> to vector<256x128xf32>
    %swap3A_330 = arith.constant 0 : index
    %swap3A_331 = arith.constant 0 : index
    %swap3A_332 = arith.constant 3 : index
    %swap3A_333 = arith.constant 0 : index
    %swap3A_334 = vector.load %arg11[%swap3A_330, %swap3A_331, %swap3A_332, %swap3A_333] : memref<1x256x8x128xf32, #tpu.memory_space<vmem>>, vector<1x256x1x128xf32>
    %swap3A_335 = vector.shape_cast %swap3A_334 : vector<1x256x1x128xf32> to vector<256x128xf32>
    %swap3A_336 = vector.shape_cast %slice3A_329 : vector<256x128xf32> to vector<1x256x1x128xf32>
    tpu.vector_store %arg11[%swap3A_330, %swap3A_331, %swap3A_332, %swap3A_333], %swap3A_336 {strides = array<i32>} : memref<1x256x8x128xf32, #tpu.memory_space<vmem>>, vector<1x256x1x128xf32>,
    %slice3A_337 = vector.extract_strided_slice %transpose3A_305 {offsets = [0, 512], sizes = [256, 128], strides = [1, 1]} : vector<256x1024xf32> to vector<256x128xf32>
    %swap3A_338 = arith.constant 0 : index
    %swap3A_339 = arith.constant 0 : index
    %swap3A_340 = arith.constant 4 : index
    %swap3A_341 = arith.constant 0 : index
    %swap3A_342 = vector.load %arg11[%swap3A_338, %swap3A_339, %swap3A_340, %swap3A_341] : memref<1x256x8x128xf32, #tpu.memory_space<vmem>>, vector<1x256x1x128xf32>
    %swap3A_343 = vector.shape_cast %swap3A_342 : vector<1x256x1x128xf32> to vector<256x128xf32>
    %swap3A_344 = vector.shape_cast %slice3A_337 : vector<256x128xf32> to vector<1x256x1x128xf32>
    tpu.vector_store %arg11[%swap3A_338, %swap3A_339, %swap3A_340, %swap3A_341], %swap3A_344 {strides = array<i32>} : memref<1x256x8x128xf32, #tpu.memory_space<vmem>>, vector<1x256x1x128xf32>,
    %slice3A_345 = vector.extract_strided_slice %transpose3A_305 {offsets = [0, 640], sizes = [256, 128], strides = [1, 1]} : vector<256x1024xf32> to vector<256x128xf32>
    %swap3A_346 = arith.constant 0 : index
    %swap3A_347 = arith.constant 0 : index
    %swap3A_348 = arith.constant 5 : index
    %swap3A_349 = arith.constant 0 : index
    %swap3A_350 = vector.load %arg11[%swap3A_346, %swap3A_347, %swap3A_348, %swap3A_349] : memref<1x256x8x128xf32, #tpu.memory_space<vmem>>, vector<1x256x1x128xf32>
    %swap3A_351 = vector.shape_cast %swap3A_350 : vector<1x256x1x128xf32> to vector<256x128xf32>
    %swap3A_352 = vector.shape_cast %slice3A_345 : vector<256x128xf32> to vector<1x256x1x128xf32>
    tpu.vector_store %arg11[%swap3A_346, %swap3A_347, %swap3A_348, %swap3A_349], %swap3A_352 {strides = array<i32>} : memref<1x256x8x128xf32, #tpu.memory_space<vmem>>, vector<1x256x1x128xf32>,
    %slice3A_353 = vector.extract_strided_slice %transpose3A_305 {offsets = [0, 768], sizes = [256, 128], strides = [1, 1]} : vector<256x1024xf32> to vector<256x128xf32>
    %swap3A_354 = arith.constant 0 : index
    %swap3A_355 = arith.constant 0 : index
    %swap3A_356 = arith.constant 6 : index
    %swap3A_357 = arith.constant 0 : index
    %swap3A_358 = vector.load %arg11[%swap3A_354, %swap3A_355, %swap3A_356, %swap3A_357] : memref<1x256x8x128xf32, #tpu.memory_space<vmem>>, vector<1x256x1x128xf32>
    %swap3A_359 = vector.shape_cast %swap3A_358 : vector<1x256x1x128xf32> to vector<256x128xf32>
    %swap3A_360 = vector.shape_cast %slice3A_353 : vector<256x128xf32> to vector<1x256x1x128xf32>
    tpu.vector_store %arg11[%swap3A_354, %swap3A_355, %swap3A_356, %swap3A_357], %swap3A_360 {strides = array<i32>} : memref<1x256x8x128xf32, #tpu.memory_space<vmem>>, vector<1x256x1x128xf32>,
    %slice3A_361 = vector.extract_strided_slice %transpose3A_305 {offsets = [0, 896], sizes = [256, 128], strides = [1, 1]} : vector<256x1024xf32> to vector<256x128xf32>
    %swap3A_362 = arith.constant 0 : index
    %swap3A_363 = arith.constant 0 : index
    %swap3A_364 = arith.constant 7 : index
    %swap3A_365 = arith.constant 0 : index
    %swap3A_366 = vector.load %arg11[%swap3A_362, %swap3A_363, %swap3A_364, %swap3A_365] : memref<1x256x8x128xf32, #tpu.memory_space<vmem>>, vector<1x256x1x128xf32>
    %swap3A_367 = vector.shape_cast %swap3A_366 : vector<1x256x1x128xf32> to vector<256x128xf32>
    %swap3A_368 = vector.shape_cast %slice3A_361 : vector<256x128xf32> to vector<1x256x1x128xf32>
    tpu.vector_store %arg11[%swap3A_362, %swap3A_363, %swap3A_364, %swap3A_365], %swap3A_368 {strides = array<i32>} : memref<1x256x8x128xf32, #tpu.memory_space<vmem>>, vector<1x256x1x128xf32>,
    return
  }
  func.func @transform_1(%arg0: i32) -> (i32, i32, i32) {
    %c0_i32 = arith.constant 0 : i32
    %c0_i32_0 = arith.constant 0 : i32
    %c0_i32_1 = arith.constant 0 : i32
    return %c0_i32, %arg0, %c0_i32_0 : i32, i32, i32
  }
  func.func @transform_2(%arg0: i32) -> (i32, i32, i32, i32) {
    %c1_i32 = arith.constant 1 : i32
    %c0_i32 = arith.constant 0 : i32
    %c0_i32_0 = arith.constant 0 : i32
    %c0_i32_1 = arith.constant 0 : i32
    return %c1_i32, %c0_i32, %arg0, %c0_i32_0 : i32, i32, i32, i32
  }
  func.func @transform_3(%arg0: i32) -> (i32, i32, i32, i32) {
    %c1_i32 = arith.constant 1 : i32
    %c0_i32 = arith.constant 0 : i32
    %c0_i32_0 = arith.constant 0 : i32
    %c0_i32_1 = arith.constant 0 : i32
    return %c1_i32, %arg0, %c0_i32, %c0_i32_0 : i32, i32, i32, i32
  }
  func.func @transform_4(%arg0: i32) -> (i32, i32) {
    %c0_i32 = arith.constant 0 : i32
    %c0_i32_0 = arith.constant 0 : i32
    %c0_i32_1 = arith.constant 0 : i32
    return %c0_i32, %c0_i32_0 : i32, i32
  }
  func.func @transform_5(%arg0: i32) -> (i32, i32) {
    %c0_i32 = arith.constant 0 : i32
    %c0_i32_0 = arith.constant 0 : i32
    %c0_i32_1 = arith.constant 0 : i32
    return %c0_i32, %c0_i32_0 : i32, i32
  }
  func.func @transform_6(%arg0: i32) -> (i32, i32) {
    %c0_i32 = arith.constant 0 : i32
    %c0_i32_0 = arith.constant 0 : i32
    %c0_i32_1 = arith.constant 0 : i32
    return %c0_i32, %c0_i32_0 : i32, i32
  }
  func.func @transform_7(%arg0: i32) -> (i32, i32) {
    %c0_i32 = arith.constant 0 : i32
    %c0_i32_0 = arith.constant 0 : i32
    %c0_i32_1 = arith.constant 0 : i32
    return %c0_i32, %c0_i32_0 : i32, i32
  }
  func.func @transform_8(%arg0: i32) -> (i32, i32) {
    %c0_i32 = arith.constant 0 : i32
    %c0_i32_0 = arith.constant 0 : i32
    %c0_i32_1 = arith.constant 0 : i32
    return %c0_i32, %c0_i32_0 : i32, i32
  }
  func.func @transform_9(%arg0: i32) -> (i32, i32) {
    %c0_i32 = arith.constant 0 : i32
    %c0_i32_0 = arith.constant 0 : i32
    %c0_i32_1 = arith.constant 0 : i32
    return %c0_i32, %c0_i32_0 : i32, i32
  }
  func.func @transform_10(%arg0: i32) -> (i32, i32, i32, i32) {
    %c1_i32 = arith.constant 1 : i32
    %c0_i32 = arith.constant 0 : i32
    %c0_i32_0 = arith.constant 0 : i32
    %c0_i32_1 = arith.constant 0 : i32
    return %c1_i32, %c0_i32, %arg0, %c0_i32_0 : i32, i32, i32, i32
  }
}

</mosaic_0001>

<sc_bundles>
// kernel: kernel.11.cloned.1.call-start
scs
__scs_entry_jumppad:
0x0: {  	(pc) =	sbr.rel $0x88, $3  }
0x1: {  	(tag) =	ssettag $0x0;
	lr =	simm.s32 $0x1  }
0x2: {  	[smem:$0x3F98] =	sst lr;
	_ =	strace $0xD0000000  }
0x3: {  	_ = 	snop  }
0x4: {  	_ = 	snop  }
0x5: {  	_ = 	snop  }
0x6: {  	_ = 	snop  }
0x7: {  	_ = 	snop  }
__scs_overlays_trampoline_lowered:
0x8: {  	[smem:$0x3FA7] =	sst s0  }
0x9: {  	[smem:$0x3FA8] =	sst s1  }
0xa: {  	[smem:$0x3FA9] =	sst s2  }
0xb: {  	[smem:$0x3FAA] =	sst s3  }
0xc: {  	[smem:$0x3FAB] =	sst s4  }
0xd: {  	[smem:$0x3FAC] =	sst s5  }
0xe: {  	[smem:$0x3FAD] =	sst s6  }
0xf: {  	[smem:$0x3FAE] =	sst s7  }
0x10: {  	[smem:$0x3FAF] =	sst s8  }
0x11: {  	[smem:$0x3FB0] =	sst s9;
	s0 =	simm.s32 @!p0 $0x0  }
0x12: {  	s1 =	sld [smem:$0x3F96];
	s0 =	simm.s32 @p0 $0x1  }
0x13: {  	[smem:$0x3FB1] =	sst s0;
	s0 =	simm.s32 @!p1 $0x0  }
0x14: {  	s2 =	sld [smem:$0x3F95];
	s0 =	simm.s32 @p1 $0x1  }
0x15: {  	[smem:$0x3FB2] =	sst s0;
	s0 =	simm.s32 @!p2 $0x0  }
0x16: {  	s3 =	sld [smem:$0x3FDB];
	s0 =	simm.s32 @p2 $0x1  }
0x17: {  	s4 =	simm.s32 $0x1BF5;
	[smem:$0x3FB4] =	sst s0  }
0x18: {  	s0 =	sld [smem:$0x3F97];
	_ =	swait.ge [sflag:s4], $0x0  }
0x19: {  	s7 =	sld [smem:$0x3F98]  }
0x1a: {  	s8 =	sadd.s32 $0xFFFFE003, lr  }
0x1b: {  	s9 =	sadd.s32 $0xFFFFFEF7, lr;
	s5 =	simm.s32 $0xFFFFFFFF;
	p2 =	slt.u32 s8, $0xFFFFF086  }
0x1c: {  	p1 =	slt.u32 s9, $0xF7A;
	s5 =	simm.s32 @!p2 $0x0  }
0x1d: {  	s5 =	simm.s32 @p1 $0x1;
	p0 =	seq.s32 s7, s2  }
0x1e: {  	s7 =	smul.u32 @!p0 $0xF7A, s2;
	p2 =	seq.s32 @!p0 s5, $0x0  }
0x1f: {  	s9 =	smul.u32 $0xF7A, s1;
	s8 =	simm.s32 @!p0 $0x1BF5;
	p2 =	por !p2, p0  }
0x20: {  	[sflag:s8] =	ssyncset.s32 @!p0 $0xFFFFF086;
	s6 =	sadd.s32 @!p0 s3, s7;
	s7 =	simm.s32 @!p0 $0x108  }
0x21: {  	s3 =	sadd.s32 s3, s9;
	s6 =	sadd.s32 @!p0 $0x88, s6;
	s7 =	simm.s32 @p2 $0x1082  }
0x22: {  	[simem:s7], [sflag:s8] =	dma.local @!p0 [hbm:s6], $0xF7A  }
0x23: {  	s9 =	sor.u32 $0xD0000000, s2;
	s6 =	simm.s32 $0x108;
	_ =	swait.ge @!p0 [sflag:s8], $0x0  }
0x24: {  	s3 =	sadd.s32 $0x88, s3;
	s6 =	simm.s32 @!p1 $0x1082;
	[sflag:s4] =	ssyncset.s32 $0xFFFFF086  }
0x25: {  	[simem:s6], [sflag:s4] =	dma.local [hbm:s3], $0xF7A  }
0x26: {  	[smem:$0x3F98] =	sst s1;
	(tag) =	ssettag s2;
	_ =	strace s9  }
0x27: {  	s1 =	sld [smem:$0x3FA8]  }
0x28: {  	s2 =	sld [smem:$0x3FA9]  }
0x29: {  	s4 =	sld [smem:$0x3FAB]  }
0x2a: {  	p0 =	seq.s32 s5, $0x0;
	s5 =	sld [smem:$0x3FAC]  }
0x2b: {  	s6 =	sld [smem:$0x3FAD]  }
0x2c: {  	s7 =	sld [smem:$0x3FAE]  }
0x2d: {  	s3 =	simm.s32 $0x108;
	s8 =	sld [smem:$0x3FAF]  }
0x2e: {  	s3 =	simm.s32 @!p0 $0x1082;
	s9 =	sld [smem:$0x3FB0]  }
0x2f: {  	lr =	sadd.s32 s0, s3;
	s0 =	sld [smem:$0x3FA7]  }
0x30: {  	s3 =	sld [smem:$0x3FAA]  }
0x31: {  	[smem:$0x3FB3] =	sst s10  }
0x32: {  	s10 =	sld [smem:$0x3FB1];
	_ =	sdelay $0x3  }
0x33: {  	p0 =	seq.s32 s10, $0x1;
	s10 =	sld [smem:$0x3FB3];
	_ =	sdelay $0x3  }
0x34: {  	[smem:$0x3FB3] =	sst s10  }
0x35: {  	s10 =	sld [smem:$0x3FB2];
	_ =	sdelay $0x3  }
0x36: {  	p1 =	seq.s32 s10, $0x1;
	s10 =	sld [smem:$0x3FB3];
	_ =	sdelay $0x3  }
0x37: {  	[smem:$0x3FB3] =	sst s10  }
0x38: {  	s10 =	sld [smem:$0x3FB4]  }
0x39: {  	_ = 	snop;
	(pc) =	sbr.ind lr, $3  }
0x3a: {  	_ = 	snop  }
0x3b: {  	_ = 	snop  }
0x3c: {  	p2 =	seq.s32 s10, $0x1;
	s10 =	sld [smem:$0x3FB3]  }
0x3d: {  	_ =	shalt  }
0x3e: {  	_ =	shalt  }
0x3f: {  	_ =	shalt  }
0x40: {  	_ =	shalt  }
0x41: {  	_ =	shalt  }
0x42: {  	_ =	shalt  }
0x43: {  	_ =	shalt  }
0x44: {  	_ =	shalt  }
0x45: {  	_ =	shalt  }
0x46: {  	_ =	shalt  }
0x47: {  	_ =	shalt  }
0x48: {  	_ =	shalt  }
0x49: {  	_ =	shalt  }
0x4a: {  	_ =	shalt  }
0x4b: {  	_ =	shalt  }
0x4c: {  	_ =	shalt  }
0x4d: {  	_ =	shalt  }
0x4e: {  	_ =	shalt  }
0x4f: {  	_ =	shalt  }
0x50: {  	_ =	shalt  }
0x51: {  	_ =	shalt  }
0x52: {  	_ =	shalt  }
0x53: {  	_ =	shalt  }
0x54: {  	_ =	shalt  }
0x55: {  	_ =	shalt  }
0x56: {  	_ =	shalt  }
0x57: {  	_ =	shalt  }
0x58: {  	_ =	shalt  }
0x59: {  	_ =	shalt  }
0x5a: {  	_ =	shalt  }
0x5b: {  	_ =	shalt  }
0x5c: {  	_ =	shalt  }
0x5d: {  	_ =	shalt  }
0x5e: {  	_ =	shalt  }
0x5f: {  	_ =	shalt  }
0x60: {  	_ =	shalt  }
0x61: {  	_ =	shalt  }
0x62: {  	_ =	shalt  }
0x63: {  	_ =	shalt  }
0x64: {  	_ =	shalt  }
0x65: {  	_ =	shalt  }
0x66: {  	_ =	shalt  }
0x67: {  	_ =	shalt  }
0x68: {  	_ =	shalt  }
0x69: {  	_ =	shalt  }
0x6a: {  	_ =	shalt  }
0x6b: {  	_ =	shalt  }
0x6c: {  	_ =	shalt  }
0x6d: {  	_ =	shalt  }
0x6e: {  	_ =	shalt  }
0x6f: {  	_ =	shalt  }
0x70: {  	_ =	shalt  }
0x71: {  	_ =	shalt  }
0x72: {  	_ =	shalt  }
0x73: {  	_ =	shalt  }
0x74: {  	_ =	shalt  }
0x75: {  	_ =	shalt  }
0x76: {  	_ =	shalt  }
0x77: {  	_ =	shalt  }
0x78: {  	_ =	shalt  }
0x79: {  	_ =	shalt  }
0x7a: {  	_ =	shalt  }
0x7b: {  	_ =	shalt  }
0x7c: {  	_ =	shalt  }
0x7d: {  	_ =	shalt  }
0x7e: {  	_ =	shalt  }
0x7f: {  	_ =	shalt  }
0x80: {  	_ =	shalt  }
0x81: {  	_ =	shalt  }
0x82: {  	_ =	shalt  }
0x83: {  	_ =	shalt  }
0x84: {  	_ =	shalt  }
0x85: {  	_ =	shalt  }
0x86: {  	_ =	shalt  }
0x87: {  	_ =	shalt  }
.Lfunc_end0:
.L_simem_size_0:
called_computation.1_lowered:
.L_overlay_start_0:
0x88: {  	s2 =	sld [smem:$0x3FD9]  }
0x89: {  	s3 =	sld [smem:$0x3FFE];
	_ =	sdelay $0x1  }
0x8a: {  	s1 =	srdreg.scid  }
0x8b: {  	s0 =	sand.u32 $0x1, s1  }
0x8c: {  	s17 =	sshll.u32 s0, $0xA;
	s2 =	sadd.s32 s3, s2  }
0x8d: {  	s2 =	sadd.s32 s2, s17  }
0x8e: {  	[smem:$0x3FBF] =	sst s2  }
0x8f: {  	_ = 	snop  }
0x90: {  	(tm) =	ssettm $0x1  }
0x91: {  	s18 =	sld [smem:$0x3FFB];
	_ =	sdelay $0x3  }
0x92: {  	_ =	strace s18  }
0x93: {  	s2 =	sld [smem:$0x3FFC];
	_ =	sdelay $0x3  }
0x94: {  	_ =	strace s2  }
0x95: {  	s2 =	sld [smem:$0x3FFD];
	_ =	sdelay $0x3  }
0x96: {  	_ =	strace s2  }
0x97: {  	_ =	strace $0x8FFFFFFF  }
0x98: {  	s19 =	sld [smem:$0x3FDB];
	_ =	sdelay $0x1  }
0x99: {  	s20 =	simm.s32 $_scs_section_size  }
0x9a: {  	s4 =	simm.s32 $_size__tile_overlayer_lowered;
	s5 =	simm.s32 $_tile_overlayer_lowered  }
0x9b: {  	s6 =	simm.s32 $0x1BFF;
	s21 =	sshll.u32 s5, $0x1;
	s3 =	sadd.s32 s20, s19  }
0x9c: {  	s22 =	simm.s32 $0x0;
	s4 =	sshll.u32 s4, $0x1;
	s5 =	sadd.s32 s21, s3  }
0x9d: {  	[timem:s22], [sflag:s6] =	dma.local [hbm:s5], s4  }
0x9e: {  	_ =	swait.ge [sflag:s6], s4  }
0x9f: {  	s4 =	ssub.s32 $0x0, s4;
	[sflag:s6] =	ssyncset.done $0x0  }
0xa0: {  	[sflag:s6] =	ssyncadd.s32 s4;
	_ =	sdelay $0x1  }
0xa1: {  	s23 =	simm.s32 $0x1B8B  }
0xa2: {  	_ =	swait.ge [sflag:s23], $0x1  }
0xa3: {  	[sflag:s23] =	ssyncset.done $0x0  }
0xa4: {  	[sflag:s23] =	ssyncadd.s32 $0xFFFFFFFF  }
0xa5: {  	s4 =	sld [smem:$0x0]  }
0xa6: {  	s5 =	sand.u32 $0xFFFFFFFE, s1  }
0xa7: {  	p0 =	sne.s32 s1, s5  }
0xa8: {  	s5 =	sshll.u32 @p0 s5, $0xE  }
0xa9: {  	s5 =	sadd.s32 @p0 $0x11B8D, s5;
	s6 =	sshll.u32 @p0 s4, $0x11  }
0xaa: {  	s5 =	sor.u32 @p0 s6, s5  }
0xab: {  	[sflag:s5] =	ssyncadd.remote.s32 @p0 $0x1;
	_ =	sdelay $0x1  }
0xac: {  	s5 =	simm.s32 @p0 $0x1B8D  }
0xad: {  	_ =	swait.eq @p0 [sflag:s5], $0x1  }
0xae: {  	[sflag:s5] =	ssyncadd.s32 @p0 $0xFFFFFFFF  }
0xaf: {  	s6 =	sshll.u32 @!p0 s1, $0xE  }
0xb0: {  	s6 =	sor.u32 @!p0 $0x4000, s6;
	s5 =	simm.s32 @!p0 $0x1B8D  }
0xb1: {  	s4 =	sshll.u32 @!p0 s4, $0x11;
	s6 =	sadd.s32 @!p0 $0x11B8D, s6;
	_ =	swait.eq @!p0 [sflag:s5], $0x1  }
0xb2: {  	s4 =	sor.u32 @!p0 s4, s6;
	[sflag:s5] =	ssyncadd.s32 @!p0 $0xFFFFFFFF  }
0xb3: {  	s25 =	simm.s32 $0x1B8E;
	s24 =	sld [smem:$0x3FFE];
	[sflag:s4] =	ssyncadd.remote.s32 @!p0 $0x1  }
0xb4: {  	s26 =	simm.s32 $execute0_lowered;
	[smem:$0x3FD2] =	sst s25  }
0xb5: {  	s5 =	sshll.u32 s26, $0x1;
	_ =	strace $0x80000049;
	[dreg:$0x1] =	wrdreg $0xFFFFFFFF  }
0xb6: {  	s28 =	simm.s32 $_size_execute0_lowered;
	s3 =	sadd.s32 s3, s5;
	[dreg:$0x0] =	wrdreg $0x0  }
0xb7: {  	s5 =	sshll.u32 s28, $0x1;
	[dreg:$0x2] =	wrdreg s3  }
0xb8: {  	[dreg:$0x3] =	wrdreg s5  }
0xb9: {  	[dreg:$0x4] =	wrdreg $0xC0  }
0xba: {  	_ =	task [dreg:s22], $0x5FFFF  }
0xbb: {  	[dreg:$0x1] =	wrdreg $0xFFFFFFFF  }
0xbc: {  	[dreg:$0x0] =	wrdreg $0x60  }
0xbd: {  	[dreg:$0x2] =	wrdreg s24  }
0xbe: {  	[dreg:$0x3] =	wrdreg $0xA  }
0xbf: {  	_ =	task.clear_ibuf [dreg:s22], $0x4FFFF;
	_ =	strace $0x90000049  }
0xc0: {  	s29 =	simm.s32 $0xA;
	_ =	strace $0x8000004B  }
0xc1: {  	_ =	swait.ge [sflag:s29], $0x1  }
0xc2: {  	[sflag:s29] =	ssyncadd.s32 $0xFFFFFFFF  }
0xc3: {  	_ =	strace $0x9000004B  }
0xc4: {  	_ =	sfence  }
0xc5: {  	s30 =	sld [smem:$0x0];
	_ =	sdelay $0x2  }
0xc6: {  	s31 =	sshll.u32 s1, $0xD;
	s1 =	sshrl.u32 s1, $0x2  }
0xc7: {  	s4 =	sand.u32 $0x4000, s31;
	s1 =	sadd.s32 s1, s30  }
0xc8: {  	s0 =	sor.u32 s4, s0;
	s1 =	sshll.u32 s1, $0x11  }
0xc9: {  	s0 =	sor.u32 s1, s0  }
0xca: {  	s0 =	sadd.s32 $0x8F2B, s0  }
0xcb: {  	[sflag:s0] =	ssyncadd.remote.s32 $0x1  }
0xcc: {  	_ =	sfence.sel $0xFFFF  }
0xcd: {  	[dreg:$0x0] =	wrdreg $0xFFFFFFFF;
	(pc) =	sbr.abs _section_cstart, $3  }
0xce: {  	[dreg:$0x1] =	wrdreg $0xFFFFFFFF  }
0xcf: {  	_ =	task.clear_ibuf [dreg:s22], $0x2FFFF;
	_ =	strace $0x9FFFFFFF  }
0xd0: {  	(tm) =	ssettm $0x7FFFFFFF  }
0xd1: {  	_ =	shalt  }
tec
execute0_lowered:
.L_overlay_start_1:
0x0: {  	(tag) =	ssettag $0x1  }
0x1: {  	s0 =	rddreg [dreg:$0x0]  }
0x2: {  	s1 =	srdreg.scid;
	s2 =	simm.s32 $0x0;
	s11 =	stileid.u32  }
0x3: {  	s12 =	simm.s32 $0x100;
	s28 =	simm.s32 $0x7900;
	s29 =	simm.s32 $0x80  }
0x4: {  	s30 =	simm.s32 $0x8100;
	s31 =	simm.s32 $0x8900;
	s13 =	simm.s32 $0xC100  }
0x5: {  	s14 =	simm.s32 $0xC900;
	s15 =	simm.s32 $0xD100;
	s16 =	simm.s32 $0xD900  }
0x6: {  	s17 =	simm.s32 $0xE100;
	s18 =	simm.s32 $0xE900;
	s1 =	sand.u32 $0x1, s1  }
0x7: {  	s5 =	sshrl.u32 s11, $0x2;
	s3 =	sshll.u32 s11, $0xC;
	[smem:$0x7FF] =	sst s2  }
0x8: {  	s21 =	sshll.u32 s11, $0x14;
	s24 =	sshll.u32 s11, $0xF;
	s11 =	simm.s32 $0x3  }
0x9: {  	s4 =	sshll.u32 s1, $0xB;
	s19 =	sshll.u32 s5, $0xE;
	_ =	strace $0x8000004A  }
0xa: {  	s7 =	sshll.u32 s5, $0x7;
	s9 =	ssub.s32 $0x2, s1;
	s10 =	smul.u32 $0x3FF0, s5  }
0xb: {  	s22 =	sshll.u32 s1, $0x13;
	s1 =	sshll.u32 s1, $0xE;
	s5 =	smul.u32 $0x1FF80, s5  }
0xc: {  	s6 =	sor.u32 s4, s3;
	s3 =	sadd.s32 $0x286A00, s0;
	s20 =	sshrl.u32 s9, $0x1  }
0xd: {  	s23 =	sor.u32 s22, s21;
	s1 =	sor.u32 s1, s24;
	s21 =	simm.s32 $0x1  }
0xe: {  	s22 =	simm.s32 $0x2;
	s24 =	simm.s32 $0x0;
	s4 =	ssub.s32 s6, s19  }
0xf: {  	s6 =	ssub.s32 s6, s10;
	s25 =	sshrl.u32 s23, $0x3;
	s1 =	ssub.s32 s1, s5  }
0x10: {  	s5 =	simm.s32 $0xA100;
	s10 =	simm.s32 $0xB900;
	s19 =	simm.s32 $0xF100  }
0x11: {  	s8 =	sshll.u32 s4, $0x3;
	s4 =	sadd.s32 $0x306A00, s0;
	s0 =	sadd.s32 $0x30AA00, s0  }
0x12: {  	s6 =	sadd.s32 $0x100, s6;
	s26 =	sadd.s32 $0x400, s1;
	s1 =	simm.s32 $0x9900  }
0x13: {  	s7 =	sor.u32 s7, s8;
	s8 =	ssub.s32 s9, s20;
	[dreg:$0x4] =	wrdreg s6  }
.Ltmp0:
0x14: {  	s6 =	sor.u32 $0x8000, s23;
	[dreg:$0x5] =	wrdreg s26;
	(pc) =	sbr.rel .LBB2_1-.Ltmp0, $4  }
0x15: {  	s20 =	simm.s32 $0xF900;
	s7 =	sshrl.u32 s7, $0x3;
	s8 =	smax.u32 s8, $0x1  }
0x16: {  	v2 =	vlaneseq.u32;
	s6 =	sshrl.u32 s6, $0x3;
	s7 =	sadd.s32 s4, s7;
	[dreg:$0x3] =	wrdreg s8  }
0x17: {  	vm0 =	vmmov $0xffff;
	v1 =	vshrl.u32 v2, $0x3;
	s8 =	sadd.s32 s25, s0;
	s9 =	sadd.s32 s6, s0;
	s0 =	simm.s32 $0x9100  }
0x18: {  	v0 =	vand.u32 $0x7, v2;
	v2 =	vor.u32 $0x8, v2;
	v1 =	vmul.u32 $0x8, v1;
	s6 =	simm.s32 $0xA900;
	[dreg:$0x2] =	wrdreg s7;
	s7 =	simm.s32 $0xB100  }
.LBB2_5:
0x19: {  	s24 =	rddreg [dreg:$0x6]  }
0x1a: {  	s23 =	rddreg [dreg:$0x3];
	s24 =	sadd.s32 $0x1, s24  }
0x1b: {  	p0 =	sne.s32 s24, s23  }
.Ltmp1:
0x1c: {  	_ = 	snop;
	(pc) =	sbr.rel @!p0 .LBB2_6-.Ltmp1, $1  }
0x1d: {  	_ =	sdelay $0x3  }
.LBB2_1:
0x1e: {  	[dreg:$0x6] =	wrdreg s24  }
0x1f: {  	s23 =	rddreg [dreg:$0x2]  }
0x20: {  	[tilespmem:s2], [sflag:$0x3] =	stream.linear.gather [hbm4b:s23+s2], $0x80, $0x38;
	[tilespmem:$0x10100] =	vst v63  }
0x21: {  	_ =	swait.ge [sflag:s11], $0x80  }
0x22: {  	[sflag:s11] =	ssyncset.done $0x0  }
0x23: {  	[sflag:s11] =	ssyncadd.s32 $0xFFFFFF80  }
0x24: {  	v3 =	vld [tilespmem:$0x0];
	_ =	sdelay $0x4  }
0x25: {  	v4 =	vshll.u32 v3, $0x1  }
0x26: {  	v3 =	vand.u32 $0x7, v3;
	v4 =	vand.u32 $0xFFFFFFF0, v4  }
0x27: {  	v3 =	vor.u32 v3, v4  }
0x28: {  	v4 =	vperm.xlane v3, v0;
	_ =	sdelay $0x1  }
0x29: {  	v3 =	vperm.xlane v3, v2;
	v4 =	vadd.s32 v1, v4;
	_ =	sdelay $0x1  }
0x2a: {  	v3 =	vadd.s32 v1, v3;
	_ =	sdelay $0x2  }
0x2b: {  	[tilespmem:s12], [sflag:$0x1] =	stream.indirect_vreg.gather [hbm4b:s3+s2], $0x80, v4, vm0, $0xb8;
	[tilespmem:$0x10100] =	vst v63  }
0x2c: {  	s25 =	simm.s32 $0x900  }
0x2d: {  	[tilespmem:s25], [sflag:$0x1] =	stream.indirect_vreg.gather [hbm4b:s3+s2], $0x80, v3, vm0, $0xb8;
	[tilespmem:$0x10100] =	vst v63  }
0x2e: {  	v3 =	vld [tilespmem:$0x10];
	_ =	sdelay $0x4  }
0x2f: {  	v57 =	vshll.u32 v3, $0x1  }
0x30: {  	v3 =	vand.u32 $0x7, v3;
	v4 =	vand.u32 $0xFFFFFFF0, v57  }
0x31: {  	v3 =	vor.u32 v3, v4  }
0x32: {  	v4 =	vperm.xlane v3, v0;
	_ =	sdelay $0x1  }
0x33: {  	v3 =	vperm.xlane v3, v2;
	v4 =	vadd.s32 v1, v4;
	_ =	sdelay $0x1  }
0x34: {  	v3 =	vadd.s32 v1, v3;
	_ =	sdelay $0x1  }
0x35: {  	s26 =	simm.s32 $0x1100  }
0x36: {  	[tilespmem:s26], [sflag:$0x1] =	stream.indirect_vreg.gather [hbm4b:s3+s2], $0x80, v4, vm0, $0xb8;
	[tilespmem:$0x10100] =	vst v63  }
0x37: {  	s24 =	simm.s32 $0x1900  }
0x38: {  	[tilespmem:s24], [sflag:$0x1] =	stream.indirect_vreg.gather [hbm4b:s3+s2], $0x80, v3, vm0, $0xb8;
	[tilespmem:$0x10100] =	vst v63  }
0x39: {  	v3 =	vld [tilespmem:$0x20];
	_ =	sdelay $0x4  }
0x3a: {  	v58 =	vshll.u32 v3, $0x1  }
0x3b: {  	v3 =	vand.u32 $0x7, v3;
	v4 =	vand.u32 $0xFFFFFFF0, v58  }
0x3c: {  	v3 =	vor.u32 v3, v4  }
0x3d: {  	v4 =	vperm.xlane v3, v0;
	_ =	sdelay $0x1  }
0x3e: {  	v3 =	vperm.xlane v3, v2;
	v4 =	vadd.s32 v1, v4;
	_ =	sdelay $0x1  }
0x3f: {  	v3 =	vadd.s32 v1, v3;
	_ =	sdelay $0x1  }
0x40: {  	s25 =	simm.s32 $0x2100  }
0x41: {  	[tilespmem:s25], [sflag:$0x1] =	stream.indirect_vreg.gather [hbm4b:s3+s2], $0x80, v4, vm0, $0xb8;
	[tilespmem:$0x10100] =	vst v63  }
0x42: {  	s26 =	simm.s32 $0x2900  }
0x43: {  	[tilespmem:s26], [sflag:$0x1] =	stream.indirect_vreg.gather [hbm4b:s3+s2], $0x80, v3, vm0, $0xb8;
	[tilespmem:$0x10100] =	vst v63  }
0x44: {  	v3 =	vld [tilespmem:$0x30];
	_ =	sdelay $0x4  }
0x45: {  	v59 =	vshll.u32 v3, $0x1  }
0x46: {  	v3 =	vand.u32 $0x7, v3;
	v4 =	vand.u32 $0xFFFFFFF0, v59  }
0x47: {  	v3 =	vor.u32 v3, v4  }
0x48: {  	v4 =	vperm.xlane v3, v0;
	_ =	sdelay $0x1  }
0x49: {  	v3 =	vperm.xlane v3, v2;
	v4 =	vadd.s32 v1, v4;
	_ =	sdelay $0x1  }
0x4a: {  	v3 =	vadd.s32 v1, v3;
	_ =	sdelay $0x1  }
0x4b: {  	s24 =	simm.s32 $0x3100  }
0x4c: {  	[tilespmem:s24], [sflag:$0x1] =	stream.indirect_vreg.gather [hbm4b:s3+s2], $0x80, v4, vm0, $0xb8;
	[tilespmem:$0x10100] =	vst v63  }
0x4d: {  	s25 =	simm.s32 $0x3900  }
0x4e: {  	[tilespmem:s25], [sflag:$0x1] =	stream.indirect_vreg.gather [hbm4b:s3+s2], $0x80, v3, vm0, $0xb8;
	[tilespmem:$0x10100] =	vst v63  }
0x4f: {  	v3 =	vld [tilespmem:$0x40];
	_ =	sdelay $0x4  }
0x50: {  	v60 =	vshll.u32 v3, $0x1  }
0x51: {  	v3 =	vand.u32 $0x7, v3;
	v4 =	vand.u32 $0xFFFFFFF0, v60  }
0x52: {  	v3 =	vor.u32 v3, v4  }
0x53: {  	v4 =	vperm.xlane v3, v0;
	_ =	sdelay $0x1  }
0x54: {  	v3 =	vperm.xlane v3, v2;
	v4 =	vadd.s32 v1, v4;
	_ =	sdelay $0x1  }
0x55: {  	v3 =	vadd.s32 v1, v3;
	_ =	sdelay $0x1  }
0x56: {  	s26 =	simm.s32 $0x4100  }
0x57: {  	[tilespmem:s26], [sflag:$0x1] =	stream.indirect_vreg.gather [hbm4b:s3+s2], $0x80, v4, vm0, $0xb8;
	[tilespmem:$0x10100] =	vst v63  }
0x58: {  	s24 =	simm.s32 $0x4900  }
0x59: {  	[tilespmem:s24], [sflag:$0x1] =	stream.indirect_vreg.gather [hbm4b:s3+s2], $0x80, v3, vm0, $0xb8;
	[tilespmem:$0x10100] =	vst v63  }
0x5a: {  	v3 =	vld [tilespmem:$0x50];
	_ =	sdelay $0x4  }
0x5b: {  	v61 =	vshll.u32 v3, $0x1  }
0x5c: {  	v3 =	vand.u32 $0x7, v3;
	v4 =	vand.u32 $0xFFFFFFF0, v61  }
0x5d: {  	v3 =	vor.u32 v3, v4  }
0x5e: {  	v4 =	vperm.xlane v3, v0;
	_ =	sdelay $0x1  }
0x5f: {  	v3 =	vperm.xlane v3, v2;
	v4 =	vadd.s32 v1, v4;
	_ =	sdelay $0x1  }
0x60: {  	v3 =	vadd.s32 v1, v3;
	_ =	sdelay $0x1  }
0x61: {  	s25 =	simm.s32 $0x5100  }
0x62: {  	[tilespmem:s25], [sflag:$0x1] =	stream.indirect_vreg.gather [hbm4b:s3+s2], $0x80, v4, vm0, $0xb8;
	[tilespmem:$0x10100] =	vst v63  }
0x63: {  	s26 =	simm.s32 $0x5900  }
0x64: {  	[tilespmem:s26], [sflag:$0x1] =	stream.indirect_vreg.gather [hbm4b:s3+s2], $0x80, v3, vm0, $0xb8;
	[tilespmem:$0x10100] =	vst v63  }
0x65: {  	v3 =	vld [tilespmem:$0x60];
	_ =	sdelay $0x4  }
0x66: {  	v62 =	vshll.u32 v3, $0x1  }
0x67: {  	v3 =	vand.u32 $0x7, v3;
	v4 =	vand.u32 $0xFFFFFFF0, v62  }
0x68: {  	v3 =	vor.u32 v3, v4  }
0x69: {  	v4 =	vperm.xlane v3, v0;
	_ =	sdelay $0x1  }
0x6a: {  	v3 =	vperm.xlane v3, v2;
	v4 =	vadd.s32 v1, v4;
	_ =	sdelay $0x1  }
0x6b: {  	v3 =	vadd.s32 v1, v3;
	_ =	sdelay $0x1  }
0x6c: {  	s24 =	simm.s32 $0x6100  }
0x6d: {  	[tilespmem:s24], [sflag:$0x1] =	stream.indirect_vreg.gather [hbm4b:s3+s2], $0x80, v4, vm0, $0xb8;
	[tilespmem:$0x10100] =	vst v63  }
0x6e: {  	s25 =	simm.s32 $0x6900  }
0x6f: {  	[tilespmem:s25], [sflag:$0x1] =	stream.indirect_vreg.gather [hbm4b:s3+s2], $0x80, v3, vm0, $0xb8;
	[tilespmem:$0x10100] =	vst v63  }
0x70: {  	v3 =	vld [tilespmem:$0x70];
	_ =	sdelay $0x4  }
0x71: {  	v63 =	vshll.u32 v3, $0x1  }
0x72: {  	v3 =	vand.u32 $0x7, v3;
	v4 =	vand.u32 $0xFFFFFFF0, v63  }
0x73: {  	v3 =	vor.u32 v3, v4  }
0x74: {  	v4 =	vperm.xlane v3, v0;
	_ =	sdelay $0x1  }
0x75: {  	v3 =	vperm.xlane v3, v2;
	v4 =	vadd.s32 v1, v4;
	_ =	sdelay $0x1  }
0x76: {  	v3 =	vadd.s32 v1, v3  }
.Ltmp2:
0x77: {  	_ = 	snop;
	(pc) =	sbr.rel .LBB2_2-.Ltmp2, $4  }
0x78: {  	s23 =	rddreg [dreg:$0x5];
	s26 =	simm.s32 $0x7100  }
0x79: {  	[tilespmem:s26], [sflag:$0x1] =	stream.indirect_vreg.gather [hbm4b:s3+s2], $0x80, v4, vm0, $0xb8;
	[tilespmem:$0x10100] =	vst v63  }
0x7a: {  	s24 =	rddreg [dreg:$0x4];
	s25 =	simm.s32 $0x0  }
0x7b: {  	[tilespmem:s28], [sflag:$0x1] =	stream.indirect_vreg.gather [hbm4b:s3+s2], $0x80, v3, vm0, $0xb8;
	[tilespmem:$0x10100] =	vst v63  }
.LBB2_4:
0x7c: {  	_ =	swait.ge [sflag:s22], $0x8000;
	s26 =	sadd.s32 s25, s9;
	s25 =	sadd.s32 $0x2000, s25  }
0x7d: {  	[sflag:s22] =	ssyncset.done $0x0;
	p0 =	sne.s32 s25, $0x10000  }
.Ltmp3:
0x7e: {  	[sflag:s22] =	ssyncadd.s32 $0xFFFF8000;
	(pc) =	sbr.rel @!p0 .LBB2_5-.Ltmp3, $4  }
0x7f: {  	[hbm4b:s26+s2] =	stream.linear.scatter [tilespmem:s30], [sflag:$0x3], $0x8000, $0x38;
	[tilespmem:$0x10100] =	vst v63  }
0x80: {  	_ =	swait.ge [sflag:s11], $0x8000  }
0x81: {  	[sflag:s11] =	ssyncset.done $0x0  }
0x82: {  	s24 =	sadd.s32 $0x100, s24;
	s23 =	sadd.s32 $0x800, s23;
	[sflag:s11] =	ssyncadd.s32 $0xFFFF8000  }
.LBB2_2:
0x83: {  	s26 =	sshrl.u32 s23, $0x3  }
0x84: {  	s26 =	sadd.s32 s4, s26  }
0x85: {  	[tilespmem:s29], [sflag:$0x3] =	stream.linear.gather [hbm4b:s26+s2], $0x80, $0x38;
	[tilespmem:$0x10100] =	vst v63  }
0x86: {  	_ =	swait.ge [sflag:s11], $0x80  }
0x87: {  	[sflag:s11] =	ssyncset.done $0x0  }
0x88: {  	[sflag:s11] =	ssyncadd.s32 $0xFFFFFF80  }
0x89: {  	v3 =	vld [tilespmem:$0x80];
	_ =	sdelay $0x4  }
0x8a: {  	v4 =	vshll.u32 v3, $0x1  }
0x8b: {  	v3 =	vand.u32 $0x7, v3;
	v4 =	vand.u32 $0xFFFFFFF0, v4  }
0x8c: {  	v3 =	vor.u32 v3, v4  }
0x8d: {  	v4 =	vperm.xlane v3, v0;
	_ =	sdelay $0x1  }
0x8e: {  	v3 =	vperm.xlane v3, v2;
	v4 =	vadd.s32 v1, v4;
	_ =	sdelay $0x1  }
0x8f: {  	v3 =	vadd.s32 v1, v3;
	_ =	sdelay $0x2  }
0x90: {  	[tilespmem:s30], [sflag:$0x2] =	stream.indirect_vreg.gather [hbm4b:s3+s2], $0x80, v4, vm0, $0xb8;
	[tilespmem:$0x10100] =	vst v63  }
0x91: {  	_ = 	snop  }
0x92: {  	[tilespmem:s31], [sflag:$0x2] =	stream.indirect_vreg.gather [hbm4b:s3+s2], $0x80, v3, vm0, $0xb8;
	[tilespmem:$0x10100] =	vst v63  }
0x93: {  	v3 =	vld [tilespmem:$0x90];
	_ =	sdelay $0x4  }
0x94: {  	v57 =	vshll.u32 v3, $0x1  }
0x95: {  	v3 =	vand.u32 $0x7, v3;
	v4 =	vand.u32 $0xFFFFFFF0, v57  }
0x96: {  	v3 =	vor.u32 v3, v4  }
0x97: {  	v4 =	vperm.xlane v3, v0;
	_ =	sdelay $0x1  }
0x98: {  	v3 =	vperm.xlane v3, v2;
	v4 =	vadd.s32 v1, v4;
	_ =	sdelay $0x1  }
0x99: {  	v3 =	vadd.s32 v1, v3;
	_ =	sdelay $0x2  }
0x9a: {  	[tilespmem:s0], [sflag:$0x2] =	stream.indirect_vreg.gather [hbm4b:s3+s2], $0x80, v4, vm0, $0xb8;
	[tilespmem:$0x10100] =	vst v63  }
0x9b: {  	_ = 	snop  }
0x9c: {  	[tilespmem:s1], [sflag:$0x2] =	stream.indirect_vreg.gather [hbm4b:s3+s2], $0x80, v3, vm0, $0xb8;
	[tilespmem:$0x10100] =	vst v63  }
0x9d: {  	v3 =	vld [tilespmem:$0xA0];
	_ =	sdelay $0x4  }
0x9e: {  	v58 =	vshll.u32 v3, $0x1  }
0x9f: {  	v3 =	vand.u32 $0x7, v3;
	v4 =	vand.u32 $0xFFFFFFF0, v58  }
0xa0: {  	v3 =	vor.u32 v3, v4  }
0xa1: {  	v4 =	vperm.xlane v3, v0;
	_ =	sdelay $0x1  }
0xa2: {  	v3 =	vperm.xlane v3, v2;
	v4 =	vadd.s32 v1, v4;
	_ =	sdelay $0x1  }
0xa3: {  	v3 =	vadd.s32 v1, v3;
	_ =	sdelay $0x2  }
0xa4: {  	[tilespmem:s5], [sflag:$0x2] =	stream.indirect_vreg.gather [hbm4b:s3+s2], $0x80, v4, vm0, $0xb8;
	[tilespmem:$0x10100] =	vst v63  }
0xa5: {  	_ = 	snop  }
0xa6: {  	[tilespmem:s6], [sflag:$0x2] =	stream.indirect_vreg.gather [hbm4b:s3+s2], $0x80, v3, vm0, $0xb8;
	[tilespmem:$0x10100] =	vst v63  }
0xa7: {  	v3 =	vld [tilespmem:$0xB0];
	_ =	sdelay $0x4  }
0xa8: {  	v59 =	vshll.u32 v3, $0x1  }
0xa9: {  	v3 =	vand.u32 $0x7, v3;
	v4 =	vand.u32 $0xFFFFFFF0, v59  }
0xaa: {  	v3 =	vor.u32 v3, v4  }
0xab: {  	v4 =	vperm.xlane v3, v0;
	_ =	sdelay $0x1  }
0xac: {  	v3 =	vperm.xlane v3, v2;
	v4 =	vadd.s32 v1, v4;
	_ =	sdelay $0x1  }
0xad: {  	v3 =	vadd.s32 v1, v3;
	_ =	sdelay $0x2  }
0xae: {  	[tilespmem:s7], [sflag:$0x2] =	stream.indirect_vreg.gather [hbm4b:s3+s2], $0x80, v4, vm0, $0xb8;
	[tilespmem:$0x10100] =	vst v63  }
0xaf: {  	_ = 	snop  }
0xb0: {  	[tilespmem:s10], [sflag:$0x2] =	stream.indirect_vreg.gather [hbm4b:s3+s2], $0x80, v3, vm0, $0xb8;
	[tilespmem:$0x10100] =	vst v63  }
0xb1: {  	v3 =	vld [tilespmem:$0xC0];
	_ =	sdelay $0x4  }
0xb2: {  	v60 =	vshll.u32 v3, $0x1  }
0xb3: {  	v3 =	vand.u32 $0x7, v3;
	v4 =	vand.u32 $0xFFFFFFF0, v60  }
0xb4: {  	v3 =	vor.u32 v3, v4  }
0xb5: {  	v4 =	vperm.xlane v3, v0;
	_ =	sdelay $0x1  }
0xb6: {  	v3 =	vperm.xlane v3, v2;
	v4 =	vadd.s32 v1, v4;
	_ =	sdelay $0x1  }
0xb7: {  	v3 =	vadd.s32 v1, v3;
	_ =	sdelay $0x2  }
0xb8: {  	[tilespmem:s13], [sflag:$0x2] =	stream.indirect_vreg.gather [hbm4b:s3+s2], $0x80, v4, vm0, $0xb8;
	[tilespmem:$0x10100] =	vst v63  }
0xb9: {  	_ = 	snop  }
0xba: {  	[tilespmem:s14], [sflag:$0x2] =	stream.indirect_vreg.gather [hbm4b:s3+s2], $0x80, v3, vm0, $0xb8;
	[tilespmem:$0x10100] =	vst v63  }
0xbb: {  	v3 =	vld [tilespmem:$0xD0];
	_ =	sdelay $0x4  }
0xbc: {  	v61 =	vshll.u32 v3, $0x1  }
0xbd: {  	v3 =	vand.u32 $0x7, v3;
	v4 =	vand.u32 $0xFFFFFFF0, v61  }
0xbe: {  	v3 =	vor.u32 v3, v4  }
0xbf: {  	v4 =	vperm.xlane v3, v0;
	_ =	sdelay $0x1  }
0xc0: {  	v3 =	vperm.xlane v3, v2;
	v4 =	vadd.s32 v1, v4;
	_ =	sdelay $0x1  }
0xc1: {  	v3 =	vadd.s32 v1, v3;
	_ =	sdelay $0x2  }
0xc2: {  	[tilespmem:s15], [sflag:$0x2] =	stream.indirect_vreg.gather [hbm4b:s3+s2], $0x80, v4, vm0, $0xb8;
	[tilespmem:$0x10100] =	vst v63  }
0xc3: {  	_ = 	snop  }
0xc4: {  	[tilespmem:s16], [sflag:$0x2] =	stream.indirect_vreg.gather [hbm4b:s3+s2], $0x80, v3, vm0, $0xb8;
	[tilespmem:$0x10100] =	vst v63  }
0xc5: {  	v3 =	vld [tilespmem:$0xE0];
	_ =	sdelay $0x4  }
0xc6: {  	v62 =	vshll.u32 v3, $0x1  }
0xc7: {  	v3 =	vand.u32 $0x7, v3;
	v4 =	vand.u32 $0xFFFFFFF0, v62  }
0xc8: {  	v3 =	vor.u32 v3, v4  }
0xc9: {  	v4 =	vperm.xlane v3, v0;
	_ =	sdelay $0x1  }
0xca: {  	v3 =	vperm.xlane v3, v2;
	v4 =	vadd.s32 v1, v4;
	_ =	sdelay $0x1  }
0xcb: {  	v3 =	vadd.s32 v1, v3;
	_ =	sdelay $0x2  }
0xcc: {  	[tilespmem:s17], [sflag:$0x2] =	stream.indirect_vreg.gather [hbm4b:s3+s2], $0x80, v4, vm0, $0xb8;
	[tilespmem:$0x10100] =	vst v63  }
0xcd: {  	_ = 	snop  }
0xce: {  	[tilespmem:s18], [sflag:$0x2] =	stream.indirect_vreg.gather [hbm4b:s3+s2], $0x80, v3, vm0, $0xb8;
	[tilespmem:$0x10100] =	vst v63  }
0xcf: {  	v3 =	vld [tilespmem:$0xF0];
	_ =	sdelay $0x4  }
0xd0: {  	v63 =	vshll.u32 v3, $0x1  }
0xd1: {  	v3 =	vand.u32 $0x7, v3;
	v4 =	vand.u32 $0xFFFFFFF0, v63  }
0xd2: {  	v3 =	vor.u32 v3, v4  }
0xd3: {  	v4 =	vperm.xlane v3, v0;
	_ =	sdelay $0x1  }
0xd4: {  	v3 =	vperm.xlane v3, v2;
	v4 =	vadd.s32 v1, v4;
	_ =	sdelay $0x1  }
0xd5: {  	v3 =	vadd.s32 v1, v3;
	_ =	sdelay $0x2  }
0xd6: {  	[tilespmem:s19], [sflag:$0x2] =	stream.indirect_vreg.gather [hbm4b:s3+s2], $0x80, v4, vm0, $0xb8;
	[tilespmem:$0x10100] =	vst v63  }
0xd7: {  	_ = 	snop  }
0xd8: {  	[tilespmem:s20], [sflag:$0x2] =	stream.indirect_vreg.gather [hbm4b:s3+s2], $0x80, v3, vm0, $0xb8;
	[tilespmem:$0x10100] =	vst v63  }
0xd9: {  	_ =	swait.ge [sflag:s21], $0x8000  }
0xda: {  	p0 =	seq.s32 s25, $0xE000;
	[sflag:s21] =	ssyncset.done $0x0  }
.Ltmp4:
0xdb: {  	s26 =	sadd.s32 s25, s8;
	[sflag:s21] =	ssyncadd.s32 $0xFFFF8000;
	(pc) =	sbr.rel @p0 .LBB2_4-.Ltmp4, $4  }
0xdc: {  	[hbm4b:s26+s2] =	stream.linear.scatter [tilespmem:s12], [sflag:$0x3], $0x8000, $0x38;
	[tilespmem:$0x10100] =	vst v63  }
0xdd: {  	_ =	swait.ge [sflag:s11], $0x8000  }
0xde: {  	[sflag:s11] =	ssyncset.done $0x0  }
0xdf: {  	[sflag:s11] =	ssyncadd.s32 $0xFFFF8000  }
0xe0: {  	s26 =	sand.u32 $0x1FFFFF30, s24  }
0xe1: {  	s26 =	sadd.s32 s4, s26  }
0xe2: {  	[tilespmem:s2], [sflag:$0x3] =	stream.linear.gather [hbm4b:s26+s2], $0x80, $0x38;
	[tilespmem:$0x10100] =	vst v63  }
0xe3: {  	_ =	swait.ge [sflag:s11], $0x80  }
0xe4: {  	[sflag:s11] =	ssyncset.done $0x0  }
0xe5: {  	[sflag:s11] =	ssyncadd.s32 $0xFFFFFF80  }
0xe6: {  	v3 =	vld [tilespmem:$0x0];
	_ =	sdelay $0x4  }
0xe7: {  	v4 =	vshll.u32 v3, $0x1  }
0xe8: {  	v3 =	vand.u32 $0x7, v3;
	v4 =	vand.u32 $0xFFFFFFF0, v4  }
0xe9: {  	v3 =	vor.u32 v3, v4  }
0xea: {  	v4 =	vperm.xlane v3, v0;
	_ =	sdelay $0x1  }
0xeb: {  	v3 =	vperm.xlane v3, v2;
	v4 =	vadd.s32 v1, v4;
	_ =	sdelay $0x1  }
0xec: {  	v3 =	vadd.s32 v1, v3;
	_ =	sdelay $0x2  }
0xed: {  	[tilespmem:s12], [sflag:$0x1] =	stream.indirect_vreg.gather [hbm4b:s3+s2], $0x80, v4, vm0, $0xb8;
	[tilespmem:$0x10100] =	vst v63  }
0xee: {  	s26 =	simm.s32 $0x900  }
0xef: {  	[tilespmem:s26], [sflag:$0x1] =	stream.indirect_vreg.gather [hbm4b:s3+s2], $0x80, v3, vm0, $0xb8;
	[tilespmem:$0x10100] =	vst v63  }
0xf0: {  	v3 =	vld [tilespmem:$0x10];
	_ =	sdelay $0x4  }
0xf1: {  	v57 =	vshll.u32 v3, $0x1  }
0xf2: {  	v3 =	vand.u32 $0x7, v3;
	v4 =	vand.u32 $0xFFFFFFF0, v57  }
0xf3: {  	v3 =	vor.u32 v3, v4  }
0xf4: {  	v4 =	vperm.xlane v3, v0;
	_ =	sdelay $0x1  }
0xf5: {  	v3 =	vperm.xlane v3, v2;
	v4 =	vadd.s32 v1, v4;
	_ =	sdelay $0x1  }
0xf6: {  	v3 =	vadd.s32 v1, v3;
	_ =	sdelay $0x1  }
0xf7: {  	s26 =	simm.s32 $0x1100  }
0xf8: {  	[tilespmem:s26], [sflag:$0x1] =	stream.indirect_vreg.gather [hbm4b:s3+s2], $0x80, v4, vm0, $0xb8;
	[tilespmem:$0x10100] =	vst v63  }
0xf9: {  	s26 =	simm.s32 $0x1900  }
0xfa: {  	[tilespmem:s26], [sflag:$0x1] =	stream.indirect_vreg.gather [hbm4b:s3+s2], $0x80, v3, vm0, $0xb8;
	[tilespmem:$0x10100] =	vst v63  }
0xfb: {  	v3 =	vld [tilespmem:$0x20];
	_ =	sdelay $0x4  }
0xfc: {  	v58 =	vshll.u32 v3, $0x1  }
0xfd: {  	v3 =	vand.u32 $0x7, v3;
	v4 =	vand.u32 $0xFFFFFFF0, v58  }
0xfe: {  	v3 =	vor.u32 v3, v4  }
0xff: {  	v4 =	vperm.xlane v3, v0;
	_ =	sdelay $0x1  }
0x100: {  	v3 =	vperm.xlane v3, v2;
	v4 =	vadd.s32 v1, v4;
	_ =	sdelay $0x1  }
0x101: {  	v3 =	vadd.s32 v1, v3;
	_ =	sdelay $0x1  }
0x102: {  	s26 =	simm.s32 $0x2100  }
0x103: {  	[tilespmem:s26], [sflag:$0x1] =	stream.indirect_vreg.gather [hbm4b:s3+s2], $0x80, v4, vm0, $0xb8;
	[tilespmem:$0x10100] =	vst v63  }
0x104: {  	s26 =	simm.s32 $0x2900  }
0x105: {  	[tilespmem:s26], [sflag:$0x1] =	stream.indirect_vreg.gather [hbm4b:s3+s2], $0x80, v3, vm0, $0xb8;
	[tilespmem:$0x10100] =	vst v63  }
0x106: {  	v3 =	vld [tilespmem:$0x30];
	_ =	sdelay $0x4  }
0x107: {  	v59 =	vshll.u32 v3, $0x1  }
0x108: {  	v3 =	vand.u32 $0x7, v3;
	v4 =	vand.u32 $0xFFFFFFF0, v59  }
0x109: {  	v3 =	vor.u32 v3, v4  }
0x10a: {  	v4 =	vperm.xlane v3, v0;
	_ =	sdelay $0x1  }
0x10b: {  	v3 =	vperm.xlane v3, v2;
	v4 =	vadd.s32 v1, v4;
	_ =	sdelay $0x1  }
0x10c: {  	v3 =	vadd.s32 v1, v3;
	_ =	sdelay $0x1  }
0x10d: {  	s26 =	simm.s32 $0x3100  }
0x10e: {  	[tilespmem:s26], [sflag:$0x1] =	stream.indirect_vreg.gather [hbm4b:s3+s2], $0x80, v4, vm0, $0xb8;
	[tilespmem:$0x10100] =	vst v63  }
0x10f: {  	s26 =	simm.s32 $0x3900  }
0x110: {  	[tilespmem:s26], [sflag:$0x1] =	stream.indirect_vreg.gather [hbm4b:s3+s2], $0x80, v3, vm0, $0xb8;
	[tilespmem:$0x10100] =	vst v63  }
0x111: {  	v3 =	vld [tilespmem:$0x40];
	_ =	sdelay $0x4  }
0x112: {  	v60 =	vshll.u32 v3, $0x1  }
0x113: {  	v3 =	vand.u32 $0x7, v3;
	v4 =	vand.u32 $0xFFFFFFF0, v60  }
0x114: {  	v3 =	vor.u32 v3, v4  }
0x115: {  	v4 =	vperm.xlane v3, v0;
	_ =	sdelay $0x1  }
0x116: {  	v3 =	vperm.xlane v3, v2;
	v4 =	vadd.s32 v1, v4;
	_ =	sdelay $0x1  }
0x117: {  	v3 =	vadd.s32 v1, v3;
	_ =	sdelay $0x1  }
0x118: {  	s26 =	simm.s32 $0x4100  }
0x119: {  	[tilespmem:s26], [sflag:$0x1] =	stream.indirect_vreg.gather [hbm4b:s3+s2], $0x80, v4, vm0, $0xb8;
	[tilespmem:$0x10100] =	vst v63  }
0x11a: {  	s26 =	simm.s32 $0x4900  }
0x11b: {  	[tilespmem:s26], [sflag:$0x1] =	stream.indirect_vreg.gather [hbm4b:s3+s2], $0x80, v3, vm0, $0xb8;
	[tilespmem:$0x10100] =	vst v63  }
0x11c: {  	v3 =	vld [tilespmem:$0x50];
	_ =	sdelay $0x4  }
0x11d: {  	v61 =	vshll.u32 v3, $0x1  }
0x11e: {  	v3 =	vand.u32 $0x7, v3;
	v4 =	vand.u32 $0xFFFFFFF0, v61  }
0x11f: {  	v3 =	vor.u32 v3, v4  }
0x120: {  	v4 =	vperm.xlane v3, v0;
	_ =	sdelay $0x1  }
0x121: {  	v3 =	vperm.xlane v3, v2;
	v4 =	vadd.s32 v1, v4;
	_ =	sdelay $0x1  }
0x122: {  	v3 =	vadd.s32 v1, v3;
	_ =	sdelay $0x1  }
0x123: {  	s26 =	simm.s32 $0x5100  }
0x124: {  	[tilespmem:s26], [sflag:$0x1] =	stream.indirect_vreg.gather [hbm4b:s3+s2], $0x80, v4, vm0, $0xb8;
	[tilespmem:$0x10100] =	vst v63  }
0x125: {  	s26 =	simm.s32 $0x5900  }
0x126: {  	[tilespmem:s26], [sflag:$0x1] =	stream.indirect_vreg.gather [hbm4b:s3+s2], $0x80, v3, vm0, $0xb8;
	[tilespmem:$0x10100] =	vst v63  }
0x127: {  	v3 =	vld [tilespmem:$0x60];
	_ =	sdelay $0x4  }
0x128: {  	v62 =	vshll.u32 v3, $0x1  }
0x129: {  	v3 =	vand.u32 $0x7, v3;
	v4 =	vand.u32 $0xFFFFFFF0, v62  }
0x12a: {  	v3 =	vor.u32 v3, v4  }
0x12b: {  	v4 =	vperm.xlane v3, v0;
	_ =	sdelay $0x1  }
0x12c: {  	v3 =	vperm.xlane v3, v2;
	v4 =	vadd.s32 v1, v4;
	_ =	sdelay $0x1  }
0x12d: {  	v3 =	vadd.s32 v1, v3;
	_ =	sdelay $0x1  }
0x12e: {  	s26 =	simm.s32 $0x6100  }
0x12f: {  	[tilespmem:s26], [sflag:$0x1] =	stream.indirect_vreg.gather [hbm4b:s3+s2], $0x80, v4, vm0, $0xb8;
	[tilespmem:$0x10100] =	vst v63  }
0x130: {  	s26 =	simm.s32 $0x6900  }
0x131: {  	[tilespmem:s26], [sflag:$0x1] =	stream.indirect_vreg.gather [hbm4b:s3+s2], $0x80, v3, vm0, $0xb8;
	[tilespmem:$0x10100] =	vst v63  }
0x132: {  	v3 =	vld [tilespmem:$0x70];
	_ =	sdelay $0x4  }
0x133: {  	v63 =	vshll.u32 v3, $0x1  }
0x134: {  	v3 =	vand.u32 $0x7, v3;
	v4 =	vand.u32 $0xFFFFFFF0, v63  }
0x135: {  	v3 =	vor.u32 v3, v4  }
0x136: {  	v4 =	vperm.xlane v3, v0;
	_ =	sdelay $0x1  }
0x137: {  	v3 =	vperm.xlane v3, v2;
	v4 =	vadd.s32 v1, v4;
	_ =	sdelay $0x1  }
0x138: {  	v3 =	vadd.s32 v1, v3  }
.Ltmp5:
0x139: {  	_ = 	snop;
	(pc) =	sbr.rel .LBB2_4-.Ltmp5, $4  }
0x13a: {  	s26 =	simm.s32 $0x7100  }
0x13b: {  	[tilespmem:s26], [sflag:$0x1] =	stream.indirect_vreg.gather [hbm4b:s3+s2], $0x80, v4, vm0, $0xb8;
	[tilespmem:$0x10100] =	vst v63  }
0x13c: {  	_ = 	snop  }
0x13d: {  	[tilespmem:s28], [sflag:$0x1] =	stream.indirect_vreg.gather [hbm4b:s3+s2], $0x80, v3, vm0, $0xb8;
	[tilespmem:$0x10100] =	vst v63  }
.LBB2_6:
0x13e: {  	_ =	sfence.sel $0x180000  }
0x13f: {  	[bflag:$0x0] =	sbarrier.arrive $0xFFFF  }
0x140: {  	_ =	strace $0x9000004A  }
0x141: {  	s0 =	stileid.u32;
	[bflag:$0x2] =	sbarrier.arrive $0xFFFF  }
0x142: {  	p0 =	sne.s32 s0, $0x0;
	s0 =	rddreg [dreg:$0x1]  }
0x143: {  	s0 =	sadd.s32 @!p0 $0x100000, s0  }
0x144: {  	[sflag:s0] =	ssyncadd.tile.s32 @!p0 $0x1;
	_ =	shalt  }
.Lfunc_end2:
_tile_overlayer_lowered:
.L_overlay_start_2:
0x145: {  	(tag) =	ssettag $0x2  }
0x146: {  	s0 =	rddreg [dreg:$0x0];
	s2 =	stileid.u32  }
0x147: {  	s1 =	rddreg [dreg:$0x1];
	p0 =	sne.s32 s2, $0x0  }
0x148: {  	s3 =	rddreg [dreg:$0x2];
	[bflag:$0x3] =	sbarrier.arrive $0xFFFF;
	s2 =	simm.s32 @!p0 $0x1C03  }
0x149: {  	[timem:s3], [sflag:s2] =	dma.local @!p0 [hbm:s0], s1  }
0x14a: {  	s0 =	simm.s32 @!p0 $0x3  }
0x14b: {  	_ =	swait.ge @!p0 [sflag:s0], s1  }
0x14c: {  	s1 =	ssub.s32 @!p0 $0x0, s1;
	[sflag:s0] =	ssyncset.done @!p0 $0x0  }
0x14d: {  	[sflag:s0] =	ssyncadd.s32 @!p0 s1  }
0x14e: {  	[bflag:$0x3] =	sbarrier.arrive $0xFFFF  }
0x14f: {  	_ =	shalt  }

// kernel: kernel.8.cloned.1.call-start
scs
__scs_entry_jumppad:
0x0: {  	(pc) =	sbr.rel $0x88, $3  }
0x1: {  	(tag) =	ssettag $0x0;
	lr =	simm.s32 $0x1  }
0x2: {  	[smem:$0x3F98] =	sst lr;
	_ =	strace $0xD0000000  }
0x3: {  	_ = 	snop  }
0x4: {  	_ = 	snop  }
0x5: {  	_ = 	snop  }
0x6: {  	_ = 	snop  }
0x7: {  	_ = 	snop  }
__scs_overlays_trampoline_lowered:
0x8: {  	[smem:$0x3FA7] =	sst s0  }
0x9: {  	[smem:$0x3FA8] =	sst s1  }
0xa: {  	[smem:$0x3FA9] =	sst s2  }
0xb: {  	[smem:$0x3FAA] =	sst s3  }
0xc: {  	[smem:$0x3FAB] =	sst s4  }
0xd: {  	[smem:$0x3FAC] =	sst s5  }
0xe: {  	[smem:$0x3FAD] =	sst s6  }
0xf: {  	[smem:$0x3FAE] =	sst s7  }
0x10: {  	[smem:$0x3FAF] =	sst s8  }
0x11: {  	[smem:$0x3FB0] =	sst s9;
	s0 =	simm.s32 @!p0 $0x0  }
0x12: {  	s1 =	sld [smem:$0x3F96];
	s0 =	simm.s32 @p0 $0x1  }
0x13: {  	[smem:$0x3FB1] =	sst s0;
	s0 =	simm.s32 @!p1 $0x0  }
0x14: {  	s2 =	sld [smem:$0x3F95];
	s0 =	simm.s32 @p1 $0x1  }
0x15: {  	[smem:$0x3FB2] =	sst s0;
	s0 =	simm.s32 @!p2 $0x0  }
0x16: {  	s3 =	sld [smem:$0x3FDB];
	s0 =	simm.s32 @p2 $0x1  }
0x17: {  	s4 =	simm.s32 $0x1BF5;
	[smem:$0x3FB4] =	sst s0  }
0x18: {  	s0 =	sld [smem:$0x3F97];
	_ =	swait.ge [sflag:s4], $0x0  }
0x19: {  	s7 =	sld [smem:$0x3F98]  }
0x1a: {  	s8 =	sadd.s32 $0xFFFFE003, lr  }
0x1b: {  	s9 =	sadd.s32 $0xFFFFFEF7, lr;
	s5 =	simm.s32 $0xFFFFFFFF;
	p2 =	slt.u32 s8, $0xFFFFF086  }
0x1c: {  	p1 =	slt.u32 s9, $0xF7A;
	s5 =	simm.s32 @!p2 $0x0  }
0x1d: {  	s5 =	simm.s32 @p1 $0x1;
	p0 =	seq.s32 s7, s2  }
0x1e: {  	s7 =	smul.u32 @!p0 $0xF7A, s2;
	p2 =	seq.s32 @!p0 s5, $0x0  }
0x1f: {  	s9 =	smul.u32 $0xF7A, s1;
	s8 =	simm.s32 @!p0 $0x1BF5;
	p2 =	por !p2, p0  }
0x20: {  	[sflag:s8] =	ssyncset.s32 @!p0 $0xFFFFF086;
	s6 =	sadd.s32 @!p0 s3, s7;
	s7 =	simm.s32 @!p0 $0x108  }
0x21: {  	s3 =	sadd.s32 s3, s9;
	s6 =	sadd.s32 @!p0 $0x88, s6;
	s7 =	simm.s32 @p2 $0x1082  }
0x22: {  	[simem:s7], [sflag:s8] =	dma.local @!p0 [hbm:s6], $0xF7A  }
0x23: {  	s9 =	sor.u32 $0xD0000000, s2;
	s6 =	simm.s32 $0x108;
	_ =	swait.ge @!p0 [sflag:s8], $0x0  }
0x24: {  	s3 =	sadd.s32 $0x88, s3;
	s6 =	simm.s32 @!p1 $0x1082;
	[sflag:s4] =	ssyncset.s32 $0xFFFFF086  }
0x25: {  	[simem:s6], [sflag:s4] =	dma.local [hbm:s3], $0xF7A  }
0x26: {  	[smem:$0x3F98] =	sst s1;
	(tag) =	ssettag s2;
	_ =	strace s9  }
0x27: {  	s1 =	sld [smem:$0x3FA8]  }
0x28: {  	s2 =	sld [smem:$0x3FA9]  }
0x29: {  	s4 =	sld [smem:$0x3FAB]  }
0x2a: {  	p0 =	seq.s32 s5, $0x0;
	s5 =	sld [smem:$0x3FAC]  }
0x2b: {  	s6 =	sld [smem:$0x3FAD]  }
0x2c: {  	s7 =	sld [smem:$0x3FAE]  }
0x2d: {  	s3 =	simm.s32 $0x108;
	s8 =	sld [smem:$0x3FAF]  }
0x2e: {  	s3 =	simm.s32 @!p0 $0x1082;
	s9 =	sld [smem:$0x3FB0]  }
0x2f: {  	lr =	sadd.s32 s0, s3;
	s0 =	sld [smem:$0x3FA7]  }
0x30: {  	s3 =	sld [smem:$0x3FAA]  }
0x31: {  	[smem:$0x3FB3] =	sst s10  }
0x32: {  	s10 =	sld [smem:$0x3FB1];
	_ =	sdelay $0x3  }
0x33: {  	p0 =	seq.s32 s10, $0x1;
	s10 =	sld [smem:$0x3FB3];
	_ =	sdelay $0x3  }
0x34: {  	[smem:$0x3FB3] =	sst s10  }
0x35: {  	s10 =	sld [smem:$0x3FB2];
	_ =	sdelay $0x3  }
0x36: {  	p1 =	seq.s32 s10, $0x1;
	s10 =	sld [smem:$0x3FB3];
	_ =	sdelay $0x3  }
0x37: {  	[smem:$0x3FB3] =	sst s10  }
0x38: {  	s10 =	sld [smem:$0x3FB4]  }
0x39: {  	_ = 	snop;
	(pc) =	sbr.ind lr, $3  }
0x3a: {  	_ = 	snop  }
0x3b: {  	_ = 	snop  }
0x3c: {  	p2 =	seq.s32 s10, $0x1;
	s10 =	sld [smem:$0x3FB3]  }
0x3d: {  	_ =	shalt  }
0x3e: {  	_ =	shalt  }
0x3f: {  	_ =	shalt  }
0x40: {  	_ =	shalt  }
0x41: {  	_ =	shalt  }
0x42: {  	_ =	shalt  }
0x43: {  	_ =	shalt  }
0x44: {  	_ =	shalt  }
0x45: {  	_ =	shalt  }
0x46: {  	_ =	shalt  }
0x47: {  	_ =	shalt  }
0x48: {  	_ =	shalt  }
0x49: {  	_ =	shalt  }
0x4a: {  	_ =	shalt  }
0x4b: {  	_ =	shalt  }
0x4c: {  	_ =	shalt  }
0x4d: {  	_ =	shalt  }
0x4e: {  	_ =	shalt  }
0x4f: {  	_ =	shalt  }
0x50: {  	_ =	shalt  }
0x51: {  	_ =	shalt  }
0x52: {  	_ =	shalt  }
0x53: {  	_ =	shalt  }
0x54: {  	_ =	shalt  }
0x55: {  	_ =	shalt  }
0x56: {  	_ =	shalt  }
0x57: {  	_ =	shalt  }
0x58: {  	_ =	shalt  }
0x59: {  	_ =	shalt  }
0x5a: {  	_ =	shalt  }
0x5b: {  	_ =	shalt  }
0x5c: {  	_ =	shalt  }
0x5d: {  	_ =	shalt  }
0x5e: {  	_ =	shalt  }
0x5f: {  	_ =	shalt  }
0x60: {  	_ =	shalt  }
0x61: {  	_ =	shalt  }
0x62: {  	_ =	shalt  }
0x63: {  	_ =	shalt  }
0x64: {  	_ =	shalt  }
0x65: {  	_ =	shalt  }
0x66: {  	_ =	shalt  }
0x67: {  	_ =	shalt  }
0x68: {  	_ =	shalt  }
0x69: {  	_ =	shalt  }
0x6a: {  	_ =	shalt  }
0x6b: {  	_ =	shalt  }
0x6c: {  	_ =	shalt  }
0x6d: {  	_ =	shalt  }
0x6e: {  	_ =	shalt  }
0x6f: {  	_ =	shalt  }
0x70: {  	_ =	shalt  }
0x71: {  	_ =	shalt  }
0x72: {  	_ =	shalt  }
0x73: {  	_ =	shalt  }
0x74: {  	_ =	shalt  }
0x75: {  	_ =	shalt  }
0x76: {  	_ =	shalt  }
0x77: {  	_ =	shalt  }
0x78: {  	_ =	shalt  }
0x79: {  	_ =	shalt  }
0x7a: {  	_ =	shalt  }
0x7b: {  	_ =	shalt  }
0x7c: {  	_ =	shalt  }
0x7d: {  	_ =	shalt  }
0x7e: {  	_ =	shalt  }
0x7f: {  	_ =	shalt  }
0x80: {  	_ =	shalt  }
0x81: {  	_ =	shalt  }
0x82: {  	_ =	shalt  }
0x83: {  	_ =	shalt  }
0x84: {  	_ =	shalt  }
0x85: {  	_ =	shalt  }
0x86: {  	_ =	shalt  }
0x87: {  	_ =	shalt  }
.Lfunc_end0:
.L_simem_size_0:
called_computation_lowered:
.L_overlay_start_0:
0x88: {  	s2 =	sld [smem:$0x3FD9]  }
0x89: {  	s3 =	sld [smem:$0x3FFE];
	_ =	sdelay $0x1  }
0x8a: {  	s1 =	srdreg.scid  }
0x8b: {  	s0 =	sand.u32 $0x1, s1  }
0x8c: {  	s16 =	sshll.u32 s0, $0xA;
	s2 =	sadd.s32 s3, s2  }
0x8d: {  	s2 =	sadd.s32 s2, s16  }
0x8e: {  	[smem:$0x3FBF] =	sst s2  }
0x8f: {  	_ = 	snop  }
0x90: {  	(tm) =	ssettm $0x1  }
0x91: {  	s17 =	sld [smem:$0x3FFB];
	_ =	sdelay $0x3  }
0x92: {  	_ =	strace s17  }
0x93: {  	s2 =	sld [smem:$0x3FFC];
	_ =	sdelay $0x3  }
0x94: {  	_ =	strace s2  }
0x95: {  	s2 =	sld [smem:$0x3FFD];
	_ =	sdelay $0x3  }
0x96: {  	_ =	strace s2  }
0x97: {  	_ =	strace $0x8FFFFFFF  }
0x98: {  	s18 =	sld [smem:$0x3FDB];
	_ =	sdelay $0x1  }
0x99: {  	s19 =	simm.s32 $_scs_section_size  }
0x9a: {  	s4 =	simm.s32 $_size__tile_overlayer_lowered;
	s5 =	simm.s32 $_tile_overlayer_lowered  }
0x9b: {  	s22 =	simm.s32 $0x1BFF;
	s21 =	sshll.u32 s5, $0x1;
	s2 =	sadd.s32 s19, s18  }
0x9c: {  	s6 =	simm.s32 $0x0;
	s20 =	sshll.u32 s4, $0x1;
	s4 =	sadd.s32 s21, s2  }
0x9d: {  	[timem:s6], [sflag:s22] =	dma.local [hbm:s4], s20  }
0x9e: {  	_ =	swait.ge [sflag:s22], s20  }
0x9f: {  	s3 =	ssub.s32 $0x0, s20;
	[sflag:s22] =	ssyncset.done $0x0  }
0xa0: {  	[sflag:s22] =	ssyncadd.s32 s3;
	_ =	sdelay $0x1  }
0xa1: {  	s23 =	simm.s32 $0x1B8B  }
0xa2: {  	_ =	swait.ge [sflag:s23], $0x1  }
0xa3: {  	[sflag:s23] =	ssyncset.done $0x0  }
0xa4: {  	s25 =	simm.s32 $0x1B8E;
	s24 =	sld [smem:$0x3FFE];
	[sflag:s23] =	ssyncadd.s32 $0xFFFFFFFF  }
0xa5: {  	s26 =	simm.s32 $execute0_lowered;
	[smem:$0x3FD2] =	sst s25  }
0xa6: {  	s4 =	sshll.u32 s26, $0x1;
	_ =	strace $0x80000046;
	[dreg:$0x1] =	wrdreg $0xFFFFFFFF  }
0xa7: {  	s28 =	simm.s32 $_size_execute0_lowered;
	s2 =	sadd.s32 s2, s4;
	[dreg:$0x0] =	wrdreg $0x0  }
0xa8: {  	s4 =	sshll.u32 s28, $0x1;
	[dreg:$0x2] =	wrdreg s2  }
0xa9: {  	[dreg:$0x3] =	wrdreg s4  }
0xaa: {  	[dreg:$0x4] =	wrdreg $0xC0  }
0xab: {  	_ =	task [dreg:s6], $0x5FFFF  }
0xac: {  	[dreg:$0x1] =	wrdreg $0xFFFFFFFF  }
0xad: {  	[dreg:$0x0] =	wrdreg $0x60  }
0xae: {  	[dreg:$0x2] =	wrdreg s24  }
0xaf: {  	[dreg:$0x3] =	wrdreg $0x9  }
0xb0: {  	_ =	task.clear_ibuf [dreg:s6], $0x4FFFF;
	_ =	strace $0x90000046  }
0xb1: {  	s29 =	simm.s32 $0x9;
	_ =	strace $0x80000048  }
0xb2: {  	_ =	swait.ge [sflag:s29], $0x1  }
0xb3: {  	[sflag:s29] =	ssyncadd.s32 $0xFFFFFFFF  }
0xb4: {  	_ =	strace $0x90000048  }
0xb5: {  	_ =	sfence  }
0xb6: {  	s30 =	sld [smem:$0x0];
	_ =	sdelay $0x2  }
0xb7: {  	s31 =	sshll.u32 s1, $0xD;
	s1 =	sshrl.u32 s1, $0x2  }
0xb8: {  	s3 =	sand.u32 $0x4000, s31;
	s1 =	sadd.s32 s1, s30  }
0xb9: {  	s0 =	sor.u32 s3, s0;
	s1 =	sshll.u32 s1, $0x11  }
0xba: {  	s0 =	sor.u32 s1, s0  }
0xbb: {  	s0 =	sadd.s32 $0x8F2B, s0  }
0xbc: {  	[sflag:s0] =	ssyncadd.remote.s32 $0x1  }
0xbd: {  	_ =	sfence.sel $0xFFFF  }
0xbe: {  	[dreg:$0x0] =	wrdreg $0xFFFFFFFF;
	(pc) =	sbr.abs _section_cstart, $3  }
0xbf: {  	[dreg:$0x1] =	wrdreg $0xFFFFFFFF  }
0xc0: {  	_ =	task.clear_ibuf [dreg:s6], $0x2FFFF;
	_ =	strace $0x9FFFFFFF  }
0xc1: {  	(tm) =	ssettm $0x7FFFFFFF  }
tec
execute0_lowered:
.L_overlay_start_1:
0x0: {  	(tag) =	ssettag $0x1  }
0x1: {  	s0 =	rddreg [dreg:$0x0]  }
0x2: {  	s1 =	srdreg.scid;
	s2 =	simm.s32 $0x0;
	s11 =	stileid.u32  }
0x3: {  	s12 =	simm.s32 $0x100;
	s28 =	simm.s32 $0x7900;
	s29 =	simm.s32 $0x80  }
0x4: {  	s30 =	simm.s32 $0x8100;
	s31 =	simm.s32 $0x8900;
	s13 =	simm.s32 $0xC100  }
0x5: {  	s14 =	simm.s32 $0xC900;
	s15 =	simm.s32 $0xD100;
	s16 =	simm.s32 $0xD900  }
0x6: {  	s17 =	simm.s32 $0xE100;
	s18 =	simm.s32 $0xE900;
	s1 =	sand.u32 $0x1, s1  }
0x7: {  	s5 =	sshrl.u32 s11, $0x2;
	s3 =	sshll.u32 s11, $0xC;
	[smem:$0x7FF] =	sst s2  }
0x8: {  	s21 =	sshll.u32 s11, $0x14;
	s24 =	sshll.u32 s11, $0xF;
	s11 =	simm.s32 $0x3  }
0x9: {  	s4 =	sshll.u32 s1, $0xB;
	s19 =	sshll.u32 s5, $0xE;
	_ =	strace $0x80000047  }
0xa: {  	s7 =	sshll.u32 s5, $0x7;
	s9 =	ssub.s32 $0x2, s1;
	s10 =	smul.u32 $0x3FF0, s5  }
0xb: {  	s22 =	sshll.u32 s1, $0x13;
	s1 =	sshll.u32 s1, $0xE;
	s5 =	smul.u32 $0x1FF80, s5  }
0xc: {  	s6 =	sor.u32 s4, s3;
	s3 =	sadd.s32 $0x2A00, s0;
	s20 =	sshrl.u32 s9, $0x1  }
0xd: {  	s23 =	sor.u32 s22, s21;
	s1 =	sor.u32 s1, s24;
	s21 =	simm.s32 $0x1  }
0xe: {  	s22 =	simm.s32 $0x2;
	s24 =	simm.s32 $0x0;
	s4 =	ssub.s32 s6, s19  }
0xf: {  	s6 =	ssub.s32 s6, s10;
	s25 =	sshrl.u32 s23, $0x3;
	s1 =	ssub.s32 s1, s5  }
0x10: {  	s5 =	simm.s32 $0xA100;
	s10 =	simm.s32 $0xB900;
	s19 =	simm.s32 $0xF100  }
0x11: {  	s8 =	sshll.u32 s4, $0x3;
	s4 =	sadd.s32 $0x82A00, s0;
	s0 =	sadd.s32 $0x86A00, s0  }
0x12: {  	s6 =	sadd.s32 $0x100, s6;
	s26 =	sadd.s32 $0x400, s1;
	s1 =	simm.s32 $0x9900  }
0x13: {  	s7 =	sor.u32 s7, s8;
	s8 =	ssub.s32 s9, s20;
	[dreg:$0x4] =	wrdreg s6  }
.Ltmp0:
0x14: {  	s6 =	sor.u32 $0x8000, s23;
	[dreg:$0x5] =	wrdreg s26;
	(pc) =	sbr.rel .LBB2_1-.Ltmp0, $4  }
0x15: {  	s20 =	simm.s32 $0xF900;
	s7 =	sshrl.u32 s7, $0x3;
	s8 =	smax.u32 s8, $0x1  }
0x16: {  	v2 =	vlaneseq.u32;
	s6 =	sshrl.u32 s6, $0x3;
	s7 =	sadd.s32 s4, s7;
	[dreg:$0x3] =	wrdreg s8  }
0x17: {  	vm0 =	vmmov $0xffff;
	v1 =	vshrl.u32 v2, $0x3;
	s8 =	sadd.s32 s25, s0;
	s9 =	sadd.s32 s6, s0;
	s0 =	simm.s32 $0x9100  }
0x18: {  	v0 =	vand.u32 $0x7, v2;
	v2 =	vor.u32 $0x8, v2;
	v1 =	vmul.u32 $0x8, v1;
	s6 =	simm.s32 $0xA900;
	[dreg:$0x2] =	wrdreg s7;
	s7 =	simm.s32 $0xB100  }
.LBB2_5:
0x19: {  	s24 =	rddreg [dreg:$0x6]  }
0x1a: {  	s23 =	rddreg [dreg:$0x3];
	s24 =	sadd.s32 $0x1, s24  }
0x1b: {  	p0 =	sne.s32 s24, s23  }
.Ltmp1:
0x1c: {  	_ = 	snop;
	(pc) =	sbr.rel @!p0 .LBB2_6-.Ltmp1, $1  }
0x1d: {  	_ =	sdelay $0x3  }
.LBB2_1:
0x1e: {  	[dreg:$0x6] =	wrdreg s24  }
0x1f: {  	s23 =	rddreg [dreg:$0x2]  }
0x20: {  	[tilespmem:s2], [sflag:$0x3] =	stream.linear.gather [hbm4b:s23+s2], $0x80, $0x38;
	[tilespmem:$0x10100] =	vst v63  }
0x21: {  	_ =	swait.ge [sflag:s11], $0x80  }
0x22: {  	[sflag:s11] =	ssyncset.done $0x0  }
0x23: {  	[sflag:s11] =	ssyncadd.s32 $0xFFFFFF80  }
0x24: {  	v3 =	vld [tilespmem:$0x0];
	_ =	sdelay $0x4  }
0x25: {  	v4 =	vshll.u32 v3, $0x1  }
0x26: {  	v3 =	vand.u32 $0x7, v3;
	v4 =	vand.u32 $0xFFFFFFF0, v4  }
0x27: {  	v3 =	vor.u32 v3, v4  }
0x28: {  	v4 =	vperm.xlane v3, v0;
	_ =	sdelay $0x1  }
0x29: {  	v3 =	vperm.xlane v3, v2;
	v4 =	vadd.s32 v1, v4;
	_ =	sdelay $0x1  }
0x2a: {  	v3 =	vadd.s32 v1, v3;
	_ =	sdelay $0x2  }
0x2b: {  	[tilespmem:s12], [sflag:$0x1] =	stream.indirect_vreg.gather [hbm4b:s3+s2], $0x80, v4, vm0, $0xb8;
	[tilespmem:$0x10100] =	vst v63  }
0x2c: {  	s25 =	simm.s32 $0x900  }
0x2d: {  	[tilespmem:s25], [sflag:$0x1] =	stream.indirect_vreg.gather [hbm4b:s3+s2], $0x80, v3, vm0, $0xb8;
	[tilespmem:$0x10100] =	vst v63  }
0x2e: {  	v3 =	vld [tilespmem:$0x10];
	_ =	sdelay $0x4  }
0x2f: {  	v57 =	vshll.u32 v3, $0x1  }
0x30: {  	v3 =	vand.u32 $0x7, v3;
	v4 =	vand.u32 $0xFFFFFFF0, v57  }
0x31: {  	v3 =	vor.u32 v3, v4  }
0x32: {  	v4 =	vperm.xlane v3, v0;
	_ =	sdelay $0x1  }
0x33: {  	v3 =	vperm.xlane v3, v2;
	v4 =	vadd.s32 v1, v4;
	_ =	sdelay $0x1  }
0x34: {  	v3 =	vadd.s32 v1, v3;
	_ =	sdelay $0x1  }
0x35: {  	s26 =	simm.s32 $0x1100  }
0x36: {  	[tilespmem:s26], [sflag:$0x1] =	stream.indirect_vreg.gather [hbm4b:s3+s2], $0x80, v4, vm0, $0xb8;
	[tilespmem:$0x10100] =	vst v63  }
0x37: {  	s24 =	simm.s32 $0x1900  }
0x38: {  	[tilespmem:s24], [sflag:$0x1] =	stream.indirect_vreg.gather [hbm4b:s3+s2], $0x80, v3, vm0, $0xb8;
	[tilespmem:$0x10100] =	vst v63  }
0x39: {  	v3 =	vld [tilespmem:$0x20];
	_ =	sdelay $0x4  }
0x3a: {  	v58 =	vshll.u32 v3, $0x1  }
0x3b: {  	v3 =	vand.u32 $0x7, v3;
	v4 =	vand.u32 $0xFFFFFFF0, v58  }
0x3c: {  	v3 =	vor.u32 v3, v4  }
0x3d: {  	v4 =	vperm.xlane v3, v0;
	_ =	sdelay $0x1  }
0x3e: {  	v3 =	vperm.xlane v3, v2;
	v4 =	vadd.s32 v1, v4;
	_ =	sdelay $0x1  }
0x3f: {  	v3 =	vadd.s32 v1, v3;
	_ =	sdelay $0x1  }
0x40: {  	s25 =	simm.s32 $0x2100  }
0x41: {  	[tilespmem:s25], [sflag:$0x1] =	stream.indirect_vreg.gather [hbm4b:s3+s2], $0x80, v4, vm0, $0xb8;
	[tilespmem:$0x10100] =	vst v63  }
0x42: {  	s26 =	simm.s32 $0x2900  }
0x43: {  	[tilespmem:s26], [sflag:$0x1] =	stream.indirect_vreg.gather [hbm4b:s3+s2], $0x80, v3, vm0, $0xb8;
	[tilespmem:$0x10100] =	vst v63  }
0x44: {  	v3 =	vld [tilespmem:$0x30];
	_ =	sdelay $0x4  }
0x45: {  	v59 =	vshll.u32 v3, $0x1  }
0x46: {  	v3 =	vand.u32 $0x7, v3;
	v4 =	vand.u32 $0xFFFFFFF0, v59  }
0x47: {  	v3 =	vor.u32 v3, v4  }
0x48: {  	v4 =	vperm.xlane v3, v0;
	_ =	sdelay $0x1  }
0x49: {  	v3 =	vperm.xlane v3, v2;
	v4 =	vadd.s32 v1, v4;
	_ =	sdelay $0x1  }
0x4a: {  	v3 =	vadd.s32 v1, v3;
	_ =	sdelay $0x1  }
0x4b: {  	s24 =	simm.s32 $0x3100  }
0x4c: {  	[tilespmem:s24], [sflag:$0x1] =	stream.indirect_vreg.gather [hbm4b:s3+s2], $0x80, v4, vm0, $0xb8;
	[tilespmem:$0x10100] =	vst v63  }
0x4d: {  	s25 =	simm.s32 $0x3900  }
0x4e: {  	[tilespmem:s25], [sflag:$0x1] =	stream.indirect_vreg.gather [hbm4b:s3+s2], $0x80, v3, vm0, $0xb8;
	[tilespmem:$0x10100] =	vst v63  }
0x4f: {  	v3 =	vld [tilespmem:$0x40];
	_ =	sdelay $0x4  }
0x50: {  	v60 =	vshll.u32 v3, $0x1  }
0x51: {  	v3 =	vand.u32 $0x7, v3;
	v4 =	vand.u32 $0xFFFFFFF0, v60  }
0x52: {  	v3 =	vor.u32 v3, v4  }
0x53: {  	v4 =	vperm.xlane v3, v0;
	_ =	sdelay $0x1  }
0x54: {  	v3 =	vperm.xlane v3, v2;
	v4 =	vadd.s32 v1, v4;
	_ =	sdelay $0x1  }
0x55: {  	v3 =	vadd.s32 v1, v3;
	_ =	sdelay $0x1  }
0x56: {  	s26 =	simm.s32 $0x4100  }
0x57: {  	[tilespmem:s26], [sflag:$0x1] =	stream.indirect_vreg.gather [hbm4b:s3+s2], $0x80, v4, vm0, $0xb8;
	[tilespmem:$0x10100] =	vst v63  }
0x58: {  	s24 =	simm.s32 $0x4900  }
0x59: {  	[tilespmem:s24], [sflag:$0x1] =	stream.indirect_vreg.gather [hbm4b:s3+s2], $0x80, v3, vm0, $0xb8;
	[tilespmem:$0x10100] =	vst v63  }
0x5a: {  	v3 =	vld [tilespmem:$0x50];
	_ =	sdelay $0x4  }
0x5b: {  	v61 =	vshll.u32 v3, $0x1  }
0x5c: {  	v3 =	vand.u32 $0x7, v3;
	v4 =	vand.u32 $0xFFFFFFF0, v61  }
0x5d: {  	v3 =	vor.u32 v3, v4  }
0x5e: {  	v4 =	vperm.xlane v3, v0;
	_ =	sdelay $0x1  }
0x5f: {  	v3 =	vperm.xlane v3, v2;
	v4 =	vadd.s32 v1, v4;
	_ =	sdelay $0x1  }
0x60: {  	v3 =	vadd.s32 v1, v3;
	_ =	sdelay $0x1  }
0x61: {  	s25 =	simm.s32 $0x5100  }
0x62: {  	[tilespmem:s25], [sflag:$0x1] =	stream.indirect_vreg.gather [hbm4b:s3+s2], $0x80, v4, vm0, $0xb8;
	[tilespmem:$0x10100] =	vst v63  }
0x63: {  	s26 =	simm.s32 $0x5900  }
0x64: {  	[tilespmem:s26], [sflag:$0x1] =	stream.indirect_vreg.gather [hbm4b:s3+s2], $0x80, v3, vm0, $0xb8;
	[tilespmem:$0x10100] =	vst v63  }
0x65: {  	v3 =	vld [tilespmem:$0x60];
	_ =	sdelay $0x4  }
0x66: {  	v62 =	vshll.u32 v3, $0x1  }
0x67: {  	v3 =	vand.u32 $0x7, v3;
	v4 =	vand.u32 $0xFFFFFFF0, v62  }
0x68: {  	v3 =	vor.u32 v3, v4  }
0x69: {  	v4 =	vperm.xlane v3, v0;
	_ =	sdelay $0x1  }
0x6a: {  	v3 =	vperm.xlane v3, v2;
	v4 =	vadd.s32 v1, v4;
	_ =	sdelay $0x1  }
0x6b: {  	v3 =	vadd.s32 v1, v3;
	_ =	sdelay $0x1  }
0x6c: {  	s24 =	simm.s32 $0x6100  }
0x6d: {  	[tilespmem:s24], [sflag:$0x1] =	stream.indirect_vreg.gather [hbm4b:s3+s2], $0x80, v4, vm0, $0xb8;
	[tilespmem:$0x10100] =	vst v63  }
0x6e: {  	s25 =	simm.s32 $0x6900  }
0x6f: {  	[tilespmem:s25], [sflag:$0x1] =	stream.indirect_vreg.gather [hbm4b:s3+s2], $0x80, v3, vm0, $0xb8;
	[tilespmem:$0x10100] =	vst v63  }
0x70: {  	v3 =	vld [tilespmem:$0x70];
	_ =	sdelay $0x4  }
0x71: {  	v63 =	vshll.u32 v3, $0x1  }
0x72: {  	v3 =	vand.u32 $0x7, v3;
	v4 =	vand.u32 $0xFFFFFFF0, v63  }
0x73: {  	v3 =	vor.u32 v3, v4  }
0x74: {  	v4 =	vperm.xlane v3, v0;
	_ =	sdelay $0x1  }
0x75: {  	v3 =	vperm.xlane v3, v2;
	v4 =	vadd.s32 v1, v4;
	_ =	sdelay $0x1  }
0x76: {  	v3 =	vadd.s32 v1, v3  }
.Ltmp2:
0x77: {  	_ = 	snop;
	(pc) =	sbr.rel .LBB2_2-.Ltmp2, $4  }
0x78: {  	s23 =	rddreg [dreg:$0x5];
	s26 =	simm.s32 $0x7100  }
0x79: {  	[tilespmem:s26], [sflag:$0x1] =	stream.indirect_vreg.gather [hbm4b:s3+s2], $0x80, v4, vm0, $0xb8;
	[tilespmem:$0x10100] =	vst v63  }
0x7a: {  	s24 =	rddreg [dreg:$0x4];
	s25 =	simm.s32 $0x0  }
0x7b: {  	[tilespmem:s28], [sflag:$0x1] =	stream.indirect_vreg.gather [hbm4b:s3+s2], $0x80, v3, vm0, $0xb8;
	[tilespmem:$0x10100] =	vst v63  }
.LBB2_4:
0x7c: {  	_ =	swait.ge [sflag:s22], $0x8000;
	s26 =	sadd.s32 s25, s9;
	s25 =	sadd.s32 $0x2000, s25  }
0x7d: {  	[sflag:s22] =	ssyncset.done $0x0;
	p0 =	sne.s32 s25, $0x10000  }
.Ltmp3:
0x7e: {  	[sflag:s22] =	ssyncadd.s32 $0xFFFF8000;
	(pc) =	sbr.rel @!p0 .LBB2_5-.Ltmp3, $4  }
0x7f: {  	[hbm4b:s26+s2] =	stream.linear.scatter [tilespmem:s30], [sflag:$0x3], $0x8000, $0x38;
	[tilespmem:$0x10100] =	vst v63  }
0x80: {  	_ =	swait.ge [sflag:s11], $0x8000  }
0x81: {  	[sflag:s11] =	ssyncset.done $0x0  }
0x82: {  	s24 =	sadd.s32 $0x100, s24;
	s23 =	sadd.s32 $0x800, s23;
	[sflag:s11] =	ssyncadd.s32 $0xFFFF8000  }
.LBB2_2:
0x83: {  	s26 =	sshrl.u32 s23, $0x3  }
0x84: {  	s26 =	sadd.s32 s4, s26  }
0x85: {  	[tilespmem:s29], [sflag:$0x3] =	stream.linear.gather [hbm4b:s26+s2], $0x80, $0x38;
	[tilespmem:$0x10100] =	vst v63  }
0x86: {  	_ =	swait.ge [sflag:s11], $0x80  }
0x87: {  	[sflag:s11] =	ssyncset.done $0x0  }
0x88: {  	[sflag:s11] =	ssyncadd.s32 $0xFFFFFF80  }
0x89: {  	v3 =	vld [tilespmem:$0x80];
	_ =	sdelay $0x4  }
0x8a: {  	v4 =	vshll.u32 v3, $0x1  }
0x8b: {  	v3 =	vand.u32 $0x7, v3;
	v4 =	vand.u32 $0xFFFFFFF0, v4  }
0x8c: {  	v3 =	vor.u32 v3, v4  }
0x8d: {  	v4 =	vperm.xlane v3, v0;
	_ =	sdelay $0x1  }
0x8e: {  	v3 =	vperm.xlane v3, v2;
	v4 =	vadd.s32 v1, v4;
	_ =	sdelay $0x1  }
0x8f: {  	v3 =	vadd.s32 v1, v3;
	_ =	sdelay $0x2  }
0x90: {  	[tilespmem:s30], [sflag:$0x2] =	stream.indirect_vreg.gather [hbm4b:s3+s2], $0x80, v4, vm0, $0xb8;
	[tilespmem:$0x10100] =	vst v63  }
0x91: {  	_ = 	snop  }
0x92: {  	[tilespmem:s31], [sflag:$0x2] =	stream.indirect_vreg.gather [hbm4b:s3+s2], $0x80, v3, vm0, $0xb8;
	[tilespmem:$0x10100] =	vst v63  }
0x93: {  	v3 =	vld [tilespmem:$0x90];
	_ =	sdelay $0x4  }
0x94: {  	v57 =	vshll.u32 v3, $0x1  }
0x95: {  	v3 =	vand.u32 $0x7, v3;
	v4 =	vand.u32 $0xFFFFFFF0, v57  }
0x96: {  	v3 =	vor.u32 v3, v4  }
0x97: {  	v4 =	vperm.xlane v3, v0;
	_ =	sdelay $0x1  }
0x98: {  	v3 =	vperm.xlane v3, v2;
	v4 =	vadd.s32 v1, v4;
	_ =	sdelay $0x1  }
0x99: {  	v3 =	vadd.s32 v1, v3;
	_ =	sdelay $0x2  }
0x9a: {  	[tilespmem:s0], [sflag:$0x2] =	stream.indirect_vreg.gather [hbm4b:s3+s2], $0x80, v4, vm0, $0xb8;
	[tilespmem:$0x10100] =	vst v63  }
0x9b: {  	_ = 	snop  }
0x9c: {  	[tilespmem:s1], [sflag:$0x2] =	stream.indirect_vreg.gather [hbm4b:s3+s2], $0x80, v3, vm0, $0xb8;
	[tilespmem:$0x10100] =	vst v63  }
0x9d: {  	v3 =	vld [tilespmem:$0xA0];
	_ =	sdelay $0x4  }
0x9e: {  	v58 =	vshll.u32 v3, $0x1  }
0x9f: {  	v3 =	vand.u32 $0x7, v3;
	v4 =	vand.u32 $0xFFFFFFF0, v58  }
0xa0: {  	v3 =	vor.u32 v3, v4  }
0xa1: {  	v4 =	vperm.xlane v3, v0;
	_ =	sdelay $0x1  }
0xa2: {  	v3 =	vperm.xlane v3, v2;
	v4 =	vadd.s32 v1, v4;
	_ =	sdelay $0x1  }
0xa3: {  	v3 =	vadd.s32 v1, v3;
	_ =	sdelay $0x2  }
0xa4: {  	[tilespmem:s5], [sflag:$0x2] =	stream.indirect_vreg.gather [hbm4b:s3+s2], $0x80, v4, vm0, $0xb8;
	[tilespmem:$0x10100] =	vst v63  }
0xa5: {  	_ = 	snop  }
0xa6: {  	[tilespmem:s6], [sflag:$0x2] =	stream.indirect_vreg.gather [hbm4b:s3+s2], $0x80, v3, vm0, $0xb8;
	[tilespmem:$0x10100] =	vst v63  }
0xa7: {  	v3 =	vld [tilespmem:$0xB0];
	_ =	sdelay $0x4  }
0xa8: {  	v59 =	vshll.u32 v3, $0x1  }
0xa9: {  	v3 =	vand.u32 $0x7, v3;
	v4 =	vand.u32 $0xFFFFFFF0, v59  }
0xaa: {  	v3 =	vor.u32 v3, v4  }
0xab: {  	v4 =	vperm.xlane v3, v0;
	_ =	sdelay $0x1  }
0xac: {  	v3 =	vperm.xlane v3, v2;
	v4 =	vadd.s32 v1, v4;
	_ =	sdelay $0x1  }
0xad: {  	v3 =	vadd.s32 v1, v3;
	_ =	sdelay $0x2  }
0xae: {  	[tilespmem:s7], [sflag:$0x2] =	stream.indirect_vreg.gather [hbm4b:s3+s2], $0x80, v4, vm0, $0xb8;
	[tilespmem:$0x10100] =	vst v63  }
0xaf: {  	_ = 	snop  }
0xb0: {  	[tilespmem:s10], [sflag:$0x2] =	stream.indirect_vreg.gather [hbm4b:s3+s2], $0x80, v3, vm0, $0xb8;
	[tilespmem:$0x10100] =	vst v63  }
0xb1: {  	v3 =	vld [tilespmem:$0xC0];
	_ =	sdelay $0x4  }
0xb2: {  	v60 =	vshll.u32 v3, $0x1  }
0xb3: {  	v3 =	vand.u32 $0x7, v3;
	v4 =	vand.u32 $0xFFFFFFF0, v60  }
0xb4: {  	v3 =	vor.u32 v3, v4  }
0xb5: {  	v4 =	vperm.xlane v3, v0;
	_ =	sdelay $0x1  }
0xb6: {  	v3 =	vperm.xlane v3, v2;
	v4 =	vadd.s32 v1, v4;
	_ =	sdelay $0x1  }
0xb7: {  	v3 =	vadd.s32 v1, v3;
	_ =	sdelay $0x2  }
0xb8: {  	[tilespmem:s13], [sflag:$0x2] =	stream.indirect_vreg.gather [hbm4b:s3+s2], $0x80, v4, vm0, $0xb8;
	[tilespmem:$0x10100] =	vst v63  }
0xb9: {  	_ = 	snop  }
0xba: {  	[tilespmem:s14], [sflag:$0x2] =	stream.indirect_vreg.gather [hbm4b:s3+s2], $0x80, v3, vm0, $0xb8;
	[tilespmem:$0x10100] =	vst v63  }
0xbb: {  	v3 =	vld [tilespmem:$0xD0];
	_ =	sdelay $0x4  }
0xbc: {  	v61 =	vshll.u32 v3, $0x1  }
0xbd: {  	v3 =	vand.u32 $0x7, v3;
	v4 =	vand.u32 $0xFFFFFFF0, v61  }
0xbe: {  	v3 =	vor.u32 v3, v4  }
0xbf: {  	v4 =	vperm.xlane v3, v0;
	_ =	sdelay $0x1  }
0xc0: {  	v3 =	vperm.xlane v3, v2;
	v4 =	vadd.s32 v1, v4;
	_ =	sdelay $0x1  }
0xc1: {  	v3 =	vadd.s32 v1, v3;
	_ =	sdelay $0x2  }
0xc2: {  	[tilespmem:s15], [sflag:$0x2] =	stream.indirect_vreg.gather [hbm4b:s3+s2], $0x80, v4, vm0, $0xb8;
	[tilespmem:$0x10100] =	vst v63  }
0xc3: {  	_ = 	snop  }
0xc4: {  	[tilespmem:s16], [sflag:$0x2] =	stream.indirect_vreg.gather [hbm4b:s3+s2], $0x80, v3, vm0, $0xb8;
	[tilespmem:$0x10100] =	vst v63  }
0xc5: {  	v3 =	vld [tilespmem:$0xE0];
	_ =	sdelay $0x4  }
0xc6: {  	v62 =	vshll.u32 v3, $0x1  }
0xc7: {  	v3 =	vand.u32 $0x7, v3;
	v4 =	vand.u32 $0xFFFFFFF0, v62  }
0xc8: {  	v3 =	vor.u32 v3, v4  }
0xc9: {  	v4 =	vperm.xlane v3, v0;
	_ =	sdelay $0x1  }
0xca: {  	v3 =	vperm.xlane v3, v2;
	v4 =	vadd.s32 v1, v4;
	_ =	sdelay $0x1  }
0xcb: {  	v3 =	vadd.s32 v1, v3;
	_ =	sdelay $0x2  }
0xcc: {  	[tilespmem:s17], [sflag:$0x2] =	stream.indirect_vreg.gather [hbm4b:s3+s2], $0x80, v4, vm0, $0xb8;
	[tilespmem:$0x10100] =	vst v63  }
0xcd: {  	_ = 	snop  }
0xce: {  	[tilespmem:s18], [sflag:$0x2] =	stream.indirect_vreg.gather [hbm4b:s3+s2], $0x80, v3, vm0, $0xb8;
	[tilespmem:$0x10100] =	vst v63  }
0xcf: {  	v3 =	vld [tilespmem:$0xF0];
	_ =	sdelay $0x4  }
0xd0: {  	v63 =	vshll.u32 v3, $0x1  }
0xd1: {  	v3 =	vand.u32 $0x7, v3;
	v4 =	vand.u32 $0xFFFFFFF0, v63  }
0xd2: {  	v3 =	vor.u32 v3, v4  }
0xd3: {  	v4 =	vperm.xlane v3, v0;
	_ =	sdelay $0x1  }
0xd4: {  	v3 =	vperm.xlane v3, v2;
	v4 =	vadd.s32 v1, v4;
	_ =	sdelay $0x1  }
0xd5: {  	v3 =	vadd.s32 v1, v3;
	_ =	sdelay $0x2  }
0xd6: {  	[tilespmem:s19], [sflag:$0x2] =	stream.indirect_vreg.gather [hbm4b:s3+s2], $0x80, v4, vm0, $0xb8;
	[tilespmem:$0x10100] =	vst v63  }
0xd7: {  	_ = 	snop  }
0xd8: {  	[tilespmem:s20], [sflag:$0x2] =	stream.indirect_vreg.gather [hbm4b:s3+s2], $0x80, v3, vm0, $0xb8;
	[tilespmem:$0x10100] =	vst v63  }
0xd9: {  	_ =	swait.ge [sflag:s21], $0x8000  }
0xda: {  	p0 =	seq.s32 s25, $0xE000;
	[sflag:s21] =	ssyncset.done $0x0  }
.Ltmp4:
0xdb: {  	s26 =	sadd.s32 s25, s8;
	[sflag:s21] =	ssyncadd.s32 $0xFFFF8000;
	(pc) =	sbr.rel @p0 .LBB2_4-.Ltmp4, $4  }
0xdc: {  	[hbm4b:s26+s2] =	stream.linear.scatter [tilespmem:s12], [sflag:$0x3], $0x8000, $0x38;
	[tilespmem:$0x10100] =	vst v63  }
0xdd: {  	_ =	swait.ge [sflag:s11], $0x8000  }
0xde: {  	[sflag:s11] =	ssyncset.done $0x0  }
0xdf: {  	[sflag:s11] =	ssyncadd.s32 $0xFFFF8000  }
0xe0: {  	s26 =	sand.u32 $0x1FFFFF30, s24  }
0xe1: {  	s26 =	sadd.s32 s4, s26  }
0xe2: {  	[tilespmem:s2], [sflag:$0x3] =	stream.linear.gather [hbm4b:s26+s2], $0x80, $0x38;
	[tilespmem:$0x10100] =	vst v63  }
0xe3: {  	_ =	swait.ge [sflag:s11], $0x80  }
0xe4: {  	[sflag:s11] =	ssyncset.done $0x0  }
0xe5: {  	[sflag:s11] =	ssyncadd.s32 $0xFFFFFF80  }
0xe6: {  	v3 =	vld [tilespmem:$0x0];
	_ =	sdelay $0x4  }
0xe7: {  	v4 =	vshll.u32 v3, $0x1  }
0xe8: {  	v3 =	vand.u32 $0x7, v3;
	v4 =	vand.u32 $0xFFFFFFF0, v4  }
0xe9: {  	v3 =	vor.u32 v3, v4  }
0xea: {  	v4 =	vperm.xlane v3, v0;
	_ =	sdelay $0x1  }
0xeb: {  	v3 =	vperm.xlane v3, v2;
	v4 =	vadd.s32 v1, v4;
	_ =	sdelay $0x1  }
0xec: {  	v3 =	vadd.s32 v1, v3;
	_ =	sdelay $0x2  }
0xed: {  	[tilespmem:s12], [sflag:$0x1] =	stream.indirect_vreg.gather [hbm4b:s3+s2], $0x80, v4, vm0, $0xb8;
	[tilespmem:$0x10100] =	vst v63  }
0xee: {  	s26 =	simm.s32 $0x900  }
0xef: {  	[tilespmem:s26], [sflag:$0x1] =	stream.indirect_vreg.gather [hbm4b:s3+s2], $0x80, v3, vm0, $0xb8;
	[tilespmem:$0x10100] =	vst v63  }
0xf0: {  	v3 =	vld [tilespmem:$0x10];
	_ =	sdelay $0x4  }
0xf1: {  	v57 =	vshll.u32 v3, $0x1  }
0xf2: {  	v3 =	vand.u32 $0x7, v3;
	v4 =	vand.u32 $0xFFFFFFF0, v57  }
0xf3: {  	v3 =	vor.u32 v3, v4  }
0xf4: {  	v4 =	vperm.xlane v3, v0;
	_ =	sdelay $0x1  }
0xf5: {  	v3 =	vperm.xlane v3, v2;
	v4 =	vadd.s32 v1, v4;
	_ =	sdelay $0x1  }
0xf6: {  	v3 =	vadd.s32 v1, v3;
	_ =	sdelay $0x1  }
0xf7: {  	s26 =	simm.s32 $0x1100  }
0xf8: {  	[tilespmem:s26], [sflag:$0x1] =	stream.indirect_vreg.gather [hbm4b:s3+s2], $0x80, v4, vm0, $0xb8;
	[tilespmem:$0x10100] =	vst v63  }
0xf9: {  	s26 =	simm.s32 $0x1900  }
0xfa: {  	[tilespmem:s26], [sflag:$0x1] =	stream.indirect_vreg.gather [hbm4b:s3+s2], $0x80, v3, vm0, $0xb8;
	[tilespmem:$0x10100] =	vst v63  }
0xfb: {  	v3 =	vld [tilespmem:$0x20];
	_ =	sdelay $0x4  }
0xfc: {  	v58 =	vshll.u32 v3, $0x1  }
0xfd: {  	v3 =	vand.u32 $0x7, v3;
	v4 =	vand.u32 $0xFFFFFFF0, v58  }
0xfe: {  	v3 =	vor.u32 v3, v4  }
0xff: {  	v4 =	vperm.xlane v3, v0;
	_ =	sdelay $0x1  }
0x100: {  	v3 =	vperm.xlane v3, v2;
	v4 =	vadd.s32 v1, v4;
	_ =	sdelay $0x1  }
0x101: {  	v3 =	vadd.s32 v1, v3;
	_ =	sdelay $0x1  }
0x102: {  	s26 =	simm.s32 $0x2100  }
0x103: {  	[tilespmem:s26], [sflag:$0x1] =	stream.indirect_vreg.gather [hbm4b:s3+s2], $0x80, v4, vm0, $0xb8;
	[tilespmem:$0x10100] =	vst v63  }
0x104: {  	s26 =	simm.s32 $0x2900  }
0x105: {  	[tilespmem:s26], [sflag:$0x1] =	stream.indirect_vreg.gather [hbm4b:s3+s2], $0x80, v3, vm0, $0xb8;
	[tilespmem:$0x10100] =	vst v63  }
0x106: {  	v3 =	vld [tilespmem:$0x30];
	_ =	sdelay $0x4  }
0x107: {  	v59 =	vshll.u32 v3, $0x1  }
0x108: {  	v3 =	vand.u32 $0x7, v3;
	v4 =	vand.u32 $0xFFFFFFF0, v59  }
0x109: {  	v3 =	vor.u32 v3, v4  }
0x10a: {  	v4 =	vperm.xlane v3, v0;
	_ =	sdelay $0x1  }
0x10b: {  	v3 =	vperm.xlane v3, v2;
	v4 =	vadd.s32 v1, v4;
	_ =	sdelay $0x1  }
0x10c: {  	v3 =	vadd.s32 v1, v3;
	_ =	sdelay $0x1  }
0x10d: {  	s26 =	simm.s32 $0x3100  }
0x10e: {  	[tilespmem:s26], [sflag:$0x1] =	stream.indirect_vreg.gather [hbm4b:s3+s2], $0x80, v4, vm0, $0xb8;
	[tilespmem:$0x10100] =	vst v63  }
0x10f: {  	s26 =	simm.s32 $0x3900  }
0x110: {  	[tilespmem:s26], [sflag:$0x1] =	stream.indirect_vreg.gather [hbm4b:s3+s2], $0x80, v3, vm0, $0xb8;
	[tilespmem:$0x10100] =	vst v63  }
0x111: {  	v3 =	vld [tilespmem:$0x40];
	_ =	sdelay $0x4  }
0x112: {  	v60 =	vshll.u32 v3, $0x1  }
0x113: {  	v3 =	vand.u32 $0x7, v3;
	v4 =	vand.u32 $0xFFFFFFF0, v60  }
0x114: {  	v3 =	vor.u32 v3, v4  }
0x115: {  	v4 =	vperm.xlane v3, v0;
	_ =	sdelay $0x1  }
0x116: {  	v3 =	vperm.xlane v3, v2;
	v4 =	vadd.s32 v1, v4;
	_ =	sdelay $0x1  }
0x117: {  	v3 =	vadd.s32 v1, v3;
	_ =	sdelay $0x1  }
0x118: {  	s26 =	simm.s32 $0x4100  }
0x119: {  	[tilespmem:s26], [sflag:$0x1] =	stream.indirect_vreg.gather [hbm4b:s3+s2], $0x80, v4, vm0, $0xb8;
	[tilespmem:$0x10100] =	vst v63  }
0x11a: {  	s26 =	simm.s32 $0x4900  }
0x11b: {  	[tilespmem:s26], [sflag:$0x1] =	stream.indirect_vreg.gather [hbm4b:s3+s2], $0x80, v3, vm0, $0xb8;
	[tilespmem:$0x10100] =	vst v63  }
0x11c: {  	v3 =	vld [tilespmem:$0x50];
	_ =	sdelay $0x4  }
0x11d: {  	v61 =	vshll.u32 v3, $0x1  }
0x11e: {  	v3 =	vand.u32 $0x7, v3;
	v4 =	vand.u32 $0xFFFFFFF0, v61  }
0x11f: {  	v3 =	vor.u32 v3, v4  }
0x120: {  	v4 =	vperm.xlane v3, v0;
	_ =	sdelay $0x1  }
0x121: {  	v3 =	vperm.xlane v3, v2;
	v4 =	vadd.s32 v1, v4;
	_ =	sdelay $0x1  }
0x122: {  	v3 =	vadd.s32 v1, v3;
	_ =	sdelay $0x1  }
0x123: {  	s26 =	simm.s32 $0x5100  }
0x124: {  	[tilespmem:s26], [sflag:$0x1] =	stream.indirect_vreg.gather [hbm4b:s3+s2], $0x80, v4, vm0, $0xb8;
	[tilespmem:$0x10100] =	vst v63  }
0x125: {  	s26 =	simm.s32 $0x5900  }
0x126: {  	[tilespmem:s26], [sflag:$0x1] =	stream.indirect_vreg.gather [hbm4b:s3+s2], $0x80, v3, vm0, $0xb8;
	[tilespmem:$0x10100] =	vst v63  }
0x127: {  	v3 =	vld [tilespmem:$0x60];
	_ =	sdelay $0x4  }
0x128: {  	v62 =	vshll.u32 v3, $0x1  }
0x129: {  	v3 =	vand.u32 $0x7, v3;
	v4 =	vand.u32 $0xFFFFFFF0, v62  }
0x12a: {  	v3 =	vor.u32 v3, v4  }
0x12b: {  	v4 =	vperm.xlane v3, v0;
	_ =	sdelay $0x1  }
0x12c: {  	v3 =	vperm.xlane v3, v2;
	v4 =	vadd.s32 v1, v4;
	_ =	sdelay $0x1  }
0x12d: {  	v3 =	vadd.s32 v1, v3;
	_ =	sdelay $0x1  }
0x12e: {  	s26 =	simm.s32 $0x6100  }
0x12f: {  	[tilespmem:s26], [sflag:$0x1] =	stream.indirect_vreg.gather [hbm4b:s3+s2], $0x80, v4, vm0, $0xb8;
	[tilespmem:$0x10100] =	vst v63  }
0x130: {  	s26 =	simm.s32 $0x6900  }
0x131: {  	[tilespmem:s26], [sflag:$0x1] =	stream.indirect_vreg.gather [hbm4b:s3+s2], $0x80, v3, vm0, $0xb8;
	[tilespmem:$0x10100] =	vst v63  }
0x132: {  	v3 =	vld [tilespmem:$0x70];
	_ =	sdelay $0x4  }
0x133: {  	v63 =	vshll.u32 v3, $0x1  }
0x134: {  	v3 =	vand.u32 $0x7, v3;
	v4 =	vand.u32 $0xFFFFFFF0, v63  }
0x135: {  	v3 =	vor.u32 v3, v4  }
0x136: {  	v4 =	vperm.xlane v3, v0;
	_ =	sdelay $0x1  }
0x137: {  	v3 =	vperm.xlane v3, v2;
	v4 =	vadd.s32 v1, v4;
	_ =	sdelay $0x1  }
0x138: {  	v3 =	vadd.s32 v1, v3  }
.Ltmp5:
0x139: {  	_ = 	snop;
	(pc) =	sbr.rel .LBB2_4-.Ltmp5, $4  }
0x13a: {  	s26 =	simm.s32 $0x7100  }
0x13b: {  	[tilespmem:s26], [sflag:$0x1] =	stream.indirect_vreg.gather [hbm4b:s3+s2], $0x80, v4, vm0, $0xb8;
	[tilespmem:$0x10100] =	vst v63  }
0x13c: {  	_ = 	snop  }
0x13d: {  	[tilespmem:s28], [sflag:$0x1] =	stream.indirect_vreg.gather [hbm4b:s3+s2], $0x80, v3, vm0, $0xb8;
	[tilespmem:$0x10100] =	vst v63  }
.LBB2_6:
0x13e: {  	_ =	sfence.sel $0x180000  }
0x13f: {  	[bflag:$0x0] =	sbarrier.arrive $0xFFFF  }
0x140: {  	_ =	strace $0x90000047  }
0x141: {  	s0 =	stileid.u32;
	[bflag:$0x2] =	sbarrier.arrive $0xFFFF  }
0x142: {  	p0 =	sne.s32 s0, $0x0;
	s0 =	rddreg [dreg:$0x1]  }
0x143: {  	s0 =	sadd.s32 @!p0 $0x100000, s0  }
0x144: {  	[sflag:s0] =	ssyncadd.tile.s32 @!p0 $0x1;
	_ =	shalt  }
.Lfunc_end2:
_tile_overlayer_lowered:
.L_overlay_start_2:
0x145: {  	(tag) =	ssettag $0x2  }
0x146: {  	s0 =	rddreg [dreg:$0x0];
	s2 =	stileid.u32  }
0x147: {  	s1 =	rddreg [dreg:$0x1];
	p0 =	sne.s32 s2, $0x0  }
0x148: {  	s3 =	rddreg [dreg:$0x2];
	[bflag:$0x3] =	sbarrier.arrive $0xFFFF;
	s2 =	simm.s32 @!p0 $0x1C03  }
0x149: {  	[timem:s3], [sflag:s2] =	dma.local @!p0 [hbm:s0], s1  }
0x14a: {  	s0 =	simm.s32 @!p0 $0x3  }
0x14b: {  	_ =	swait.ge @!p0 [sflag:s0], s1  }
0x14c: {  	s1 =	ssub.s32 @!p0 $0x0, s1;
	[sflag:s0] =	ssyncset.done @!p0 $0x0  }
0x14d: {  	[sflag:s0] =	ssyncadd.s32 @!p0 s1  }
0x14e: {  	[bflag:$0x3] =	sbarrier.arrive $0xFFFF  }
0x14f: {  	_ =	shalt  }

</sc_bundles>
